<compile_context>
chip_gen: v7x
topology: tpu7x:2x2x1
jax: 0.10.2.dev20260603
libtpu: 0.0.44.dev20260713+nightly
codegen_flags: <defaults>
</compile_context>

<pallas_src>
import functools

import jax
import jax.numpy as jnp
from jax import lax
from jax.experimental import pallas as pl
from jax.experimental.pallas import tpu as pltpu
from jax.experimental.pallas import tpu_sc as plsc

B = 16384
D = 1024
MAXH = 128
MAXW = 128
NC = 2
NS = 16
NW = NC * NS
RPW = B // NW
CH = 32
NCH = RPW // CH
NBUF = 4
LANES = 16

_MESH = plsc.VectorSubcoreMesh(core_axis_name="c", subcore_axis_name="s")


def _ring_copy(table_hbm, out_hbm, base, bufs, gsems, osems,
               idx_for=None, nch=NCH):
    nbuf = len(bufs)
    gathers = [None] * nbuf
    out_pending = [None] * nbuf

    def start_gather(c):
        b = c % nbuf
        if idx_for is None:
            src = table_hbm.at[pl.ds(base + c * CH, CH)]
        else:
            src = table_hbm.at[idx_for(c, b)]
        gathers[b] = pltpu.async_copy(src, bufs[b], gsems[b])

    for c in range(nbuf - 1):
        start_gather(c)
    for c in range(nch):
        b = c % nbuf
        gathers[b].wait()
        out_pending[b] = pltpu.async_copy(
            bufs[b], out_hbm.at[pl.ds(base + c * CH, CH)], osems[b])
        n = c + nbuf - 1
        if n < nch:
            bn = n % nbuf
            if out_pending[bn] is not None:
                out_pending[bn].wait()
                out_pending[bn] = None
            start_gather(n)
    for b in range(nbuf):
        if out_pending[b] is not None:
            out_pending[b].wait()


@functools.partial(
    pl.kernel,
    out_type=jax.ShapeDtypeStruct((B, D), jnp.float32),
    mesh=_MESH,
    scratch_types=(
        [pltpu.VMEM_SHARED((NS, 2, CH, D), jnp.float32)]
        + [pltpu.VMEM((CH, D), jnp.float32) for _ in range(2)]
        + [pltpu.SemaphoreType.DMA for _ in range(2 * NBUF)]
    ),
)
def _pos_copy(table_hbm, out_hbm, shared, tbuf0, tbuf1,
              g0, g1, g2, g3, o0, o1, o2, o3):
    sid = lax.axis_index("s")
    wid = sid * NC + lax.axis_index("c")
    base = wid * RPW
    bufs = (shared.at[sid, 0], tbuf0, shared.at[sid, 1], tbuf1)
    _ring_copy(table_hbm, out_hbm, base, bufs,
               (g0, g1, g2, g3), (o0, o1, o2, o3))


@functools.partial(
    pl.kernel,
    out_type=jax.ShapeDtypeStruct((B, D), jnp.float32),
    mesh=_MESH,
    scratch_types=(
        [pltpu.VMEM((CH,), jnp.int32) for _ in range(3)]
        + [pltpu.VMEM((LANES,), jnp.int32),
           pltpu.VMEM((LANES,), jnp.int32)]
        + [pltpu.VMEM((CH, D), jnp.float32) for _ in range(3)]
        + [pltpu.SemaphoreType.DMA for _ in range(6)]
    ),
)
def _pos_gather(hmax_hbm, wmax_hbm, table_hbm, out_hbm,
                idx0, idx1, idx2, hv_v, wv_v,
                tbuf0, tbuf1, tbuf2,
                g0, g1, g2, o0, o1, o2):
    wid = lax.axis_index("s") * NC + lax.axis_index("c")
    base = wid * RPW

    pltpu.sync_copy(hmax_hbm, hv_v)
    pltpu.sync_copy(wmax_hbm, wv_v)
    hmax = hv_v[...]
    wmax = wv_v[...]

    lane = lax.iota(jnp.int32, LANES)
    idxs = (idx0, idx1, idx2)

    def idx_for(c, b):
        for i in range(CH // LANES):
            p = lane + (base + c * CH + i * LANES)
            row = lax.shift_right_logical(p, 7)
            col = lax.bitwise_and(p, MAXW - 1)
            valid = (row < hmax) & (col < wmax)
            idxs[b][pl.ds(i * LANES, LANES)] = jnp.where(valid, p, 0)
        return idxs[b]

    _ring_copy(table_hbm, out_hbm, base, (tbuf0, tbuf1, tbuf2),
               (g0, g1, g2), (o0, o1, o2), idx_for=idx_for)


def kernel(grid_size, pos_embed_table):
    table = pos_embed_table.reshape(B, D)
    gs = grid_size.astype(jnp.int32)
    full = (gs[0] >= MAXH) & (gs[1] >= MAXW)
    hmax = jnp.broadcast_to(gs[0], (LANES,))
    wmax = jnp.broadcast_to(gs[1], (LANES,))
    out = lax.cond(
        full,
        lambda h, w, t: _pos_copy(t),
        lambda h, w, t: _pos_gather(h, w, t),
        hmax, wmax, table)
    return out.reshape(1, B, D)

# --- scband reference (transcript-rebuilt; emitter-appended) ---
"""Pipeline reference for scband-pos-embed-76562087018838 (READ-ONLY COPY).

The authoritative reference and input builder live on the scoring server;
editing this copy changes nothing except your own understanding.
"""

import itertools
import jax, jax.numpy as jnp
import numpy as np

PATCH_SIZE = 16
HIDDEN_SIZE = 1024
MAX_GRID = (128, 128)


def get_1d_sincos_pos_embed_from_grid(embed_dim, pos):
    assert embed_dim % 2 == 0
    omega = np.arange(embed_dim // 2, dtype=np.float64)
    omega /= embed_dim / 2.0
    omega = 1.0 / 10000 ** omega
    pos = pos.reshape(-1)
    out = np.einsum('m,d->md', pos, omega)
    emb_sin = np.sin(out)
    emb_cos = np.cos(out)
    return np.concatenate([emb_sin, emb_cos], axis=1)


def get_2d_sincos_pos_embed_from_grid(embed_dim, grid):
    assert embed_dim % 2 == 0
    emb_h = get_1d_sincos_pos_embed_from_grid(embed_dim // 2, grid[0])
    emb_w = get_1d_sincos_pos_embed_from_grid(embed_dim // 2, grid[1])
    return np.concatenate([emb_h, emb_w], axis=1)


def get_2d_sincos_pos_embed(embed_dim, grid_size):
    grid_h = np.arange(grid_size[0], dtype=np.float32)
    grid_w = np.arange(grid_size[1], dtype=np.float32)
    grid = np.meshgrid(grid_w, grid_h)
    grid = np.stack(grid, axis=0)
    grid = grid.reshape([2, 1, grid_size[0], grid_size[1]])
    return get_2d_sincos_pos_embed_from_grid(embed_dim, grid)


def setup_inputs(seed: int = 0) -> dict:
    key = jax.random.key(seed)
    pos = get_2d_sincos_pos_embed(HIDDEN_SIZE, MAX_GRID)
    pos_embed_table = jnp.asarray(pos, dtype=jnp.float32)[None, :, :]  # (1, 16384, 1024)
    grid_size = jnp.array([128, 128], dtype=jnp.int32)
    return {"grid_size": grid_size, "pos_embed_table": pos_embed_table}


def reference(grid_size, pos_embed_table):
    max_H, max_W = MAX_GRID
    w = jnp.arange(max_H, dtype=jnp.int32)[:, None]
    h = jnp.arange(max_W, dtype=jnp.int32)[None, :]
    valid = (w < grid_size[0]) & (h < grid_size[1])
    index = jnp.where(valid, h + w * max_H, 0).reshape(-1)
    return jnp.take(pos_embed_table, index, axis=1)

if __name__ == "__main__":
    import jax
    _d = setup_inputs()
    print(jax.jit(kernel)(*tuple(_d.values())))

</pallas_src>

<mosaic_0001>
#map = affine_map<(d0, d1) -> (0, 0)>
module attributes {stable_mosaic.version = 14 : i64} {
  func.func @_pos_copy(%arg0: i32, %arg1: i32, %arg2: memref<16384x1024xf32, #tpu.memory_space<hbm>>, %arg3: memref<16384x1024xf32, #tpu.memory_space<hbm>>, %arg4: memref<16x2x32x1024xf32, #tpu.memory_space<vmem_shared>>, %arg5: memref<32x1024xf32, #tpu.memory_space<vmem>>, %arg6: memref<32x1024xf32, #tpu.memory_space<vmem>>, %arg7: memref<!tpu.dma_semaphore, #tpu.memory_space<semaphore_mem>>, %arg8: memref<!tpu.dma_semaphore, #tpu.memory_space<semaphore_mem>>, %arg9: memref<!tpu.dma_semaphore, #tpu.memory_space<semaphore_mem>>, %arg10: memref<!tpu.dma_semaphore, #tpu.memory_space<semaphore_mem>>, %arg11: memref<!tpu.dma_semaphore, #tpu.memory_space<semaphore_mem>>, %arg12: memref<!tpu.dma_semaphore, #tpu.memory_space<semaphore_mem>>, %arg13: memref<!tpu.dma_semaphore, #tpu.memory_space<semaphore_mem>>, %arg14: memref<!tpu.dma_semaphore, #tpu.memory_space<semaphore_mem>>) attributes {dimension_semantics = [#tpu.dimension_semantics<core_parallel>, #tpu.dimension_semantics<subcore_parallel>], iteration_bounds = array<i64: 2, 16>, scalar_prefetch = 0 : i64, scratch_operands = 11 : i64, tpu.core_type = #tpu.core_type<sc_vector_subcore>, window_params = [{transform_indices = #map}, {transform_indices = #map}]} {
    %mul3A = arith.constant 2 : i32
    %mul3A_0 = arith.muli %arg1, %mul3A : i32
    %add3A = arith.addi %mul3A_0, %arg0 : i32
    %mul3A_1 = arith.constant 512 : i32
    %mul3A_2 = arith.muli %add3A, %mul3A_1 : i32
    %add3A_3 = arith.constant 0 : i32
    %add3A_4 = arith.addi %mul3A_2, %add3A_3 : i32
    %dma_start3A = arith.constant 0 : i32
    %dma_start3A_5 = arith.constant 0 : i32
    %dma_start3A_6 = arith.constant 0 : i32
    %dma_start3A_7 = tpu.memref_slice %arg4[%arg1, %dma_start3A, %dma_start3A_5, %dma_start3A_6] : memref<16x2x32x1024xf32, #tpu.memory_space<vmem_shared>> -> memref<1x1x32x1024xf32, #tpu.memory_space<vmem_shared>>
    %dma_start3A_8 = tpu.memref_squeeze %dma_start3A_7 : memref<1x1x32x1024xf32, #tpu.memory_space<vmem_shared>> -> memref<32x1024xf32, #tpu.memory_space<vmem_shared>>
    %dma_start3A_9 = arith.constant 0 : i32
    %dma_start3A_10 = tpu.memref_slice %arg2[%add3A_4, %dma_start3A_9] : memref<16384x1024xf32, #tpu.memory_space<hbm>> -> memref<32x1024xf32, #tpu.memory_space<hbm>>
    tpu.enqueue_dma source(%dma_start3A_10 : memref<32x1024xf32, #tpu.memory_space<hbm>>) target(%dma_start3A_8 : memref<32x1024xf32, #tpu.memory_space<vmem_shared>>) target_semaphore(%arg7 : memref<!tpu.dma_semaphore, #tpu.memory_space<semaphore_mem>>)
    %add3A_11 = arith.constant 32 : i32
    %add3A_12 = arith.addi %mul3A_2, %add3A_11 : i32
    %dma_start3A_13 = arith.constant 0 : i32
    %dma_start3A_14 = tpu.memref_slice %arg2[%add3A_12, %dma_start3A_13] : memref<16384x1024xf32, #tpu.memory_space<hbm>> -> memref<32x1024xf32, #tpu.memory_space<hbm>>
    %dma_start3A_15 = arith.constant 0 : i32
    %dma_start3A_16 = tpu.memref_slice %arg2[%add3A_12, %dma_start3A_15] : memref<16384x1024xf32, #tpu.memory_space<hbm>> -> memref<32x1024xf32, #tpu.memory_space<hbm>>
    tpu.enqueue_dma source(%dma_start3A_16 : memref<32x1024xf32, #tpu.memory_space<hbm>>) target(%arg5 : memref<32x1024xf32, #tpu.memory_space<vmem>>) target_semaphore(%arg8 : memref<!tpu.dma_semaphore, #tpu.memory_space<semaphore_mem>>)
    %add3A_17 = arith.constant 64 : i32
    %add3A_18 = arith.addi %mul3A_2, %add3A_17 : i32
    %dma_start3A_19 = arith.constant 1 : i32
    %dma_start3A_20 = arith.constant 0 : i32
    %dma_start3A_21 = arith.constant 0 : i32
    %dma_start3A_22 = tpu.memref_slice %arg4[%arg1, %dma_start3A_19, %dma_start3A_20, %dma_start3A_21] : memref<16x2x32x1024xf32, #tpu.memory_space<vmem_shared>> -> memref<1x1x32x1024xf32, #tpu.memory_space<vmem_shared>>
    %dma_start3A_23 = tpu.memref_squeeze %dma_start3A_22 : memref<1x1x32x1024xf32, #tpu.memory_space<vmem_shared>> -> memref<32x1024xf32, #tpu.memory_space<vmem_shared>>
    %dma_start3A_24 = arith.constant 0 : i32
    %dma_start3A_25 = tpu.memref_slice %arg2[%add3A_18, %dma_start3A_24] : memref<16384x1024xf32, #tpu.memory_space<hbm>> -> memref<32x1024xf32, #tpu.memory_space<hbm>>
    tpu.enqueue_dma source(%dma_start3A_25 : memref<32x1024xf32, #tpu.memory_space<hbm>>) target(%dma_start3A_23 : memref<32x1024xf32, #tpu.memory_space<vmem_shared>>) target_semaphore(%arg9 : memref<!tpu.dma_semaphore, #tpu.memory_space<semaphore_mem>>)
    %dma_wait3A = arith.constant 0 : i32
    %dma_wait3A_26 = arith.constant 0 : i32
    %dma_wait3A_27 = arith.constant 0 : i32
    %dma_wait3A_28 = tpu.memref_slice %arg4[%arg1, %dma_wait3A, %dma_wait3A_26, %dma_wait3A_27] : memref<16x2x32x1024xf32, #tpu.memory_space<vmem_shared>> -> memref<1x1x32x1024xf32, #tpu.memory_space<vmem_shared>>
    %dma_wait3A_29 = tpu.memref_squeeze %dma_wait3A_28 : memref<1x1x32x1024xf32, #tpu.memory_space<vmem_shared>> -> memref<32x1024xf32, #tpu.memory_space<vmem_shared>>
    %dma_wait3A_30 = arith.constant 0 : i32
    %dma_wait3A_31 = tpu.memref_slice %arg2[%add3A_4, %dma_wait3A_30] : memref<16384x1024xf32, #tpu.memory_space<hbm>> -> memref<32x1024xf32, #tpu.memory_space<hbm>>
    tpu.wait_dma2 semaphore(%arg7 : memref<!tpu.dma_semaphore, #tpu.memory_space<semaphore_mem>>) src(%dma_wait3A_31 : memref<32x1024xf32, #tpu.memory_space<hbm>>) dst(%dma_wait3A_29 : memref<32x1024xf32, #tpu.memory_space<vmem_shared>>)
    %add3A_32 = arith.constant 0 : i32
    %add3A_33 = arith.addi %mul3A_2, %add3A_32 : i32
    %dma_start3A_34 = arith.constant 0 : i32
    %dma_start3A_35 = arith.constant 0 : i32
    %dma_start3A_36 = tpu.memref_slice %arg3[%add3A_33, %dma_start3A_35] : memref<16384x1024xf32, #tpu.memory_space<hbm>> -> memref<32x1024xf32, #tpu.memory_space<hbm>>
    %dma_start3A_37 = arith.constant 0 : i32
    %dma_start3A_38 = arith.constant 0 : i32
    %dma_start3A_39 = tpu.memref_slice %arg4[%arg1, %dma_start3A_34, %dma_start3A_37, %dma_start3A_38] : memref<16x2x32x1024xf32, #tpu.memory_space<vmem_shared>> -> memref<1x1x32x1024xf32, #tpu.memory_space<vmem_shared>>
    %dma_start3A_40 = tpu.memref_squeeze %dma_start3A_39 : memref<1x1x32x1024xf32, #tpu.memory_space<vmem_shared>> -> memref<32x1024xf32, #tpu.memory_space<vmem_shared>>
    tpu.enqueue_dma source(%dma_start3A_40 : memref<32x1024xf32, #tpu.memory_space<vmem_shared>>) target(%dma_start3A_36 : memref<32x1024xf32, #tpu.memory_space<hbm>>) target_semaphore(%arg11 : memref<!tpu.dma_semaphore, #tpu.memory_space<semaphore_mem>>)
    %add3A_41 = arith.constant 96 : i32
    %add3A_42 = arith.addi %mul3A_2, %add3A_41 : i32
    %dma_start3A_43 = arith.constant 0 : i32
    %dma_start3A_44 = tpu.memref_slice %arg2[%add3A_42, %dma_start3A_43] : memref<16384x1024xf32, #tpu.memory_space<hbm>> -> memref<32x1024xf32, #tpu.memory_space<hbm>>
    %dma_start3A_45 = arith.constant 0 : i32
    %dma_start3A_46 = tpu.memref_slice %arg2[%add3A_42, %dma_start3A_45] : memref<16384x1024xf32, #tpu.memory_space<hbm>> -> memref<32x1024xf32, #tpu.memory_space<hbm>>
    tpu.enqueue_dma source(%dma_start3A_46 : memref<32x1024xf32, #tpu.memory_space<hbm>>) target(%arg6 : memref<32x1024xf32, #tpu.memory_space<vmem>>) target_semaphore(%arg10 : memref<!tpu.dma_semaphore, #tpu.memory_space<semaphore_mem>>)
    %dma_wait3A_47 = arith.constant 0 : i32
    %dma_wait3A_48 = tpu.memref_slice %arg2[%add3A_12, %dma_wait3A_47] : memref<16384x1024xf32, #tpu.memory_space<hbm>> -> memref<32x1024xf32, #tpu.memory_space<hbm>>
    %dma_wait3A_49 = arith.constant 0 : i32
    %dma_wait3A_50 = tpu.memref_slice %arg2[%add3A_12, %dma_wait3A_49] : memref<16384x1024xf32, #tpu.memory_space<hbm>> -> memref<32x1024xf32, #tpu.memory_space<hbm>>
    tpu.wait_dma2 semaphore(%arg8 : memref<!tpu.dma_semaphore, #tpu.memory_space<semaphore_mem>>) src(%dma_wait3A_50 : memref<32x1024xf32, #tpu.memory_space<hbm>>) dst(%arg5 : memref<32x1024xf32, #tpu.memory_space<vmem>>)
    %add3A_51 = arith.constant 32 : i32
    %add3A_52 = arith.addi %mul3A_2, %add3A_51 : i32
    %dma_start3A_53 = arith.constant 0 : i32
    %dma_start3A_54 = tpu.memref_slice %arg3[%add3A_52, %dma_start3A_53] : memref<16384x1024xf32, #tpu.memory_space<hbm>> -> memref<32x1024xf32, #tpu.memory_space<hbm>>
    %dma_start3A_55 = arith.constant 0 : i32
    %dma_start3A_56 = tpu.memref_slice %arg3[%add3A_52, %dma_start3A_55] : memref<16384x1024xf32, #tpu.memory_space<hbm>> -> memref<32x1024xf32, #tpu.memory_space<hbm>>
    tpu.enqueue_dma source(%arg5 : memref<32x1024xf32, #tpu.memory_space<vmem>>) target(%dma_start3A_56 : memref<32x1024xf32, #tpu.memory_space<hbm>>) target_semaphore(%arg12 : memref<!tpu.dma_semaphore, #tpu.memory_space<semaphore_mem>>)
    %dma_wait3A_57 = arith.constant 0 : i32
    %dma_wait3A_58 = arith.constant 0 : i32
    %dma_wait3A_59 = tpu.memref_slice %arg3[%add3A_33, %dma_wait3A_58] : memref<16384x1024xf32, #tpu.memory_space<hbm>> -> memref<32x1024xf32, #tpu.memory_space<hbm>>
    %dma_wait3A_60 = arith.constant 0 : i32
    %dma_wait3A_61 = arith.constant 0 : i32
    %dma_wait3A_62 = tpu.memref_slice %arg4[%arg1, %dma_wait3A_57, %dma_wait3A_60, %dma_wait3A_61] : memref<16x2x32x1024xf32, #tpu.memory_space<vmem_shared>> -> memref<1x1x32x1024xf32, #tpu.memory_space<vmem_shared>>
    %dma_wait3A_63 = tpu.memref_squeeze %dma_wait3A_62 : memref<1x1x32x1024xf32, #tpu.memory_space<vmem_shared>> -> memref<32x1024xf32, #tpu.memory_space<vmem_shared>>
    tpu.wait_dma2 semaphore(%arg11 : memref<!tpu.dma_semaphore, #tpu.memory_space<semaphore_mem>>) src(%dma_wait3A_63 : memref<32x1024xf32, #tpu.memory_space<vmem_shared>>) dst(%dma_wait3A_59 : memref<32x1024xf32, #tpu.memory_space<hbm>>)
    %add3A_64 = arith.constant 128 : i32
    %add3A_65 = arith.addi %mul3A_2, %add3A_64 : i32
    %dma_start3A_66 = arith.constant 0 : i32
    %dma_start3A_67 = arith.constant 0 : i32
    %dma_start3A_68 = arith.constant 0 : i32
    %dma_start3A_69 = tpu.memref_slice %arg4[%arg1, %dma_start3A_66, %dma_start3A_67, %dma_start3A_68] : memref<16x2x32x1024xf32, #tpu.memory_space<vmem_shared>> -> memref<1x1x32x1024xf32, #tpu.memory_space<vmem_shared>>
    %dma_start3A_70 = tpu.memref_squeeze %dma_start3A_69 : memref<1x1x32x1024xf32, #tpu.memory_space<vmem_shared>> -> memref<32x1024xf32, #tpu.memory_space<vmem_shared>>
    %dma_start3A_71 = arith.constant 0 : i32
    %dma_start3A_72 = tpu.memref_slice %arg2[%add3A_65, %dma_start3A_71] : memref<16384x1024xf32, #tpu.memory_space<hbm>> -> memref<32x1024xf32, #tpu.memory_space<hbm>>
    tpu.enqueue_dma source(%dma_start3A_72 : memref<32x1024xf32, #tpu.memory_space<hbm>>) target(%dma_start3A_70 : memref<32x1024xf32, #tpu.memory_space<vmem_shared>>) target_semaphore(%arg7 : memref<!tpu.dma_semaphore, #tpu.memory_space<semaphore_mem>>)
    %dma_wait3A_73 = arith.constant 1 : i32
    %dma_wait3A_74 = arith.constant 0 : i32
    %dma_wait3A_75 = arith.constant 0 : i32
    %dma_wait3A_76 = tpu.memref_slice %arg4[%arg1, %dma_wait3A_73, %dma_wait3A_74, %dma_wait3A_75] : memref<16x2x32x1024xf32, #tpu.memory_space<vmem_shared>> -> memref<1x1x32x1024xf32, #tpu.memory_space<vmem_shared>>
    %dma_wait3A_77 = tpu.memref_squeeze %dma_wait3A_76 : memref<1x1x32x1024xf32, #tpu.memory_space<vmem_shared>> -> memref<32x1024xf32, #tpu.memory_space<vmem_shared>>
    %dma_wait3A_78 = arith.constant 0 : i32
    %dma_wait3A_79 = tpu.memref_slice %arg2[%add3A_18, %dma_wait3A_78] : memref<16384x1024xf32, #tpu.memory_space<hbm>> -> memref<32x1024xf32, #tpu.memory_space<hbm>>
    tpu.wait_dma2 semaphore(%arg9 : memref<!tpu.dma_semaphore, #tpu.memory_space<semaphore_mem>>) src(%dma_wait3A_79 : memref<32x1024xf32, #tpu.memory_space<hbm>>) dst(%dma_wait3A_77 : memref<32x1024xf32, #tpu.memory_space<vmem_shared>>)
    %add3A_80 = arith.constant 64 : i32
    %add3A_81 = arith.addi %mul3A_2, %add3A_80 : i32
    %dma_start3A_82 = arith.constant 1 : i32
    %dma_start3A_83 = arith.constant 0 : i32
    %dma_start3A_84 = tpu.memref_slice %arg3[%add3A_81, %dma_start3A_83] : memref<16384x1024xf32, #tpu.memory_space<hbm>> -> memref<32x1024xf32, #tpu.memory_space<hbm>>
    %dma_start3A_85 = arith.constant 0 : i32
    %dma_start3A_86 = arith.constant 0 : i32
    %dma_start3A_87 = tpu.memref_slice %arg4[%arg1, %dma_start3A_82, %dma_start3A_85, %dma_start3A_86] : memref<16x2x32x1024xf32, #tpu.memory_space<vmem_shared>> -> memref<1x1x32x1024xf32, #tpu.memory_space<vmem_shared>>
    %dma_start3A_88 = tpu.memref_squeeze %dma_start3A_87 : memref<1x1x32x1024xf32, #tpu.memory_space<vmem_shared>> -> memref<32x1024xf32, #tpu.memory_space<vmem_shared>>
    tpu.enqueue_dma source(%dma_start3A_88 : memref<32x1024xf32, #tpu.memory_space<vmem_shared>>) target(%dma_start3A_84 : memref<32x1024xf32, #tpu.memory_space<hbm>>) target_semaphore(%arg13 : memref<!tpu.dma_semaphore, #tpu.memory_space<semaphore_mem>>)
    %dma_wait3A_89 = arith.constant 0 : i32
    %dma_wait3A_90 = tpu.memref_slice %arg3[%add3A_52, %dma_wait3A_89] : memref<16384x1024xf32, #tpu.memory_space<hbm>> -> memref<32x1024xf32, #tpu.memory_space<hbm>>
    %dma_wait3A_91 = arith.constant 0 : i32
    %dma_wait3A_92 = tpu.memref_slice %arg3[%add3A_52, %dma_wait3A_91] : memref<16384x1024xf32, #tpu.memory_space<hbm>> -> memref<32x1024xf32, #tpu.memory_space<hbm>>
    tpu.wait_dma2 semaphore(%arg12 : memref<!tpu.dma_semaphore, #tpu.memory_space<semaphore_mem>>) src(%arg5 : memref<32x1024xf32, #tpu.memory_space<vmem>>) dst(%dma_wait3A_92 : memref<32x1024xf32, #tpu.memory_space<hbm>>)
    %add3A_93 = arith.constant 160 : i32
    %add3A_94 = arith.addi %mul3A_2, %add3A_93 : i32
    %dma_start3A_95 = arith.constant 0 : i32
    %dma_start3A_96 = tpu.memref_slice %arg2[%add3A_94, %dma_start3A_95] : memref<16384x1024xf32, #tpu.memory_space<hbm>> -> memref<32x1024xf32, #tpu.memory_space<hbm>>
    %dma_start3A_97 = arith.constant 0 : i32
    %dma_start3A_98 = tpu.memref_slice %arg2[%add3A_94, %dma_start3A_97] : memref<16384x1024xf32, #tpu.memory_space<hbm>> -> memref<32x1024xf32, #tpu.memory_space<hbm>>
    tpu.enqueue_dma source(%dma_start3A_98 : memref<32x1024xf32, #tpu.memory_space<hbm>>) target(%arg5 : memref<32x1024xf32, #tpu.memory_space<vmem>>) target_semaphore(%arg8 : memref<!tpu.dma_semaphore, #tpu.memory_space<semaphore_mem>>)
    %dma_wait3A_99 = arith.constant 0 : i32
    %dma_wait3A_100 = tpu.memref_slice %arg2[%add3A_42, %dma_wait3A_99] : memref<16384x1024xf32, #tpu.memory_space<hbm>> -> memref<32x1024xf32, #tpu.memory_space<hbm>>
    %dma_wait3A_101 = arith.constant 0 : i32
    %dma_wait3A_102 = tpu.memref_slice %arg2[%add3A_42, %dma_wait3A_101] : memref<16384x1024xf32, #tpu.memory_space<hbm>> -> memref<32x1024xf32, #tpu.memory_space<hbm>>
    tpu.wait_dma2 semaphore(%arg10 : memref<!tpu.dma_semaphore, #tpu.memory_space<semaphore_mem>>) src(%dma_wait3A_102 : memref<32x1024xf32, #tpu.memory_space<hbm>>) dst(%arg6 : memref<32x1024xf32, #tpu.memory_space<vmem>>)
    %add3A_103 = arith.constant 96 : i32
    %add3A_104 = arith.addi %mul3A_2, %add3A_103 : i32
    %dma_start3A_105 = arith.constant 0 : i32
    %dma_start3A_106 = tpu.memref_slice %arg3[%add3A_104, %dma_start3A_105] : memref<16384x1024xf32, #tpu.memory_space<hbm>> -> memref<32x1024xf32, #tpu.memory_space<hbm>>
    %dma_start3A_107 = arith.constant 0 : i32
    %dma_start3A_108 = tpu.memref_slice %arg3[%add3A_104, %dma_start3A_107] : memref<16384x1024xf32, #tpu.memory_space<hbm>> -> memref<32x1024xf32, #tpu.memory_space<hbm>>
    tpu.enqueue_dma source(%arg6 : memref<32x1024xf32, #tpu.memory_space<vmem>>) target(%dma_start3A_108 : memref<32x1024xf32, #tpu.memory_space<hbm>>) target_semaphore(%arg14 : memref<!tpu.dma_semaphore, #tpu.memory_space<semaphore_mem>>)
    %dma_wait3A_109 = arith.constant 1 : i32
    %dma_wait3A_110 = arith.constant 0 : i32
    %dma_wait3A_111 = tpu.memref_slice %arg3[%add3A_81, %dma_wait3A_110] : memref<16384x1024xf32, #tpu.memory_space<hbm>> -> memref<32x1024xf32, #tpu.memory_space<hbm>>
    %dma_wait3A_112 = arith.constant 0 : i32
    %dma_wait3A_113 = arith.constant 0 : i32
    %dma_wait3A_114 = tpu.memref_slice %arg4[%arg1, %dma_wait3A_109, %dma_wait3A_112, %dma_wait3A_113] : memref<16x2x32x1024xf32, #tpu.memory_space<vmem_shared>> -> memref<1x1x32x1024xf32, #tpu.memory_space<vmem_shared>>
    %dma_wait3A_115 = tpu.memref_squeeze %dma_wait3A_114 : memref<1x1x32x1024xf32, #tpu.memory_space<vmem_shared>> -> memref<32x1024xf32, #tpu.memory_space<vmem_shared>>
    tpu.wait_dma2 semaphore(%arg13 : memref<!tpu.dma_semaphore, #tpu.memory_space<semaphore_mem>>) src(%dma_wait3A_115 : memref<32x1024xf32, #tpu.memory_space<vmem_shared>>) dst(%dma_wait3A_111 : memref<32x1024xf32, #tpu.memory_space<hbm>>)
    %add3A_116 = arith.constant 192 : i32
    %add3A_117 = arith.addi %mul3A_2, %add3A_116 : i32
    %dma_start3A_118 = arith.constant 1 : i32
    %dma_start3A_119 = arith.constant 0 : i32
    %dma_start3A_120 = arith.constant 0 : i32
    %dma_start3A_121 = tpu.memref_slice %arg4[%arg1, %dma_start3A_118, %dma_start3A_119, %dma_start3A_120] : memref<16x2x32x1024xf32, #tpu.memory_space<vmem_shared>> -> memref<1x1x32x1024xf32, #tpu.memory_space<vmem_shared>>
    %dma_start3A_122 = tpu.memref_squeeze %dma_start3A_121 : memref<1x1x32x1024xf32, #tpu.memory_space<vmem_shared>> -> memref<32x1024xf32, #tpu.memory_space<vmem_shared>>
    %dma_start3A_123 = arith.constant 0 : i32
    %dma_start3A_124 = tpu.memref_slice %arg2[%add3A_117, %dma_start3A_123] : memref<16384x1024xf32, #tpu.memory_space<hbm>> -> memref<32x1024xf32, #tpu.memory_space<hbm>>
    tpu.enqueue_dma source(%dma_start3A_124 : memref<32x1024xf32, #tpu.memory_space<hbm>>) target(%dma_start3A_122 : memref<32x1024xf32, #tpu.memory_space<vmem_shared>>) target_semaphore(%arg9 : memref<!tpu.dma_semaphore, #tpu.memory_space<semaphore_mem>>)
    %dma_wait3A_125 = arith.constant 0 : i32
    %dma_wait3A_126 = arith.constant 0 : i32
    %dma_wait3A_127 = arith.constant 0 : i32
    %dma_wait3A_128 = tpu.memref_slice %arg4[%arg1, %dma_wait3A_125, %dma_wait3A_126, %dma_wait3A_127] : memref<16x2x32x1024xf32, #tpu.memory_space<vmem_shared>> -> memref<1x1x32x1024xf32, #tpu.memory_space<vmem_shared>>
    %dma_wait3A_129 = tpu.memref_squeeze %dma_wait3A_128 : memref<1x1x32x1024xf32, #tpu.memory_space<vmem_shared>> -> memref<32x1024xf32, #tpu.memory_space<vmem_shared>>
    %dma_wait3A_130 = arith.constant 0 : i32
    %dma_wait3A_131 = tpu.memref_slice %arg2[%add3A_65, %dma_wait3A_130] : memref<16384x1024xf32, #tpu.memory_space<hbm>> -> memref<32x1024xf32, #tpu.memory_space<hbm>>
    tpu.wait_dma2 semaphore(%arg7 : memref<!tpu.dma_semaphore, #tpu.memory_space<semaphore_mem>>) src(%dma_wait3A_131 : memref<32x1024xf32, #tpu.memory_space<hbm>>) dst(%dma_wait3A_129 : memref<32x1024xf32, #tpu.memory_space<vmem_shared>>)
    %add3A_132 = arith.constant 128 : i32
    %add3A_133 = arith.addi %mul3A_2, %add3A_132 : i32
    %dma_start3A_134 = arith.constant 0 : i32
    %dma_start3A_135 = arith.constant 0 : i32
    %dma_start3A_136 = tpu.memref_slice %arg3[%add3A_133, %dma_start3A_135] : memref<16384x1024xf32, #tpu.memory_space<hbm>> -> memref<32x1024xf32, #tpu.memory_space<hbm>>
    %dma_start3A_137 = arith.constant 0 : i32
    %dma_start3A_138 = arith.constant 0 : i32
    %dma_start3A_139 = tpu.memref_slice %arg4[%arg1, %dma_start3A_134, %dma_start3A_137, %dma_start3A_138] : memref<16x2x32x1024xf32, #tpu.memory_space<vmem_shared>> -> memref<1x1x32x1024xf32, #tpu.memory_space<vmem_shared>>
    %dma_start3A_140 = tpu.memref_squeeze %dma_start3A_139 : memref<1x1x32x1024xf32, #tpu.memory_space<vmem_shared>> -> memref<32x1024xf32, #tpu.memory_space<vmem_shared>>
    tpu.enqueue_dma source(%dma_start3A_140 : memref<32x1024xf32, #tpu.memory_space<vmem_shared>>) target(%dma_start3A_136 : memref<32x1024xf32, #tpu.memory_space<hbm>>) target_semaphore(%arg11 : memref<!tpu.dma_semaphore, #tpu.memory_space<semaphore_mem>>)
    %dma_wait3A_141 = arith.constant 0 : i32
    %dma_wait3A_142 = tpu.memref_slice %arg3[%add3A_104, %dma_wait3A_141] : memref<16384x1024xf32, #tpu.memory_space<hbm>> -> memref<32x1024xf32, #tpu.memory_space<hbm>>
    %dma_wait3A_143 = arith.constant 0 : i32
    %dma_wait3A_144 = tpu.memref_slice %arg3[%add3A_104, %dma_wait3A_143] : memref<16384x1024xf32, #tpu.memory_space<hbm>> -> memref<32x1024xf32, #tpu.memory_space<hbm>>
    tpu.wait_dma2 semaphore(%arg14 : memref<!tpu.dma_semaphore, #tpu.memory_space<semaphore_mem>>) src(%arg6 : memref<32x1024xf32, #tpu.memory_space<vmem>>) dst(%dma_wait3A_144 : memref<32x1024xf32, #tpu.memory_space<hbm>>)
    %add3A_145 = arith.constant 224 : i32
    %add3A_146 = arith.addi %mul3A_2, %add3A_145 : i32
    %dma_start3A_147 = arith.constant 0 : i32
    %dma_start3A_148 = tpu.memref_slice %arg2[%add3A_146, %dma_start3A_147] : memref<16384x1024xf32, #tpu.memory_space<hbm>> -> memref<32x1024xf32, #tpu.memory_space<hbm>>
    %dma_start3A_149 = arith.constant 0 : i32
    %dma_start3A_150 = tpu.memref_slice %arg2[%add3A_146, %dma_start3A_149] : memref<16384x1024xf32, #tpu.memory_space<hbm>> -> memref<32x1024xf32, #tpu.memory_space<hbm>>
    tpu.enqueue_dma source(%dma_start3A_150 : memref<32x1024xf32, #tpu.memory_space<hbm>>) target(%arg6 : memref<32x1024xf32, #tpu.memory_space<vmem>>) target_semaphore(%arg10 : memref<!tpu.dma_semaphore, #tpu.memory_space<semaphore_mem>>)
    %dma_wait3A_151 = arith.constant 0 : i32
    %dma_wait3A_152 = tpu.memref_slice %arg2[%add3A_94, %dma_wait3A_151] : memref<16384x1024xf32, #tpu.memory_space<hbm>> -> memref<32x1024xf32, #tpu.memory_space<hbm>>
    %dma_wait3A_153 = arith.constant 0 : i32
    %dma_wait3A_154 = tpu.memref_slice %arg2[%add3A_94, %dma_wait3A_153] : memref<16384x1024xf32, #tpu.memory_space<hbm>> -> memref<32x1024xf32, #tpu.memory_space<hbm>>
    tpu.wait_dma2 semaphore(%arg8 : memref<!tpu.dma_semaphore, #tpu.memory_space<semaphore_mem>>) src(%dma_wait3A_154 : memref<32x1024xf32, #tpu.memory_space<hbm>>) dst(%arg5 : memref<32x1024xf32, #tpu.memory_space<vmem>>)
    %add3A_155 = arith.constant 160 : i32
    %add3A_156 = arith.addi %mul3A_2, %add3A_155 : i32
    %dma_start3A_157 = arith.constant 0 : i32
    %dma_start3A_158 = tpu.memref_slice %arg3[%add3A_156, %dma_start3A_157] : memref<16384x1024xf32, #tpu.memory_space<hbm>> -> memref<32x1024xf32, #tpu.memory_space<hbm>>
    %dma_start3A_159 = arith.constant 0 : i32
    %dma_start3A_160 = tpu.memref_slice %arg3[%add3A_156, %dma_start3A_159] : memref<16384x1024xf32, #tpu.memory_space<hbm>> -> memref<32x1024xf32, #tpu.memory_space<hbm>>
    tpu.enqueue_dma source(%arg5 : memref<32x1024xf32, #tpu.memory_space<vmem>>) target(%dma_start3A_160 : memref<32x1024xf32, #tpu.memory_space<hbm>>) target_semaphore(%arg12 : memref<!tpu.dma_semaphore, #tpu.memory_space<semaphore_mem>>)
    %dma_wait3A_161 = arith.constant 0 : i32
    %dma_wait3A_162 = arith.constant 0 : i32
    %dma_wait3A_163 = tpu.memref_slice %arg3[%add3A_133, %dma_wait3A_162] : memref<16384x1024xf32, #tpu.memory_space<hbm>> -> memref<32x1024xf32, #tpu.memory_space<hbm>>
    %dma_wait3A_164 = arith.constant 0 : i32
    %dma_wait3A_165 = arith.constant 0 : i32
    %dma_wait3A_166 = tpu.memref_slice %arg4[%arg1, %dma_wait3A_161, %dma_wait3A_164, %dma_wait3A_165] : memref<16x2x32x1024xf32, #tpu.memory_space<vmem_shared>> -> memref<1x1x32x1024xf32, #tpu.memory_space<vmem_shared>>
    %dma_wait3A_167 = tpu.memref_squeeze %dma_wait3A_166 : memref<1x1x32x1024xf32, #tpu.memory_space<vmem_shared>> -> memref<32x1024xf32, #tpu.memory_space<vmem_shared>>
    tpu.wait_dma2 semaphore(%arg11 : memref<!tpu.dma_semaphore, #tpu.memory_space<semaphore_mem>>) src(%dma_wait3A_167 : memref<32x1024xf32, #tpu.memory_space<vmem_shared>>) dst(%dma_wait3A_163 : memref<32x1024xf32, #tpu.memory_space<hbm>>)
    %add3A_168 = arith.constant 256 : i32
    %add3A_169 = arith.addi %mul3A_2, %add3A_168 : i32
    %dma_start3A_170 = arith.constant 0 : i32
    %dma_start3A_171 = arith.constant 0 : i32
    %dma_start3A_172 = arith.constant 0 : i32
    %dma_start3A_173 = tpu.memref_slice %arg4[%arg1, %dma_start3A_170, %dma_start3A_171, %dma_start3A_172] : memref<16x2x32x1024xf32, #tpu.memory_space<vmem_shared>> -> memref<1x1x32x1024xf32, #tpu.memory_space<vmem_shared>>
    %dma_start3A_174 = tpu.memref_squeeze %dma_start3A_173 : memref<1x1x32x1024xf32, #tpu.memory_space<vmem_shared>> -> memref<32x1024xf32, #tpu.memory_space<vmem_shared>>
    %dma_start3A_175 = arith.constant 0 : i32
    %dma_start3A_176 = tpu.memref_slice %arg2[%add3A_169, %dma_start3A_175] : memref<16384x1024xf32, #tpu.memory_space<hbm>> -> memref<32x1024xf32, #tpu.memory_space<hbm>>
    tpu.enqueue_dma source(%dma_start3A_176 : memref<32x1024xf32, #tpu.memory_space<hbm>>) target(%dma_start3A_174 : memref<32x1024xf32, #tpu.memory_space<vmem_shared>>) target_semaphore(%arg7 : memref<!tpu.dma_semaphore, #tpu.memory_space<semaphore_mem>>)
    %dma_wait3A_177 = arith.constant 1 : i32
    %dma_wait3A_178 = arith.constant 0 : i32
    %dma_wait3A_179 = arith.constant 0 : i32
    %dma_wait3A_180 = tpu.memref_slice %arg4[%arg1, %dma_wait3A_177, %dma_wait3A_178, %dma_wait3A_179] : memref<16x2x32x1024xf32, #tpu.memory_space<vmem_shared>> -> memref<1x1x32x1024xf32, #tpu.memory_space<vmem_shared>>
    %dma_wait3A_181 = tpu.memref_squeeze %dma_wait3A_180 : memref<1x1x32x1024xf32, #tpu.memory_space<vmem_shared>> -> memref<32x1024xf32, #tpu.memory_space<vmem_shared>>
    %dma_wait3A_182 = arith.constant 0 : i32
    %dma_wait3A_183 = tpu.memref_slice %arg2[%add3A_117, %dma_wait3A_182] : memref<16384x1024xf32, #tpu.memory_space<hbm>> -> memref<32x1024xf32, #tpu.memory_space<hbm>>
    tpu.wait_dma2 semaphore(%arg9 : memref<!tpu.dma_semaphore, #tpu.memory_space<semaphore_mem>>) src(%dma_wait3A_183 : memref<32x1024xf32, #tpu.memory_space<hbm>>) dst(%dma_wait3A_181 : memref<32x1024xf32, #tpu.memory_space<vmem_shared>>)
    %add3A_184 = arith.constant 192 : i32
    %add3A_185 = arith.addi %mul3A_2, %add3A_184 : i32
    %dma_start3A_186 = arith.constant 1 : i32
    %dma_start3A_187 = arith.constant 0 : i32
    %dma_start3A_188 = tpu.memref_slice %arg3[%add3A_185, %dma_start3A_187] : memref<16384x1024xf32, #tpu.memory_space<hbm>> -> memref<32x1024xf32, #tpu.memory_space<hbm>>
    %dma_start3A_189 = arith.constant 0 : i32
    %dma_start3A_190 = arith.constant 0 : i32
    %dma_start3A_191 = tpu.memref_slice %arg4[%arg1, %dma_start3A_186, %dma_start3A_189, %dma_start3A_190] : memref<16x2x32x1024xf32, #tpu.memory_space<vmem_shared>> -> memref<1x1x32x1024xf32, #tpu.memory_space<vmem_shared>>
    %dma_start3A_192 = tpu.memref_squeeze %dma_start3A_191 : memref<1x1x32x1024xf32, #tpu.memory_space<vmem_shared>> -> memref<32x1024xf32, #tpu.memory_space<vmem_shared>>
    tpu.enqueue_dma source(%dma_start3A_192 : memref<32x1024xf32, #tpu.memory_space<vmem_shared>>) target(%dma_start3A_188 : memref<32x1024xf32, #tpu.memory_space<hbm>>) target_semaphore(%arg13 : memref<!tpu.dma_semaphore, #tpu.memory_space<semaphore_mem>>)
    %dma_wait3A_193 = arith.constant 0 : i32
    %dma_wait3A_194 = tpu.memref_slice %arg3[%add3A_156, %dma_wait3A_193] : memref<16384x1024xf32, #tpu.memory_space<hbm>> -> memref<32x1024xf32, #tpu.memory_space<hbm>>
    %dma_wait3A_195 = arith.constant 0 : i32
    %dma_wait3A_196 = tpu.memref_slice %arg3[%add3A_156, %dma_wait3A_195] : memref<16384x1024xf32, #tpu.memory_space<hbm>> -> memref<32x1024xf32, #tpu.memory_space<hbm>>
    tpu.wait_dma2 semaphore(%arg12 : memref<!tpu.dma_semaphore, #tpu.memory_space<semaphore_mem>>) src(%arg5 : memref<32x1024xf32, #tpu.memory_space<vmem>>) dst(%dma_wait3A_196 : memref<32x1024xf32, #tpu.memory_space<hbm>>)
    %add3A_197 = arith.constant 288 : i32
    %add3A_198 = arith.addi %mul3A_2, %add3A_197 : i32
    %dma_start3A_199 = arith.constant 0 : i32
    %dma_start3A_200 = tpu.memref_slice %arg2[%add3A_198, %dma_start3A_199] : memref<16384x1024xf32, #tpu.memory_space<hbm>> -> memref<32x1024xf32, #tpu.memory_space<hbm>>
    %dma_start3A_201 = arith.constant 0 : i32
    %dma_start3A_202 = tpu.memref_slice %arg2[%add3A_198, %dma_start3A_201] : memref<16384x1024xf32, #tpu.memory_space<hbm>> -> memref<32x1024xf32, #tpu.memory_space<hbm>>
    tpu.enqueue_dma source(%dma_start3A_202 : memref<32x1024xf32, #tpu.memory_space<hbm>>) target(%arg5 : memref<32x1024xf32, #tpu.memory_space<vmem>>) target_semaphore(%arg8 : memref<!tpu.dma_semaphore, #tpu.memory_space<semaphore_mem>>)
    %dma_wait3A_203 = arith.constant 0 : i32
    %dma_wait3A_204 = tpu.memref_slice %arg2[%add3A_146, %dma_wait3A_203] : memref<16384x1024xf32, #tpu.memory_space<hbm>> -> memref<32x1024xf32, #tpu.memory_space<hbm>>
    %dma_wait3A_205 = arith.constant 0 : i32
    %dma_wait3A_206 = tpu.memref_slice %arg2[%add3A_146, %dma_wait3A_205] : memref<16384x1024xf32, #tpu.memory_space<hbm>> -> memref<32x1024xf32, #tpu.memory_space<hbm>>
    tpu.wait_dma2 semaphore(%arg10 : memref<!tpu.dma_semaphore, #tpu.memory_space<semaphore_mem>>) src(%dma_wait3A_206 : memref<32x1024xf32, #tpu.memory_space<hbm>>) dst(%arg6 : memref<32x1024xf32, #tpu.memory_space<vmem>>)
    %add3A_207 = arith.constant 224 : i32
    %add3A_208 = arith.addi %mul3A_2, %add3A_207 : i32
    %dma_start3A_209 = arith.constant 0 : i32
    %dma_start3A_210 = tpu.memref_slice %arg3[%add3A_208, %dma_start3A_209] : memref<16384x1024xf32, #tpu.memory_space<hbm>> -> memref<32x1024xf32, #tpu.memory_space<hbm>>
    %dma_start3A_211 = arith.constant 0 : i32
    %dma_start3A_212 = tpu.memref_slice %arg3[%add3A_208, %dma_start3A_211] : memref<16384x1024xf32, #tpu.memory_space<hbm>> -> memref<32x1024xf32, #tpu.memory_space<hbm>>
    tpu.enqueue_dma source(%arg6 : memref<32x1024xf32, #tpu.memory_space<vmem>>) target(%dma_start3A_212 : memref<32x1024xf32, #tpu.memory_space<hbm>>) target_semaphore(%arg14 : memref<!tpu.dma_semaphore, #tpu.memory_space<semaphore_mem>>)
    %dma_wait3A_213 = arith.constant 1 : i32
    %dma_wait3A_214 = arith.constant 0 : i32
    %dma_wait3A_215 = tpu.memref_slice %arg3[%add3A_185, %dma_wait3A_214] : memref<16384x1024xf32, #tpu.memory_space<hbm>> -> memref<32x1024xf32, #tpu.memory_space<hbm>>
    %dma_wait3A_216 = arith.constant 0 : i32
    %dma_wait3A_217 = arith.constant 0 : i32
    %dma_wait3A_218 = tpu.memref_slice %arg4[%arg1, %dma_wait3A_213, %dma_wait3A_216, %dma_wait3A_217] : memref<16x2x32x1024xf32, #tpu.memory_space<vmem_shared>> -> memref<1x1x32x1024xf32, #tpu.memory_space<vmem_shared>>
    %dma_wait3A_219 = tpu.memref_squeeze %dma_wait3A_218 : memref<1x1x32x1024xf32, #tpu.memory_space<vmem_shared>> -> memref<32x1024xf32, #tpu.memory_space<vmem_shared>>
    tpu.wait_dma2 semaphore(%arg13 : memref<!tpu.dma_semaphore, #tpu.memory_space<semaphore_mem>>) src(%dma_wait3A_219 : memref<32x1024xf32, #tpu.memory_space<vmem_shared>>) dst(%dma_wait3A_215 : memref<32x1024xf32, #tpu.memory_space<hbm>>)
    %add3A_220 = arith.constant 320 : i32
    %add3A_221 = arith.addi %mul3A_2, %add3A_220 : i32
    %dma_start3A_222 = arith.constant 1 : i32
    %dma_start3A_223 = arith.constant 0 : i32
    %dma_start3A_224 = arith.constant 0 : i32
    %dma_start3A_225 = tpu.memref_slice %arg4[%arg1, %dma_start3A_222, %dma_start3A_223, %dma_start3A_224] : memref<16x2x32x1024xf32, #tpu.memory_space<vmem_shared>> -> memref<1x1x32x1024xf32, #tpu.memory_space<vmem_shared>>
    %dma_start3A_226 = tpu.memref_squeeze %dma_start3A_225 : memref<1x1x32x1024xf32, #tpu.memory_space<vmem_shared>> -> memref<32x1024xf32, #tpu.memory_space<vmem_shared>>
    %dma_start3A_227 = arith.constant 0 : i32
    %dma_start3A_228 = tpu.memref_slice %arg2[%add3A_221, %dma_start3A_227] : memref<16384x1024xf32, #tpu.memory_space<hbm>> -> memref<32x1024xf32, #tpu.memory_space<hbm>>
    tpu.enqueue_dma source(%dma_start3A_228 : memref<32x1024xf32, #tpu.memory_space<hbm>>) target(%dma_start3A_226 : memref<32x1024xf32, #tpu.memory_space<vmem_shared>>) target_semaphore(%arg9 : memref<!tpu.dma_semaphore, #tpu.memory_space<semaphore_mem>>)
    %dma_wait3A_229 = arith.constant 0 : i32
    %dma_wait3A_230 = arith.constant 0 : i32
    %dma_wait3A_231 = arith.constant 0 : i32
    %dma_wait3A_232 = tpu.memref_slice %arg4[%arg1, %dma_wait3A_229, %dma_wait3A_230, %dma_wait3A_231] : memref<16x2x32x1024xf32, #tpu.memory_space<vmem_shared>> -> memref<1x1x32x1024xf32, #tpu.memory_space<vmem_shared>>
    %dma_wait3A_233 = tpu.memref_squeeze %dma_wait3A_232 : memref<1x1x32x1024xf32, #tpu.memory_space<vmem_shared>> -> memref<32x1024xf32, #tpu.memory_space<vmem_shared>>
    %dma_wait3A_234 = arith.constant 0 : i32
    %dma_wait3A_235 = tpu.memref_slice %arg2[%add3A_169, %dma_wait3A_234] : memref<16384x1024xf32, #tpu.memory_space<hbm>> -> memref<32x1024xf32, #tpu.memory_space<hbm>>
    tpu.wait_dma2 semaphore(%arg7 : memref<!tpu.dma_semaphore, #tpu.memory_space<semaphore_mem>>) src(%dma_wait3A_235 : memref<32x1024xf32, #tpu.memory_space<hbm>>) dst(%dma_wait3A_233 : memref<32x1024xf32, #tpu.memory_space<vmem_shared>>)
    %add3A_236 = arith.constant 256 : i32
    %add3A_237 = arith.addi %mul3A_2, %add3A_236 : i32
    %dma_start3A_238 = arith.constant 0 : i32
    %dma_start3A_239 = arith.constant 0 : i32
    %dma_start3A_240 = tpu.memref_slice %arg3[%add3A_237, %dma_start3A_239] : memref<16384x1024xf32, #tpu.memory_space<hbm>> -> memref<32x1024xf32, #tpu.memory_space<hbm>>
    %dma_start3A_241 = arith.constant 0 : i32
    %dma_start3A_242 = arith.constant 0 : i32
    %dma_start3A_243 = tpu.memref_slice %arg4[%arg1, %dma_start3A_238, %dma_start3A_241, %dma_start3A_242] : memref<16x2x32x1024xf32, #tpu.memory_space<vmem_shared>> -> memref<1x1x32x1024xf32, #tpu.memory_space<vmem_shared>>
    %dma_start3A_244 = tpu.memref_squeeze %dma_start3A_243 : memref<1x1x32x1024xf32, #tpu.memory_space<vmem_shared>> -> memref<32x1024xf32, #tpu.memory_space<vmem_shared>>
    tpu.enqueue_dma source(%dma_start3A_244 : memref<32x1024xf32, #tpu.memory_space<vmem_shared>>) target(%dma_start3A_240 : memref<32x1024xf32, #tpu.memory_space<hbm>>) target_semaphore(%arg11 : memref<!tpu.dma_semaphore, #tpu.memory_space<semaphore_mem>>)
    %dma_wait3A_245 = arith.constant 0 : i32
    %dma_wait3A_246 = tpu.memref_slice %arg3[%add3A_208, %dma_wait3A_245] : memref<16384x1024xf32, #tpu.memory_space<hbm>> -> memref<32x1024xf32, #tpu.memory_space<hbm>>
    %dma_wait3A_247 = arith.constant 0 : i32
    %dma_wait3A_248 = tpu.memref_slice %arg3[%add3A_208, %dma_wait3A_247] : memref<16384x1024xf32, #tpu.memory_space<hbm>> -> memref<32x1024xf32, #tpu.memory_space<hbm>>
    tpu.wait_dma2 semaphore(%arg14 : memref<!tpu.dma_semaphore, #tpu.memory_space<semaphore_mem>>) src(%arg6 : memref<32x1024xf32, #tpu.memory_space<vmem>>) dst(%dma_wait3A_248 : memref<32x1024xf32, #tpu.memory_space<hbm>>)
    %add3A_249 = arith.constant 352 : i32
    %add3A_250 = arith.addi %mul3A_2, %add3A_249 : i32
    %dma_start3A_251 = arith.constant 0 : i32
    %dma_start3A_252 = tpu.memref_slice %arg2[%add3A_250, %dma_start3A_251] : memref<16384x1024xf32, #tpu.memory_space<hbm>> -> memref<32x1024xf32, #tpu.memory_space<hbm>>
    %dma_start3A_253 = arith.constant 0 : i32
    %dma_start3A_254 = tpu.memref_slice %arg2[%add3A_250, %dma_start3A_253] : memref<16384x1024xf32, #tpu.memory_space<hbm>> -> memref<32x1024xf32, #tpu.memory_space<hbm>>
    tpu.enqueue_dma source(%dma_start3A_254 : memref<32x1024xf32, #tpu.memory_space<hbm>>) target(%arg6 : memref<32x1024xf32, #tpu.memory_space<vmem>>) target_semaphore(%arg10 : memref<!tpu.dma_semaphore, #tpu.memory_space<semaphore_mem>>)
    %dma_wait3A_255 = arith.constant 0 : i32
    %dma_wait3A_256 = tpu.memref_slice %arg2[%add3A_198, %dma_wait3A_255] : memref<16384x1024xf32, #tpu.memory_space<hbm>> -> memref<32x1024xf32, #tpu.memory_space<hbm>>
    %dma_wait3A_257 = arith.constant 0 : i32
    %dma_wait3A_258 = tpu.memref_slice %arg2[%add3A_198, %dma_wait3A_257] : memref<16384x1024xf32, #tpu.memory_space<hbm>> -> memref<32x1024xf32, #tpu.memory_space<hbm>>
    tpu.wait_dma2 semaphore(%arg8 : memref<!tpu.dma_semaphore, #tpu.memory_space<semaphore_mem>>) src(%dma_wait3A_258 : memref<32x1024xf32, #tpu.memory_space<hbm>>) dst(%arg5 : memref<32x1024xf32, #tpu.memory_space<vmem>>)
    %add3A_259 = arith.constant 288 : i32
    %add3A_260 = arith.addi %mul3A_2, %add3A_259 : i32
    %dma_start3A_261 = arith.constant 0 : i32
    %dma_start3A_262 = tpu.memref_slice %arg3[%add3A_260, %dma_start3A_261] : memref<16384x1024xf32, #tpu.memory_space<hbm>> -> memref<32x1024xf32, #tpu.memory_space<hbm>>
    %dma_start3A_263 = arith.constant 0 : i32
    %dma_start3A_264 = tpu.memref_slice %arg3[%add3A_260, %dma_start3A_263] : memref<16384x1024xf32, #tpu.memory_space<hbm>> -> memref<32x1024xf32, #tpu.memory_space<hbm>>
    tpu.enqueue_dma source(%arg5 : memref<32x1024xf32, #tpu.memory_space<vmem>>) target(%dma_start3A_264 : memref<32x1024xf32, #tpu.memory_space<hbm>>) target_semaphore(%arg12 : memref<!tpu.dma_semaphore, #tpu.memory_space<semaphore_mem>>)
    %dma_wait3A_265 = arith.constant 0 : i32
    %dma_wait3A_266 = arith.constant 0 : i32
    %dma_wait3A_267 = tpu.memref_slice %arg3[%add3A_237, %dma_wait3A_266] : memref<16384x1024xf32, #tpu.memory_space<hbm>> -> memref<32x1024xf32, #tpu.memory_space<hbm>>
    %dma_wait3A_268 = arith.constant 0 : i32
    %dma_wait3A_269 = arith.constant 0 : i32
    %dma_wait3A_270 = tpu.memref_slice %arg4[%arg1, %dma_wait3A_265, %dma_wait3A_268, %dma_wait3A_269] : memref<16x2x32x1024xf32, #tpu.memory_space<vmem_shared>> -> memref<1x1x32x1024xf32, #tpu.memory_space<vmem_shared>>
    %dma_wait3A_271 = tpu.memref_squeeze %dma_wait3A_270 : memref<1x1x32x1024xf32, #tpu.memory_space<vmem_shared>> -> memref<32x1024xf32, #tpu.memory_space<vmem_shared>>
    tpu.wait_dma2 semaphore(%arg11 : memref<!tpu.dma_semaphore, #tpu.memory_space<semaphore_mem>>) src(%dma_wait3A_271 : memref<32x1024xf32, #tpu.memory_space<vmem_shared>>) dst(%dma_wait3A_267 : memref<32x1024xf32, #tpu.memory_space<hbm>>)
    %add3A_272 = arith.constant 384 : i32
    %add3A_273 = arith.addi %mul3A_2, %add3A_272 : i32
    %dma_start3A_274 = arith.constant 0 : i32
    %dma_start3A_275 = arith.constant 0 : i32
    %dma_start3A_276 = arith.constant 0 : i32
    %dma_start3A_277 = tpu.memref_slice %arg4[%arg1, %dma_start3A_274, %dma_start3A_275, %dma_start3A_276] : memref<16x2x32x1024xf32, #tpu.memory_space<vmem_shared>> -> memref<1x1x32x1024xf32, #tpu.memory_space<vmem_shared>>
    %dma_start3A_278 = tpu.memref_squeeze %dma_start3A_277 : memref<1x1x32x1024xf32, #tpu.memory_space<vmem_shared>> -> memref<32x1024xf32, #tpu.memory_space<vmem_shared>>
    %dma_start3A_279 = arith.constant 0 : i32
    %dma_start3A_280 = tpu.memref_slice %arg2[%add3A_273, %dma_start3A_279] : memref<16384x1024xf32, #tpu.memory_space<hbm>> -> memref<32x1024xf32, #tpu.memory_space<hbm>>
    tpu.enqueue_dma source(%dma_start3A_280 : memref<32x1024xf32, #tpu.memory_space<hbm>>) target(%dma_start3A_278 : memref<32x1024xf32, #tpu.memory_space<vmem_shared>>) target_semaphore(%arg7 : memref<!tpu.dma_semaphore, #tpu.memory_space<semaphore_mem>>)
    %dma_wait3A_281 = arith.constant 1 : i32
    %dma_wait3A_282 = arith.constant 0 : i32
    %dma_wait3A_283 = arith.constant 0 : i32
    %dma_wait3A_284 = tpu.memref_slice %arg4[%arg1, %dma_wait3A_281, %dma_wait3A_282, %dma_wait3A_283] : memref<16x2x32x1024xf32, #tpu.memory_space<vmem_shared>> -> memref<1x1x32x1024xf32, #tpu.memory_space<vmem_shared>>
    %dma_wait3A_285 = tpu.memref_squeeze %dma_wait3A_284 : memref<1x1x32x1024xf32, #tpu.memory_space<vmem_shared>> -> memref<32x1024xf32, #tpu.memory_space<vmem_shared>>
    %dma_wait3A_286 = arith.constant 0 : i32
    %dma_wait3A_287 = tpu.memref_slice %arg2[%add3A_221, %dma_wait3A_286] : memref<16384x1024xf32, #tpu.memory_space<hbm>> -> memref<32x1024xf32, #tpu.memory_space<hbm>>
    tpu.wait_dma2 semaphore(%arg9 : memref<!tpu.dma_semaphore, #tpu.memory_space<semaphore_mem>>) src(%dma_wait3A_287 : memref<32x1024xf32, #tpu.memory_space<hbm>>) dst(%dma_wait3A_285 : memref<32x1024xf32, #tpu.memory_space<vmem_shared>>)
    %add3A_288 = arith.constant 320 : i32
    %add3A_289 = arith.addi %mul3A_2, %add3A_288 : i32
    %dma_start3A_290 = arith.constant 1 : i32
    %dma_start3A_291 = arith.constant 0 : i32
    %dma_start3A_292 = tpu.memref_slice %arg3[%add3A_289, %dma_start3A_291] : memref<16384x1024xf32, #tpu.memory_space<hbm>> -> memref<32x1024xf32, #tpu.memory_space<hbm>>
    %dma_start3A_293 = arith.constant 0 : i32
    %dma_start3A_294 = arith.constant 0 : i32
    %dma_start3A_295 = tpu.memref_slice %arg4[%arg1, %dma_start3A_290, %dma_start3A_293, %dma_start3A_294] : memref<16x2x32x1024xf32, #tpu.memory_space<vmem_shared>> -> memref<1x1x32x1024xf32, #tpu.memory_space<vmem_shared>>
    %dma_start3A_296 = tpu.memref_squeeze %dma_start3A_295 : memref<1x1x32x1024xf32, #tpu.memory_space<vmem_shared>> -> memref<32x1024xf32, #tpu.memory_space<vmem_shared>>
    tpu.enqueue_dma source(%dma_start3A_296 : memref<32x1024xf32, #tpu.memory_space<vmem_shared>>) target(%dma_start3A_292 : memref<32x1024xf32, #tpu.memory_space<hbm>>) target_semaphore(%arg13 : memref<!tpu.dma_semaphore, #tpu.memory_space<semaphore_mem>>)
    %dma_wait3A_297 = arith.constant 0 : i32
    %dma_wait3A_298 = tpu.memref_slice %arg3[%add3A_260, %dma_wait3A_297] : memref<16384x1024xf32, #tpu.memory_space<hbm>> -> memref<32x1024xf32, #tpu.memory_space<hbm>>
    %dma_wait3A_299 = arith.constant 0 : i32
    %dma_wait3A_300 = tpu.memref_slice %arg3[%add3A_260, %dma_wait3A_299] : memref<16384x1024xf32, #tpu.memory_space<hbm>> -> memref<32x1024xf32, #tpu.memory_space<hbm>>
    tpu.wait_dma2 semaphore(%arg12 : memref<!tpu.dma_semaphore, #tpu.memory_space<semaphore_mem>>) src(%arg5 : memref<32x1024xf32, #tpu.memory_space<vmem>>) dst(%dma_wait3A_300 : memref<32x1024xf32, #tpu.memory_space<hbm>>)
    %add3A_301 = arith.constant 416 : i32
    %add3A_302 = arith.addi %mul3A_2, %add3A_301 : i32
    %dma_start3A_303 = arith.constant 0 : i32
    %dma_start3A_304 = tpu.memref_slice %arg2[%add3A_302, %dma_start3A_303] : memref<16384x1024xf32, #tpu.memory_space<hbm>> -> memref<32x1024xf32, #tpu.memory_space<hbm>>
    %dma_start3A_305 = arith.constant 0 : i32
    %dma_start3A_306 = tpu.memref_slice %arg2[%add3A_302, %dma_start3A_305] : memref<16384x1024xf32, #tpu.memory_space<hbm>> -> memref<32x1024xf32, #tpu.memory_space<hbm>>
    tpu.enqueue_dma source(%dma_start3A_306 : memref<32x1024xf32, #tpu.memory_space<hbm>>) target(%arg5 : memref<32x1024xf32, #tpu.memory_space<vmem>>) target_semaphore(%arg8 : memref<!tpu.dma_semaphore, #tpu.memory_space<semaphore_mem>>)
    %dma_wait3A_307 = arith.constant 0 : i32
    %dma_wait3A_308 = tpu.memref_slice %arg2[%add3A_250, %dma_wait3A_307] : memref<16384x1024xf32, #tpu.memory_space<hbm>> -> memref<32x1024xf32, #tpu.memory_space<hbm>>
    %dma_wait3A_309 = arith.constant 0 : i32
    %dma_wait3A_310 = tpu.memref_slice %arg2[%add3A_250, %dma_wait3A_309] : memref<16384x1024xf32, #tpu.memory_space<hbm>> -> memref<32x1024xf32, #tpu.memory_space<hbm>>
    tpu.wait_dma2 semaphore(%arg10 : memref<!tpu.dma_semaphore, #tpu.memory_space<semaphore_mem>>) src(%dma_wait3A_310 : memref<32x1024xf32, #tpu.memory_space<hbm>>) dst(%arg6 : memref<32x1024xf32, #tpu.memory_space<vmem>>)
    %add3A_311 = arith.constant 352 : i32
    %add3A_312 = arith.addi %mul3A_2, %add3A_311 : i32
    %dma_start3A_313 = arith.constant 0 : i32
    %dma_start3A_314 = tpu.memref_slice %arg3[%add3A_312, %dma_start3A_313] : memref<16384x1024xf32, #tpu.memory_space<hbm>> -> memref<32x1024xf32, #tpu.memory_space<hbm>>
    %dma_start3A_315 = arith.constant 0 : i32
    %dma_start3A_316 = tpu.memref_slice %arg3[%add3A_312, %dma_start3A_315] : memref<16384x1024xf32, #tpu.memory_space<hbm>> -> memref<32x1024xf32, #tpu.memory_space<hbm>>
    tpu.enqueue_dma source(%arg6 : memref<32x1024xf32, #tpu.memory_space<vmem>>) target(%dma_start3A_316 : memref<32x1024xf32, #tpu.memory_space<hbm>>) target_semaphore(%arg14 : memref<!tpu.dma_semaphore, #tpu.memory_space<semaphore_mem>>)
    %dma_wait3A_317 = arith.constant 1 : i32
    %dma_wait3A_318 = arith.constant 0 : i32
    %dma_wait3A_319 = tpu.memref_slice %arg3[%add3A_289, %dma_wait3A_318] : memref<16384x1024xf32, #tpu.memory_space<hbm>> -> memref<32x1024xf32, #tpu.memory_space<hbm>>
    %dma_wait3A_320 = arith.constant 0 : i32
    %dma_wait3A_321 = arith.constant 0 : i32
    %dma_wait3A_322 = tpu.memref_slice %arg4[%arg1, %dma_wait3A_317, %dma_wait3A_320, %dma_wait3A_321] : memref<16x2x32x1024xf32, #tpu.memory_space<vmem_shared>> -> memref<1x1x32x1024xf32, #tpu.memory_space<vmem_shared>>
    %dma_wait3A_323 = tpu.memref_squeeze %dma_wait3A_322 : memref<1x1x32x1024xf32, #tpu.memory_space<vmem_shared>> -> memref<32x1024xf32, #tpu.memory_space<vmem_shared>>
    tpu.wait_dma2 semaphore(%arg13 : memref<!tpu.dma_semaphore, #tpu.memory_space<semaphore_mem>>) src(%dma_wait3A_323 : memref<32x1024xf32, #tpu.memory_space<vmem_shared>>) dst(%dma_wait3A_319 : memref<32x1024xf32, #tpu.memory_space<hbm>>)
    %add3A_324 = arith.constant 448 : i32
    %add3A_325 = arith.addi %mul3A_2, %add3A_324 : i32
    %dma_start3A_326 = arith.constant 1 : i32
    %dma_start3A_327 = arith.constant 0 : i32
    %dma_start3A_328 = arith.constant 0 : i32
    %dma_start3A_329 = tpu.memref_slice %arg4[%arg1, %dma_start3A_326, %dma_start3A_327, %dma_start3A_328] : memref<16x2x32x1024xf32, #tpu.memory_space<vmem_shared>> -> memref<1x1x32x1024xf32, #tpu.memory_space<vmem_shared>>
    %dma_start3A_330 = tpu.memref_squeeze %dma_start3A_329 : memref<1x1x32x1024xf32, #tpu.memory_space<vmem_shared>> -> memref<32x1024xf32, #tpu.memory_space<vmem_shared>>
    %dma_start3A_331 = arith.constant 0 : i32
    %dma_start3A_332 = tpu.memref_slice %arg2[%add3A_325, %dma_start3A_331] : memref<16384x1024xf32, #tpu.memory_space<hbm>> -> memref<32x1024xf32, #tpu.memory_space<hbm>>
    tpu.enqueue_dma source(%dma_start3A_332 : memref<32x1024xf32, #tpu.memory_space<hbm>>) target(%dma_start3A_330 : memref<32x1024xf32, #tpu.memory_space<vmem_shared>>) target_semaphore(%arg9 : memref<!tpu.dma_semaphore, #tpu.memory_space<semaphore_mem>>)
    %dma_wait3A_333 = arith.constant 0 : i32
    %dma_wait3A_334 = arith.constant 0 : i32
    %dma_wait3A_335 = arith.constant 0 : i32
    %dma_wait3A_336 = tpu.memref_slice %arg4[%arg1, %dma_wait3A_333, %dma_wait3A_334, %dma_wait3A_335] : memref<16x2x32x1024xf32, #tpu.memory_space<vmem_shared>> -> memref<1x1x32x1024xf32, #tpu.memory_space<vmem_shared>>
    %dma_wait3A_337 = tpu.memref_squeeze %dma_wait3A_336 : memref<1x1x32x1024xf32, #tpu.memory_space<vmem_shared>> -> memref<32x1024xf32, #tpu.memory_space<vmem_shared>>
    %dma_wait3A_338 = arith.constant 0 : i32
    %dma_wait3A_339 = tpu.memref_slice %arg2[%add3A_273, %dma_wait3A_338] : memref<16384x1024xf32, #tpu.memory_space<hbm>> -> memref<32x1024xf32, #tpu.memory_space<hbm>>
    tpu.wait_dma2 semaphore(%arg7 : memref<!tpu.dma_semaphore, #tpu.memory_space<semaphore_mem>>) src(%dma_wait3A_339 : memref<32x1024xf32, #tpu.memory_space<hbm>>) dst(%dma_wait3A_337 : memref<32x1024xf32, #tpu.memory_space<vmem_shared>>)
    %add3A_340 = arith.constant 384 : i32
    %add3A_341 = arith.addi %mul3A_2, %add3A_340 : i32
    %dma_start3A_342 = arith.constant 0 : i32
    %dma_start3A_343 = arith.constant 0 : i32
    %dma_start3A_344 = tpu.memref_slice %arg3[%add3A_341, %dma_start3A_343] : memref<16384x1024xf32, #tpu.memory_space<hbm>> -> memref<32x1024xf32, #tpu.memory_space<hbm>>
    %dma_start3A_345 = arith.constant 0 : i32
    %dma_start3A_346 = arith.constant 0 : i32
    %dma_start3A_347 = tpu.memref_slice %arg4[%arg1, %dma_start3A_342, %dma_start3A_345, %dma_start3A_346] : memref<16x2x32x1024xf32, #tpu.memory_space<vmem_shared>> -> memref<1x1x32x1024xf32, #tpu.memory_space<vmem_shared>>
    %dma_start3A_348 = tpu.memref_squeeze %dma_start3A_347 : memref<1x1x32x1024xf32, #tpu.memory_space<vmem_shared>> -> memref<32x1024xf32, #tpu.memory_space<vmem_shared>>
    tpu.enqueue_dma source(%dma_start3A_348 : memref<32x1024xf32, #tpu.memory_space<vmem_shared>>) target(%dma_start3A_344 : memref<32x1024xf32, #tpu.memory_space<hbm>>) target_semaphore(%arg11 : memref<!tpu.dma_semaphore, #tpu.memory_space<semaphore_mem>>)
    %dma_wait3A_349 = arith.constant 0 : i32
    %dma_wait3A_350 = tpu.memref_slice %arg3[%add3A_312, %dma_wait3A_349] : memref<16384x1024xf32, #tpu.memory_space<hbm>> -> memref<32x1024xf32, #tpu.memory_space<hbm>>
    %dma_wait3A_351 = arith.constant 0 : i32
    %dma_wait3A_352 = tpu.memref_slice %arg3[%add3A_312, %dma_wait3A_351] : memref<16384x1024xf32, #tpu.memory_space<hbm>> -> memref<32x1024xf32, #tpu.memory_space<hbm>>
    tpu.wait_dma2 semaphore(%arg14 : memref<!tpu.dma_semaphore, #tpu.memory_space<semaphore_mem>>) src(%arg6 : memref<32x1024xf32, #tpu.memory_space<vmem>>) dst(%dma_wait3A_352 : memref<32x1024xf32, #tpu.memory_space<hbm>>)
    %add3A_353 = arith.constant 480 : i32
    %add3A_354 = arith.addi %mul3A_2, %add3A_353 : i32
    %dma_start3A_355 = arith.constant 0 : i32
    %dma_start3A_356 = tpu.memref_slice %arg2[%add3A_354, %dma_start3A_355] : memref<16384x1024xf32, #tpu.memory_space<hbm>> -> memref<32x1024xf32, #tpu.memory_space<hbm>>
    %dma_start3A_357 = arith.constant 0 : i32
    %dma_start3A_358 = tpu.memref_slice %arg2[%add3A_354, %dma_start3A_357] : memref<16384x1024xf32, #tpu.memory_space<hbm>> -> memref<32x1024xf32, #tpu.memory_space<hbm>>
    tpu.enqueue_dma source(%dma_start3A_358 : memref<32x1024xf32, #tpu.memory_space<hbm>>) target(%arg6 : memref<32x1024xf32, #tpu.memory_space<vmem>>) target_semaphore(%arg10 : memref<!tpu.dma_semaphore, #tpu.memory_space<semaphore_mem>>)
    %dma_wait3A_359 = arith.constant 0 : i32
    %dma_wait3A_360 = tpu.memref_slice %arg2[%add3A_302, %dma_wait3A_359] : memref<16384x1024xf32, #tpu.memory_space<hbm>> -> memref<32x1024xf32, #tpu.memory_space<hbm>>
    %dma_wait3A_361 = arith.constant 0 : i32
    %dma_wait3A_362 = tpu.memref_slice %arg2[%add3A_302, %dma_wait3A_361] : memref<16384x1024xf32, #tpu.memory_space<hbm>> -> memref<32x1024xf32, #tpu.memory_space<hbm>>
    tpu.wait_dma2 semaphore(%arg8 : memref<!tpu.dma_semaphore, #tpu.memory_space<semaphore_mem>>) src(%dma_wait3A_362 : memref<32x1024xf32, #tpu.memory_space<hbm>>) dst(%arg5 : memref<32x1024xf32, #tpu.memory_space<vmem>>)
    %add3A_363 = arith.constant 416 : i32
    %add3A_364 = arith.addi %mul3A_2, %add3A_363 : i32
    %dma_start3A_365 = arith.constant 0 : i32
    %dma_start3A_366 = tpu.memref_slice %arg3[%add3A_364, %dma_start3A_365] : memref<16384x1024xf32, #tpu.memory_space<hbm>> -> memref<32x1024xf32, #tpu.memory_space<hbm>>
    %dma_start3A_367 = arith.constant 0 : i32
    %dma_start3A_368 = tpu.memref_slice %arg3[%add3A_364, %dma_start3A_367] : memref<16384x1024xf32, #tpu.memory_space<hbm>> -> memref<32x1024xf32, #tpu.memory_space<hbm>>
    tpu.enqueue_dma source(%arg5 : memref<32x1024xf32, #tpu.memory_space<vmem>>) target(%dma_start3A_368 : memref<32x1024xf32, #tpu.memory_space<hbm>>) target_semaphore(%arg12 : memref<!tpu.dma_semaphore, #tpu.memory_space<semaphore_mem>>)
    %dma_wait3A_369 = arith.constant 1 : i32
    %dma_wait3A_370 = arith.constant 0 : i32
    %dma_wait3A_371 = arith.constant 0 : i32
    %dma_wait3A_372 = tpu.memref_slice %arg4[%arg1, %dma_wait3A_369, %dma_wait3A_370, %dma_wait3A_371] : memref<16x2x32x1024xf32, #tpu.memory_space<vmem_shared>> -> memref<1x1x32x1024xf32, #tpu.memory_space<vmem_shared>>
    %dma_wait3A_373 = tpu.memref_squeeze %dma_wait3A_372 : memref<1x1x32x1024xf32, #tpu.memory_space<vmem_shared>> -> memref<32x1024xf32, #tpu.memory_space<vmem_shared>>
    %dma_wait3A_374 = arith.constant 0 : i32
    %dma_wait3A_375 = tpu.memref_slice %arg2[%add3A_325, %dma_wait3A_374] : memref<16384x1024xf32, #tpu.memory_space<hbm>> -> memref<32x1024xf32, #tpu.memory_space<hbm>>
    tpu.wait_dma2 semaphore(%arg9 : memref<!tpu.dma_semaphore, #tpu.memory_space<semaphore_mem>>) src(%dma_wait3A_375 : memref<32x1024xf32, #tpu.memory_space<hbm>>) dst(%dma_wait3A_373 : memref<32x1024xf32, #tpu.memory_space<vmem_shared>>)
    %add3A_376 = arith.constant 448 : i32
    %add3A_377 = arith.addi %mul3A_2, %add3A_376 : i32
    %dma_start3A_378 = arith.constant 1 : i32
    %dma_start3A_379 = arith.constant 0 : i32
    %dma_start3A_380 = tpu.memref_slice %arg3[%add3A_377, %dma_start3A_379] : memref<16384x1024xf32, #tpu.memory_space<hbm>> -> memref<32x1024xf32, #tpu.memory_space<hbm>>
    %dma_start3A_381 = arith.constant 0 : i32
    %dma_start3A_382 = arith.constant 0 : i32
    %dma_start3A_383 = tpu.memref_slice %arg4[%arg1, %dma_start3A_378, %dma_start3A_381, %dma_start3A_382] : memref<16x2x32x1024xf32, #tpu.memory_space<vmem_shared>> -> memref<1x1x32x1024xf32, #tpu.memory_space<vmem_shared>>
    %dma_start3A_384 = tpu.memref_squeeze %dma_start3A_383 : memref<1x1x32x1024xf32, #tpu.memory_space<vmem_shared>> -> memref<32x1024xf32, #tpu.memory_space<vmem_shared>>
    tpu.enqueue_dma source(%dma_start3A_384 : memref<32x1024xf32, #tpu.memory_space<vmem_shared>>) target(%dma_start3A_380 : memref<32x1024xf32, #tpu.memory_space<hbm>>) target_semaphore(%arg13 : memref<!tpu.dma_semaphore, #tpu.memory_space<semaphore_mem>>)
    %dma_wait3A_385 = arith.constant 0 : i32
    %dma_wait3A_386 = tpu.memref_slice %arg2[%add3A_354, %dma_wait3A_385] : memref<16384x1024xf32, #tpu.memory_space<hbm>> -> memref<32x1024xf32, #tpu.memory_space<hbm>>
    %dma_wait3A_387 = arith.constant 0 : i32
    %dma_wait3A_388 = tpu.memref_slice %arg2[%add3A_354, %dma_wait3A_387] : memref<16384x1024xf32, #tpu.memory_space<hbm>> -> memref<32x1024xf32, #tpu.memory_space<hbm>>
    tpu.wait_dma2 semaphore(%arg10 : memref<!tpu.dma_semaphore, #tpu.memory_space<semaphore_mem>>) src(%dma_wait3A_388 : memref<32x1024xf32, #tpu.memory_space<hbm>>) dst(%arg6 : memref<32x1024xf32, #tpu.memory_space<vmem>>)
    %add3A_389 = arith.constant 480 : i32
    %add3A_390 = arith.addi %mul3A_2, %add3A_389 : i32
    %dma_start3A_391 = arith.constant 0 : i32
    %dma_start3A_392 = tpu.memref_slice %arg3[%add3A_390, %dma_start3A_391] : memref<16384x1024xf32, #tpu.memory_space<hbm>> -> memref<32x1024xf32, #tpu.memory_space<hbm>>
    %dma_start3A_393 = arith.constant 0 : i32
    %dma_start3A_394 = tpu.memref_slice %arg3[%add3A_390, %dma_start3A_393] : memref<16384x1024xf32, #tpu.memory_space<hbm>> -> memref<32x1024xf32, #tpu.memory_space<hbm>>
    tpu.enqueue_dma source(%arg6 : memref<32x1024xf32, #tpu.memory_space<vmem>>) target(%dma_start3A_394 : memref<32x1024xf32, #tpu.memory_space<hbm>>) target_semaphore(%arg14 : memref<!tpu.dma_semaphore, #tpu.memory_space<semaphore_mem>>)
    %dma_wait3A_395 = arith.constant 0 : i32
    %dma_wait3A_396 = arith.constant 0 : i32
    %dma_wait3A_397 = tpu.memref_slice %arg3[%add3A_341, %dma_wait3A_396] : memref<16384x1024xf32, #tpu.memory_space<hbm>> -> memref<32x1024xf32, #tpu.memory_space<hbm>>
    %dma_wait3A_398 = arith.constant 0 : i32
    %dma_wait3A_399 = arith.constant 0 : i32
    %dma_wait3A_400 = tpu.memref_slice %arg4[%arg1, %dma_wait3A_395, %dma_wait3A_398, %dma_wait3A_399] : memref<16x2x32x1024xf32, #tpu.memory_space<vmem_shared>> -> memref<1x1x32x1024xf32, #tpu.memory_space<vmem_shared>>
    %dma_wait3A_401 = tpu.memref_squeeze %dma_wait3A_400 : memref<1x1x32x1024xf32, #tpu.memory_space<vmem_shared>> -> memref<32x1024xf32, #tpu.memory_space<vmem_shared>>
    tpu.wait_dma2 semaphore(%arg11 : memref<!tpu.dma_semaphore, #tpu.memory_space<semaphore_mem>>) src(%dma_wait3A_401 : memref<32x1024xf32, #tpu.memory_space<vmem_shared>>) dst(%dma_wait3A_397 : memref<32x1024xf32, #tpu.memory_space<hbm>>)
    %dma_wait3A_402 = arith.constant 0 : i32
    %dma_wait3A_403 = tpu.memref_slice %arg3[%add3A_364, %dma_wait3A_402] : memref<16384x1024xf32, #tpu.memory_space<hbm>> -> memref<32x1024xf32, #tpu.memory_space<hbm>>
    %dma_wait3A_404 = arith.constant 0 : i32
    %dma_wait3A_405 = tpu.memref_slice %arg3[%add3A_364, %dma_wait3A_404] : memref<16384x1024xf32, #tpu.memory_space<hbm>> -> memref<32x1024xf32, #tpu.memory_space<hbm>>
    tpu.wait_dma2 semaphore(%arg12 : memref<!tpu.dma_semaphore, #tpu.memory_space<semaphore_mem>>) src(%arg5 : memref<32x1024xf32, #tpu.memory_space<vmem>>) dst(%dma_wait3A_405 : memref<32x1024xf32, #tpu.memory_space<hbm>>)
    %dma_wait3A_406 = arith.constant 1 : i32
    %dma_wait3A_407 = arith.constant 0 : i32
    %dma_wait3A_408 = tpu.memref_slice %arg3[%add3A_377, %dma_wait3A_407] : memref<16384x1024xf32, #tpu.memory_space<hbm>> -> memref<32x1024xf32, #tpu.memory_space<hbm>>
    %dma_wait3A_409 = arith.constant 0 : i32
    %dma_wait3A_410 = arith.constant 0 : i32
    %dma_wait3A_411 = tpu.memref_slice %arg4[%arg1, %dma_wait3A_406, %dma_wait3A_409, %dma_wait3A_410] : memref<16x2x32x1024xf32, #tpu.memory_space<vmem_shared>> -> memref<1x1x32x1024xf32, #tpu.memory_space<vmem_shared>>
    %dma_wait3A_412 = tpu.memref_squeeze %dma_wait3A_411 : memref<1x1x32x1024xf32, #tpu.memory_space<vmem_shared>> -> memref<32x1024xf32, #tpu.memory_space<vmem_shared>>
    tpu.wait_dma2 semaphore(%arg13 : memref<!tpu.dma_semaphore, #tpu.memory_space<semaphore_mem>>) src(%dma_wait3A_412 : memref<32x1024xf32, #tpu.memory_space<vmem_shared>>) dst(%dma_wait3A_408 : memref<32x1024xf32, #tpu.memory_space<hbm>>)
    %dma_wait3A_413 = arith.constant 0 : i32
    %dma_wait3A_414 = tpu.memref_slice %arg3[%add3A_390, %dma_wait3A_413] : memref<16384x1024xf32, #tpu.memory_space<hbm>> -> memref<32x1024xf32, #tpu.memory_space<hbm>>
    %dma_wait3A_415 = arith.constant 0 : i32
    %dma_wait3A_416 = tpu.memref_slice %arg3[%add3A_390, %dma_wait3A_415] : memref<16384x1024xf32, #tpu.memory_space<hbm>> -> memref<32x1024xf32, #tpu.memory_space<hbm>>
    tpu.wait_dma2 semaphore(%arg14 : memref<!tpu.dma_semaphore, #tpu.memory_space<semaphore_mem>>) src(%arg6 : memref<32x1024xf32, #tpu.memory_space<vmem>>) dst(%dma_wait3A_416 : memref<32x1024xf32, #tpu.memory_space<hbm>>)
    return
  }
}

#map = affine_map<(d0, d1) -> (0)>
#map1 = affine_map<(d0, d1) -> (0, 0)>
module attributes {stable_mosaic.version = 14 : i64} {
  func.func @_pos_gather(%arg0: i32, %arg1: i32, %arg2: memref<16xi32, #tpu.memory_space<hbm>>, %arg3: memref<16xi32, #tpu.memory_space<hbm>>, %arg4: memref<16384x1024xf32, #tpu.memory_space<hbm>>, %arg5: memref<16384x1024xf32, #tpu.memory_space<hbm>>, %arg6: memref<32xi32, #tpu.memory_space<vmem>>, %arg7: memref<32xi32, #tpu.memory_space<vmem>>, %arg8: memref<32xi32, #tpu.memory_space<vmem>>, %arg9: memref<16xi32, #tpu.memory_space<vmem>>, %arg10: memref<16xi32, #tpu.memory_space<vmem>>, %arg11: memref<32x1024xf32, #tpu.memory_space<vmem>>, %arg12: memref<32x1024xf32, #tpu.memory_space<vmem>>, %arg13: memref<32x1024xf32, #tpu.memory_space<vmem>>, %arg14: memref<!tpu.dma_semaphore, #tpu.memory_space<semaphore_mem>>, %arg15: memref<!tpu.dma_semaphore, #tpu.memory_space<semaphore_mem>>, %arg16: memref<!tpu.dma_semaphore, #tpu.memory_space<semaphore_mem>>, %arg17: memref<!tpu.dma_semaphore, #tpu.memory_space<semaphore_mem>>, %arg18: memref<!tpu.dma_semaphore, #tpu.memory_space<semaphore_mem>>, %arg19: memref<!tpu.dma_semaphore, #tpu.memory_space<semaphore_mem>>) attributes {dimension_semantics = [#tpu.dimension_semantics<core_parallel>, #tpu.dimension_semantics<subcore_parallel>], iteration_bounds = array<i64: 2, 16>, scalar_prefetch = 0 : i64, scratch_operands = 14 : i64, tpu.core_type = #tpu.core_type<sc_vector_subcore>, window_params = [{transform_indices = #map}, {transform_indices = #map}, {transform_indices = #map1}, {transform_indices = #map1}]} {
    %mul3A = arith.constant 2 : i32
    %mul3A_0 = arith.muli %arg1, %mul3A : i32
    %add3A = arith.addi %mul3A_0, %arg0 : i32
    %mul3A_1 = arith.constant 512 : i32
    %mul3A_2 = arith.muli %add3A, %mul3A_1 : i32
    "tpu.region"() ({
      %run_scoped3A = tpu.sem_alloc : memref<!tpu.dma_semaphore, #tpu.memory_space<semaphore_mem>>
      tpu.enqueue_dma source(%arg2 : memref<16xi32, #tpu.memory_space<hbm>>) target(%arg9 : memref<16xi32, #tpu.memory_space<vmem>>) target_semaphore(%run_scoped3A : memref<!tpu.dma_semaphore, #tpu.memory_space<semaphore_mem>>)
      tpu.wait_dma2 semaphore(%run_scoped3A : memref<!tpu.dma_semaphore, #tpu.memory_space<semaphore_mem>>) src(%arg2 : memref<16xi32, #tpu.memory_space<hbm>>) dst(%arg9 : memref<16xi32, #tpu.memory_space<vmem>>)
      tpu.yield
    }) : () -> ()
    "tpu.region"() ({
      %run_scoped3A = tpu.sem_alloc : memref<!tpu.dma_semaphore, #tpu.memory_space<semaphore_mem>>
      tpu.enqueue_dma source(%arg3 : memref<16xi32, #tpu.memory_space<hbm>>) target(%arg10 : memref<16xi32, #tpu.memory_space<vmem>>) target_semaphore(%run_scoped3A : memref<!tpu.dma_semaphore, #tpu.memory_space<semaphore_mem>>)
      tpu.wait_dma2 semaphore(%run_scoped3A : memref<!tpu.dma_semaphore, #tpu.memory_space<semaphore_mem>>) src(%arg3 : memref<16xi32, #tpu.memory_space<hbm>>) dst(%arg10 : memref<16xi32, #tpu.memory_space<vmem>>)
      tpu.yield
    }) : () -> ()
    %get3A = arith.constant 0 : index
    %get3A_3 = tpu.vector_load %arg9[%get3A] {strides = array<i32>} : memref<16xi32, #tpu.memory_space<vmem>>, vector<16xi32>,
    %get3A_4 = vector.shape_cast %get3A_3 : vector<16xi32> to vector<16xi32>
    %get3A_5 = arith.constant 0 : index
    %get3A_6 = tpu.vector_load %arg10[%get3A_5] {strides = array<i32>} : memref<16xi32, #tpu.memory_space<vmem>>, vector<16xi32>,
    %get3A_7 = vector.shape_cast %get3A_6 : vector<16xi32> to vector<16xi32>
    %iota3A = tpu.iota {dimensions = array<i32: 0>} : vector<16xi32>
    %add3A_8 = arith.constant 0 : i32
    %add3A_9 = arith.addi %mul3A_2, %add3A_8 : i32
    %add3A_10 = arith.constant 0 : i32
    %add3A_11 = arith.addi %add3A_9, %add3A_10 : i32
    %add3A_12 = vector.broadcast %add3A_11 : i32 to vector<16xi32>
    %add3A_13 = arith.addi %iota3A, %add3A_12 : vector<16xi32>
    %shift_right_logical3A = arith.constant 7 : i32
    %shift_right_logical3A_14 = vector.broadcast %shift_right_logical3A : i32 to vector<16xi32>
    %shift_right_logical3A_15 = arith.shrui %add3A_13, %shift_right_logical3A_14 : vector<16xi32>
    %and3A = arith.constant 127 : i32
    %and3A_16 = vector.broadcast %and3A : i32 to vector<16xi32>
    %and3A_17 = arith.andi %add3A_13, %and3A_16 : vector<16xi32>
    %lt3A = arith.cmpi slt, %shift_right_logical3A_15, %get3A_4 : vector<16xi32>
    %lt3A_18 = arith.cmpi slt, %and3A_17, %get3A_7 : vector<16xi32>
    %and3A_19 = arith.andi %lt3A, %lt3A_18 : vector<16xi1>
    %jit3A = arith.constant 0 : i32
    %broadcast_in_dim3A = vector.broadcast %jit3A : i32 to vector<16xi32>
    %select_n3A = arith.select %and3A_19, %add3A_13, %broadcast_in_dim3A : vector<16xi1>, vector<16xi32>
    %swap3A = arith.constant 0 : index
    %swap3A_20 = tpu.vector_load %arg6[%swap3A] {strides = array<i32>} : memref<32xi32, #tpu.memory_space<vmem>>, vector<16xi32>,
    %swap3A_21 = vector.shape_cast %swap3A_20 : vector<16xi32> to vector<16xi32>
    %swap3A_22 = vector.shape_cast %select_n3A : vector<16xi32> to vector<16xi32>
    tpu.vector_store %arg6[%swap3A], %swap3A_22 {strides = array<i32>} : memref<32xi32, #tpu.memory_space<vmem>>, vector<16xi32>,
    %add3A_23 = arith.constant 0 : i32
    %add3A_24 = arith.addi %mul3A_2, %add3A_23 : i32
    %add3A_25 = arith.constant 16 : i32
    %add3A_26 = arith.addi %add3A_24, %add3A_25 : i32
    %add3A_27 = vector.broadcast %add3A_26 : i32 to vector<16xi32>
    %add3A_28 = arith.addi %iota3A, %add3A_27 : vector<16xi32>
    %shift_right_logical3A_29 = arith.constant 7 : i32
    %shift_right_logical3A_30 = vector.broadcast %shift_right_logical3A_29 : i32 to vector<16xi32>
    %shift_right_logical3A_31 = arith.shrui %add3A_28, %shift_right_logical3A_30 : vector<16xi32>
    %and3A_32 = arith.constant 127 : i32
    %and3A_33 = vector.broadcast %and3A_32 : i32 to vector<16xi32>
    %and3A_34 = arith.andi %add3A_28, %and3A_33 : vector<16xi32>
    %lt3A_35 = arith.cmpi slt, %shift_right_logical3A_31, %get3A_4 : vector<16xi32>
    %lt3A_36 = arith.cmpi slt, %and3A_34, %get3A_7 : vector<16xi32>
    %and3A_37 = arith.andi %lt3A_35, %lt3A_36 : vector<16xi1>
    %jit3A_38 = arith.constant 0 : i32
    %broadcast_in_dim3A_39 = vector.broadcast %jit3A_38 : i32 to vector<16xi32>
    %select_n3A_40 = arith.select %and3A_37, %add3A_28, %broadcast_in_dim3A_39 : vector<16xi1>, vector<16xi32>
    %swap3A_41 = arith.constant 16 : index
    %swap3A_42 = tpu.vector_load %arg6[%swap3A_41] {strides = array<i32>} : memref<32xi32, #tpu.memory_space<vmem>>, vector<16xi32>,
    %swap3A_43 = vector.shape_cast %swap3A_42 : vector<16xi32> to vector<16xi32>
    %swap3A_44 = vector.shape_cast %select_n3A_40 : vector<16xi32> to vector<16xi32>
    tpu.vector_store %arg6[%swap3A_41], %swap3A_44 {strides = array<i32>} : memref<32xi32, #tpu.memory_space<vmem>>, vector<16xi32>,
    %dma_start3A = arith.constant 0 : i32
    %dma_start3A_45 = arith.constant 0 : i32
    %dma_start3A_46 = tpu.memref_slice %arg4[%dma_start3A, %dma_start3A_45] : memref<16384x1024xf32, #tpu.memory_space<hbm>> -> memref<16384x1024xf32, #tpu.memory_space<hbm>>
    tpu.enqueue_indirect_dma source(%dma_start3A_46 : memref<16384x1024xf32, #tpu.memory_space<hbm>>) target(%arg11 : memref<32x1024xf32, #tpu.memory_space<vmem>>) offsets(%arg6 : memref<32xi32, #tpu.memory_space<vmem>>) semaphore(%arg14 : memref<!tpu.dma_semaphore, #tpu.memory_space<semaphore_mem>>)
    %add3A_47 = arith.constant 32 : i32
    %add3A_48 = arith.addi %mul3A_2, %add3A_47 : i32
    %add3A_49 = arith.constant 0 : i32
    %add3A_50 = arith.addi %add3A_48, %add3A_49 : i32
    %add3A_51 = vector.broadcast %add3A_50 : i32 to vector<16xi32>
    %add3A_52 = arith.addi %iota3A, %add3A_51 : vector<16xi32>
    %shift_right_logical3A_53 = arith.constant 7 : i32
    %shift_right_logical3A_54 = vector.broadcast %shift_right_logical3A_53 : i32 to vector<16xi32>
    %shift_right_logical3A_55 = arith.shrui %add3A_52, %shift_right_logical3A_54 : vector<16xi32>
    %and3A_56 = arith.constant 127 : i32
    %and3A_57 = vector.broadcast %and3A_56 : i32 to vector<16xi32>
    %and3A_58 = arith.andi %add3A_52, %and3A_57 : vector<16xi32>
    %lt3A_59 = arith.cmpi slt, %shift_right_logical3A_55, %get3A_4 : vector<16xi32>
    %lt3A_60 = arith.cmpi slt, %and3A_58, %get3A_7 : vector<16xi32>
    %and3A_61 = arith.andi %lt3A_59, %lt3A_60 : vector<16xi1>
    %jit3A_62 = arith.constant 0 : i32
    %broadcast_in_dim3A_63 = vector.broadcast %jit3A_62 : i32 to vector<16xi32>
    %select_n3A_64 = arith.select %and3A_61, %add3A_52, %broadcast_in_dim3A_63 : vector<16xi1>, vector<16xi32>
    %swap3A_65 = arith.constant 0 : index
    %swap3A_66 = tpu.vector_load %arg7[%swap3A_65] {strides = array<i32>} : memref<32xi32, #tpu.memory_space<vmem>>, vector<16xi32>,
    %swap3A_67 = vector.shape_cast %swap3A_66 : vector<16xi32> to vector<16xi32>
    %swap3A_68 = vector.shape_cast %select_n3A_64 : vector<16xi32> to vector<16xi32>
    tpu.vector_store %arg7[%swap3A_65], %swap3A_68 {strides = array<i32>} : memref<32xi32, #tpu.memory_space<vmem>>, vector<16xi32>,
    %add3A_69 = arith.constant 32 : i32
    %add3A_70 = arith.addi %mul3A_2, %add3A_69 : i32
    %add3A_71 = arith.constant 16 : i32
    %add3A_72 = arith.addi %add3A_70, %add3A_71 : i32
    %add3A_73 = vector.broadcast %add3A_72 : i32 to vector<16xi32>
    %add3A_74 = arith.addi %iota3A, %add3A_73 : vector<16xi32>
    %shift_right_logical3A_75 = arith.constant 7 : i32
    %shift_right_logical3A_76 = vector.broadcast %shift_right_logical3A_75 : i32 to vector<16xi32>
    %shift_right_logical3A_77 = arith.shrui %add3A_74, %shift_right_logical3A_76 : vector<16xi32>
    %and3A_78 = arith.constant 127 : i32
    %and3A_79 = vector.broadcast %and3A_78 : i32 to vector<16xi32>
    %and3A_80 = arith.andi %add3A_74, %and3A_79 : vector<16xi32>
    %lt3A_81 = arith.cmpi slt, %shift_right_logical3A_77, %get3A_4 : vector<16xi32>
    %lt3A_82 = arith.cmpi slt, %and3A_80, %get3A_7 : vector<16xi32>
    %and3A_83 = arith.andi %lt3A_81, %lt3A_82 : vector<16xi1>
    %jit3A_84 = arith.constant 0 : i32
    %broadcast_in_dim3A_85 = vector.broadcast %jit3A_84 : i32 to vector<16xi32>
    %select_n3A_86 = arith.select %and3A_83, %add3A_74, %broadcast_in_dim3A_85 : vector<16xi1>, vector<16xi32>
    %swap3A_87 = arith.constant 16 : index
    %swap3A_88 = tpu.vector_load %arg7[%swap3A_87] {strides = array<i32>} : memref<32xi32, #tpu.memory_space<vmem>>, vector<16xi32>,
    %swap3A_89 = vector.shape_cast %swap3A_88 : vector<16xi32> to vector<16xi32>
    %swap3A_90 = vector.shape_cast %select_n3A_86 : vector<16xi32> to vector<16xi32>
    tpu.vector_store %arg7[%swap3A_87], %swap3A_90 {strides = array<i32>} : memref<32xi32, #tpu.memory_space<vmem>>, vector<16xi32>,
    %dma_start3A_91 = arith.constant 0 : i32
    %dma_start3A_92 = arith.constant 0 : i32
    %dma_start3A_93 = tpu.memref_slice %arg4[%dma_start3A_91, %dma_start3A_92] : memref<16384x1024xf32, #tpu.memory_space<hbm>> -> memref<16384x1024xf32, #tpu.memory_space<hbm>>
    tpu.enqueue_indirect_dma source(%dma_start3A_93 : memref<16384x1024xf32, #tpu.memory_space<hbm>>) target(%arg12 : memref<32x1024xf32, #tpu.memory_space<vmem>>) offsets(%arg7 : memref<32xi32, #tpu.memory_space<vmem>>) semaphore(%arg15 : memref<!tpu.dma_semaphore, #tpu.memory_space<semaphore_mem>>)
    %dma_wait3A = arith.constant 0 : i32
    %dma_wait3A_94 = arith.constant 0 : i32
    %dma_wait3A_95 = tpu.memref_slice %arg4[%dma_wait3A, %dma_wait3A_94] : memref<16384x1024xf32, #tpu.memory_space<hbm>> -> memref<16384x1024xf32, #tpu.memory_space<hbm>>
    tpu.wait_indirect_dma semaphore(%arg14 : memref<!tpu.dma_semaphore, #tpu.memory_space<semaphore_mem>>) src(%dma_wait3A_95 : memref<16384x1024xf32, #tpu.memory_space<hbm>>) dst(%arg11 : memref<32x1024xf32, #tpu.memory_space<vmem>>)
    %add3A_96 = arith.constant 0 : i32
    %add3A_97 = arith.addi %mul3A_2, %add3A_96 : i32
    %dma_start3A_98 = arith.constant 0 : i32
    %dma_start3A_99 = tpu.memref_slice %arg5[%add3A_97, %dma_start3A_98] : memref<16384x1024xf32, #tpu.memory_space<hbm>> -> memref<32x1024xf32, #tpu.memory_space<hbm>>
    %dma_start3A_100 = arith.constant 0 : i32
    %dma_start3A_101 = tpu.memref_slice %arg5[%add3A_97, %dma_start3A_100] : memref<16384x1024xf32, #tpu.memory_space<hbm>> -> memref<32x1024xf32, #tpu.memory_space<hbm>>
    tpu.enqueue_dma source(%arg11 : memref<32x1024xf32, #tpu.memory_space<vmem>>) target(%dma_start3A_101 : memref<32x1024xf32, #tpu.memory_space<hbm>>) target_semaphore(%arg17 : memref<!tpu.dma_semaphore, #tpu.memory_space<semaphore_mem>>)
    %add3A_102 = arith.constant 64 : i32
    %add3A_103 = arith.addi %mul3A_2, %add3A_102 : i32
    %add3A_104 = arith.constant 0 : i32
    %add3A_105 = arith.addi %add3A_103, %add3A_104 : i32
    %add3A_106 = vector.broadcast %add3A_105 : i32 to vector<16xi32>
    %add3A_107 = arith.addi %iota3A, %add3A_106 : vector<16xi32>
    %shift_right_logical3A_108 = arith.constant 7 : i32
    %shift_right_logical3A_109 = vector.broadcast %shift_right_logical3A_108 : i32 to vector<16xi32>
    %shift_right_logical3A_110 = arith.shrui %add3A_107, %shift_right_logical3A_109 : vector<16xi32>
    %and3A_111 = arith.constant 127 : i32
    %and3A_112 = vector.broadcast %and3A_111 : i32 to vector<16xi32>
    %and3A_113 = arith.andi %add3A_107, %and3A_112 : vector<16xi32>
    %lt3A_114 = arith.cmpi slt, %shift_right_logical3A_110, %get3A_4 : vector<16xi32>
    %lt3A_115 = arith.cmpi slt, %and3A_113, %get3A_7 : vector<16xi32>
    %and3A_116 = arith.andi %lt3A_114, %lt3A_115 : vector<16xi1>
    %jit3A_117 = arith.constant 0 : i32
    %broadcast_in_dim3A_118 = vector.broadcast %jit3A_117 : i32 to vector<16xi32>
    %select_n3A_119 = arith.select %and3A_116, %add3A_107, %broadcast_in_dim3A_118 : vector<16xi1>, vector<16xi32>
    %swap3A_120 = arith.constant 0 : index
    %swap3A_121 = tpu.vector_load %arg8[%swap3A_120] {strides = array<i32>} : memref<32xi32, #tpu.memory_space<vmem>>, vector<16xi32>,
    %swap3A_122 = vector.shape_cast %swap3A_121 : vector<16xi32> to vector<16xi32>
    %swap3A_123 = vector.shape_cast %select_n3A_119 : vector<16xi32> to vector<16xi32>
    tpu.vector_store %arg8[%swap3A_120], %swap3A_123 {strides = array<i32>} : memref<32xi32, #tpu.memory_space<vmem>>, vector<16xi32>,
    %add3A_124 = arith.constant 64 : i32
    %add3A_125 = arith.addi %mul3A_2, %add3A_124 : i32
    %add3A_126 = arith.constant 16 : i32
    %add3A_127 = arith.addi %add3A_125, %add3A_126 : i32
    %add3A_128 = vector.broadcast %add3A_127 : i32 to vector<16xi32>
    %add3A_129 = arith.addi %iota3A, %add3A_128 : vector<16xi32>
    %shift_right_logical3A_130 = arith.constant 7 : i32
    %shift_right_logical3A_131 = vector.broadcast %shift_right_logical3A_130 : i32 to vector<16xi32>
    %shift_right_logical3A_132 = arith.shrui %add3A_129, %shift_right_logical3A_131 : vector<16xi32>
    %and3A_133 = arith.constant 127 : i32
    %and3A_134 = vector.broadcast %and3A_133 : i32 to vector<16xi32>
    %and3A_135 = arith.andi %add3A_129, %and3A_134 : vector<16xi32>
    %lt3A_136 = arith.cmpi slt, %shift_right_logical3A_132, %get3A_4 : vector<16xi32>
    %lt3A_137 = arith.cmpi slt, %and3A_135, %get3A_7 : vector<16xi32>
    %and3A_138 = arith.andi %lt3A_136, %lt3A_137 : vector<16xi1>
    %jit3A_139 = arith.constant 0 : i32
    %broadcast_in_dim3A_140 = vector.broadcast %jit3A_139 : i32 to vector<16xi32>
    %select_n3A_141 = arith.select %and3A_138, %add3A_129, %broadcast_in_dim3A_140 : vector<16xi1>, vector<16xi32>
    %swap3A_142 = arith.constant 16 : index
    %swap3A_143 = tpu.vector_load %arg8[%swap3A_142] {strides = array<i32>} : memref<32xi32, #tpu.memory_space<vmem>>, vector<16xi32>,
    %swap3A_144 = vector.shape_cast %swap3A_143 : vector<16xi32> to vector<16xi32>
    %swap3A_145 = vector.shape_cast %select_n3A_141 : vector<16xi32> to vector<16xi32>
    tpu.vector_store %arg8[%swap3A_142], %swap3A_145 {strides = array<i32>} : memref<32xi32, #tpu.memory_space<vmem>>, vector<16xi32>,
    %dma_start3A_146 = arith.constant 0 : i32
    %dma_start3A_147 = arith.constant 0 : i32
    %dma_start3A_148 = tpu.memref_slice %arg4[%dma_start3A_146, %dma_start3A_147] : memref<16384x1024xf32, #tpu.memory_space<hbm>> -> memref<16384x1024xf32, #tpu.memory_space<hbm>>
    tpu.enqueue_indirect_dma source(%dma_start3A_148 : memref<16384x1024xf32, #tpu.memory_space<hbm>>) target(%arg13 : memref<32x1024xf32, #tpu.memory_space<vmem>>) offsets(%arg8 : memref<32xi32, #tpu.memory_space<vmem>>) semaphore(%arg16 : memref<!tpu.dma_semaphore, #tpu.memory_space<semaphore_mem>>)
    %dma_wait3A_149 = arith.constant 0 : i32
    %dma_wait3A_150 = arith.constant 0 : i32
    %dma_wait3A_151 = tpu.memref_slice %arg4[%dma_wait3A_149, %dma_wait3A_150] : memref<16384x1024xf32, #tpu.memory_space<hbm>> -> memref<16384x1024xf32, #tpu.memory_space<hbm>>
    tpu.wait_indirect_dma semaphore(%arg15 : memref<!tpu.dma_semaphore, #tpu.memory_space<semaphore_mem>>) src(%dma_wait3A_151 : memref<16384x1024xf32, #tpu.memory_space<hbm>>) dst(%arg12 : memref<32x1024xf32, #tpu.memory_space<vmem>>)
    %add3A_152 = arith.constant 32 : i32
    %add3A_153 = arith.addi %mul3A_2, %add3A_152 : i32
    %dma_start3A_154 = arith.constant 0 : i32
    %dma_start3A_155 = tpu.memref_slice %arg5[%add3A_153, %dma_start3A_154] : memref<16384x1024xf32, #tpu.memory_space<hbm>> -> memref<32x1024xf32, #tpu.memory_space<hbm>>
    %dma_start3A_156 = arith.constant 0 : i32
    %dma_start3A_157 = tpu.memref_slice %arg5[%add3A_153, %dma_start3A_156] : memref<16384x1024xf32, #tpu.memory_space<hbm>> -> memref<32x1024xf32, #tpu.memory_space<hbm>>
    tpu.enqueue_dma source(%arg12 : memref<32x1024xf32, #tpu.memory_space<vmem>>) target(%dma_start3A_157 : memref<32x1024xf32, #tpu.memory_space<hbm>>) target_semaphore(%arg18 : memref<!tpu.dma_semaphore, #tpu.memory_space<semaphore_mem>>)
    %dma_wait3A_158 = arith.constant 0 : i32
    %dma_wait3A_159 = tpu.memref_slice %arg5[%add3A_97, %dma_wait3A_158] : memref<16384x1024xf32, #tpu.memory_space<hbm>> -> memref<32x1024xf32, #tpu.memory_space<hbm>>
    %dma_wait3A_160 = arith.constant 0 : i32
    %dma_wait3A_161 = tpu.memref_slice %arg5[%add3A_97, %dma_wait3A_160] : memref<16384x1024xf32, #tpu.memory_space<hbm>> -> memref<32x1024xf32, #tpu.memory_space<hbm>>
    tpu.wait_dma2 semaphore(%arg17 : memref<!tpu.dma_semaphore, #tpu.memory_space<semaphore_mem>>) src(%arg11 : memref<32x1024xf32, #tpu.memory_space<vmem>>) dst(%dma_wait3A_161 : memref<32x1024xf32, #tpu.memory_space<hbm>>)
    %add3A_162 = arith.constant 96 : i32
    %add3A_163 = arith.addi %mul3A_2, %add3A_162 : i32
    %add3A_164 = arith.constant 0 : i32
    %add3A_165 = arith.addi %add3A_163, %add3A_164 : i32
    %add3A_166 = vector.broadcast %add3A_165 : i32 to vector<16xi32>
    %add3A_167 = arith.addi %iota3A, %add3A_166 : vector<16xi32>
    %shift_right_logical3A_168 = arith.constant 7 : i32
    %shift_right_logical3A_169 = vector.broadcast %shift_right_logical3A_168 : i32 to vector<16xi32>
    %shift_right_logical3A_170 = arith.shrui %add3A_167, %shift_right_logical3A_169 : vector<16xi32>
    %and3A_171 = arith.constant 127 : i32
    %and3A_172 = vector.broadcast %and3A_171 : i32 to vector<16xi32>
    %and3A_173 = arith.andi %add3A_167, %and3A_172 : vector<16xi32>
    %lt3A_174 = arith.cmpi slt, %shift_right_logical3A_170, %get3A_4 : vector<16xi32>
    %lt3A_175 = arith.cmpi slt, %and3A_173, %get3A_7 : vector<16xi32>
    %and3A_176 = arith.andi %lt3A_174, %lt3A_175 : vector<16xi1>
    %jit3A_177 = arith.constant 0 : i32
    %broadcast_in_dim3A_178 = vector.broadcast %jit3A_177 : i32 to vector<16xi32>
    %select_n3A_179 = arith.select %and3A_176, %add3A_167, %broadcast_in_dim3A_178 : vector<16xi1>, vector<16xi32>
    %swap3A_180 = arith.constant 0 : index
    %swap3A_181 = tpu.vector_load %arg6[%swap3A_180] {strides = array<i32>} : memref<32xi32, #tpu.memory_space<vmem>>, vector<16xi32>,
    %swap3A_182 = vector.shape_cast %swap3A_181 : vector<16xi32> to vector<16xi32>
    %swap3A_183 = vector.shape_cast %select_n3A_179 : vector<16xi32> to vector<16xi32>
    tpu.vector_store %arg6[%swap3A_180], %swap3A_183 {strides = array<i32>} : memref<32xi32, #tpu.memory_space<vmem>>, vector<16xi32>,
    %add3A_184 = arith.constant 96 : i32
    %add3A_185 = arith.addi %mul3A_2, %add3A_184 : i32
    %add3A_186 = arith.constant 16 : i32
    %add3A_187 = arith.addi %add3A_185, %add3A_186 : i32
    %add3A_188 = vector.broadcast %add3A_187 : i32 to vector<16xi32>
    %add3A_189 = arith.addi %iota3A, %add3A_188 : vector<16xi32>
    %shift_right_logical3A_190 = arith.constant 7 : i32
    %shift_right_logical3A_191 = vector.broadcast %shift_right_logical3A_190 : i32 to vector<16xi32>
    %shift_right_logical3A_192 = arith.shrui %add3A_189, %shift_right_logical3A_191 : vector<16xi32>
    %and3A_193 = arith.constant 127 : i32
    %and3A_194 = vector.broadcast %and3A_193 : i32 to vector<16xi32>
    %and3A_195 = arith.andi %add3A_189, %and3A_194 : vector<16xi32>
    %lt3A_196 = arith.cmpi slt, %shift_right_logical3A_192, %get3A_4 : vector<16xi32>
    %lt3A_197 = arith.cmpi slt, %and3A_195, %get3A_7 : vector<16xi32>
    %and3A_198 = arith.andi %lt3A_196, %lt3A_197 : vector<16xi1>
    %jit3A_199 = arith.constant 0 : i32
    %broadcast_in_dim3A_200 = vector.broadcast %jit3A_199 : i32 to vector<16xi32>
    %select_n3A_201 = arith.select %and3A_198, %add3A_189, %broadcast_in_dim3A_200 : vector<16xi1>, vector<16xi32>
    %swap3A_202 = arith.constant 16 : index
    %swap3A_203 = tpu.vector_load %arg6[%swap3A_202] {strides = array<i32>} : memref<32xi32, #tpu.memory_space<vmem>>, vector<16xi32>,
    %swap3A_204 = vector.shape_cast %swap3A_203 : vector<16xi32> to vector<16xi32>
    %swap3A_205 = vector.shape_cast %select_n3A_201 : vector<16xi32> to vector<16xi32>
    tpu.vector_store %arg6[%swap3A_202], %swap3A_205 {strides = array<i32>} : memref<32xi32, #tpu.memory_space<vmem>>, vector<16xi32>,
    %dma_start3A_206 = arith.constant 0 : i32
    %dma_start3A_207 = arith.constant 0 : i32
    %dma_start3A_208 = tpu.memref_slice %arg4[%dma_start3A_206, %dma_start3A_207] : memref<16384x1024xf32, #tpu.memory_space<hbm>> -> memref<16384x1024xf32, #tpu.memory_space<hbm>>
    tpu.enqueue_indirect_dma source(%dma_start3A_208 : memref<16384x1024xf32, #tpu.memory_space<hbm>>) target(%arg11 : memref<32x1024xf32, #tpu.memory_space<vmem>>) offsets(%arg6 : memref<32xi32, #tpu.memory_space<vmem>>) semaphore(%arg14 : memref<!tpu.dma_semaphore, #tpu.memory_space<semaphore_mem>>)
    %dma_wait3A_209 = arith.constant 0 : i32
    %dma_wait3A_210 = arith.constant 0 : i32
    %dma_wait3A_211 = tpu.memref_slice %arg4[%dma_wait3A_209, %dma_wait3A_210] : memref<16384x1024xf32, #tpu.memory_space<hbm>> -> memref<16384x1024xf32, #tpu.memory_space<hbm>>
    tpu.wait_indirect_dma semaphore(%arg16 : memref<!tpu.dma_semaphore, #tpu.memory_space<semaphore_mem>>) src(%dma_wait3A_211 : memref<16384x1024xf32, #tpu.memory_space<hbm>>) dst(%arg13 : memref<32x1024xf32, #tpu.memory_space<vmem>>)
    %add3A_212 = arith.constant 64 : i32
    %add3A_213 = arith.addi %mul3A_2, %add3A_212 : i32
    %dma_start3A_214 = arith.constant 0 : i32
    %dma_start3A_215 = tpu.memref_slice %arg5[%add3A_213, %dma_start3A_214] : memref<16384x1024xf32, #tpu.memory_space<hbm>> -> memref<32x1024xf32, #tpu.memory_space<hbm>>
    %dma_start3A_216 = arith.constant 0 : i32
    %dma_start3A_217 = tpu.memref_slice %arg5[%add3A_213, %dma_start3A_216] : memref<16384x1024xf32, #tpu.memory_space<hbm>> -> memref<32x1024xf32, #tpu.memory_space<hbm>>
    tpu.enqueue_dma source(%arg13 : memref<32x1024xf32, #tpu.memory_space<vmem>>) target(%dma_start3A_217 : memref<32x1024xf32, #tpu.memory_space<hbm>>) target_semaphore(%arg19 : memref<!tpu.dma_semaphore, #tpu.memory_space<semaphore_mem>>)
    %dma_wait3A_218 = arith.constant 0 : i32
    %dma_wait3A_219 = tpu.memref_slice %arg5[%add3A_153, %dma_wait3A_218] : memref<16384x1024xf32, #tpu.memory_space<hbm>> -> memref<32x1024xf32, #tpu.memory_space<hbm>>
    %dma_wait3A_220 = arith.constant 0 : i32
    %dma_wait3A_221 = tpu.memref_slice %arg5[%add3A_153, %dma_wait3A_220] : memref<16384x1024xf32, #tpu.memory_space<hbm>> -> memref<32x1024xf32, #tpu.memory_space<hbm>>
    tpu.wait_dma2 semaphore(%arg18 : memref<!tpu.dma_semaphore, #tpu.memory_space<semaphore_mem>>) src(%arg12 : memref<32x1024xf32, #tpu.memory_space<vmem>>) dst(%dma_wait3A_221 : memref<32x1024xf32, #tpu.memory_space<hbm>>)
    %add3A_222 = arith.constant 128 : i32
    %add3A_223 = arith.addi %mul3A_2, %add3A_222 : i32
    %add3A_224 = arith.constant 0 : i32
    %add3A_225 = arith.addi %add3A_223, %add3A_224 : i32
    %add3A_226 = vector.broadcast %add3A_225 : i32 to vector<16xi32>
    %add3A_227 = arith.addi %iota3A, %add3A_226 : vector<16xi32>
    %shift_right_logical3A_228 = arith.constant 7 : i32
    %shift_right_logical3A_229 = vector.broadcast %shift_right_logical3A_228 : i32 to vector<16xi32>
    %shift_right_logical3A_230 = arith.shrui %add3A_227, %shift_right_logical3A_229 : vector<16xi32>
    %and3A_231 = arith.constant 127 : i32
    %and3A_232 = vector.broadcast %and3A_231 : i32 to vector<16xi32>
    %and3A_233 = arith.andi %add3A_227, %and3A_232 : vector<16xi32>
    %lt3A_234 = arith.cmpi slt, %shift_right_logical3A_230, %get3A_4 : vector<16xi32>
    %lt3A_235 = arith.cmpi slt, %and3A_233, %get3A_7 : vector<16xi32>
    %and3A_236 = arith.andi %lt3A_234, %lt3A_235 : vector<16xi1>
    %jit3A_237 = arith.constant 0 : i32
    %broadcast_in_dim3A_238 = vector.broadcast %jit3A_237 : i32 to vector<16xi32>
    %select_n3A_239 = arith.select %and3A_236, %add3A_227, %broadcast_in_dim3A_238 : vector<16xi1>, vector<16xi32>
    %swap3A_240 = arith.constant 0 : index
    %swap3A_241 = tpu.vector_load %arg7[%swap3A_240] {strides = array<i32>} : memref<32xi32, #tpu.memory_space<vmem>>, vector<16xi32>,
    %swap3A_242 = vector.shape_cast %swap3A_241 : vector<16xi32> to vector<16xi32>
    %swap3A_243 = vector.shape_cast %select_n3A_239 : vector<16xi32> to vector<16xi32>
    tpu.vector_store %arg7[%swap3A_240], %swap3A_243 {strides = array<i32>} : memref<32xi32, #tpu.memory_space<vmem>>, vector<16xi32>,
    %add3A_244 = arith.constant 128 : i32
    %add3A_245 = arith.addi %mul3A_2, %add3A_244 : i32
    %add3A_246 = arith.constant 16 : i32
    %add3A_247 = arith.addi %add3A_245, %add3A_246 : i32
    %add3A_248 = vector.broadcast %add3A_247 : i32 to vector<16xi32>
    %add3A_249 = arith.addi %iota3A, %add3A_248 : vector<16xi32>
    %shift_right_logical3A_250 = arith.constant 7 : i32
    %shift_right_logical3A_251 = vector.broadcast %shift_right_logical3A_250 : i32 to vector<16xi32>
    %shift_right_logical3A_252 = arith.shrui %add3A_249, %shift_right_logical3A_251 : vector<16xi32>
    %and3A_253 = arith.constant 127 : i32
    %and3A_254 = vector.broadcast %and3A_253 : i32 to vector<16xi32>
    %and3A_255 = arith.andi %add3A_249, %and3A_254 : vector<16xi32>
    %lt3A_256 = arith.cmpi slt, %shift_right_logical3A_252, %get3A_4 : vector<16xi32>
    %lt3A_257 = arith.cmpi slt, %and3A_255, %get3A_7 : vector<16xi32>
    %and3A_258 = arith.andi %lt3A_256, %lt3A_257 : vector<16xi1>
    %jit3A_259 = arith.constant 0 : i32
    %broadcast_in_dim3A_260 = vector.broadcast %jit3A_259 : i32 to vector<16xi32>
    %select_n3A_261 = arith.select %and3A_258, %add3A_249, %broadcast_in_dim3A_260 : vector<16xi1>, vector<16xi32>
    %swap3A_262 = arith.constant 16 : index
    %swap3A_263 = tpu.vector_load %arg7[%swap3A_262] {strides = array<i32>} : memref<32xi32, #tpu.memory_space<vmem>>, vector<16xi32>,
    %swap3A_264 = vector.shape_cast %swap3A_263 : vector<16xi32> to vector<16xi32>
    %swap3A_265 = vector.shape_cast %select_n3A_261 : vector<16xi32> to vector<16xi32>
    tpu.vector_store %arg7[%swap3A_262], %swap3A_265 {strides = array<i32>} : memref<32xi32, #tpu.memory_space<vmem>>, vector<16xi32>,
    %dma_start3A_266 = arith.constant 0 : i32
    %dma_start3A_267 = arith.constant 0 : i32
    %dma_start3A_268 = tpu.memref_slice %arg4[%dma_start3A_266, %dma_start3A_267] : memref<16384x1024xf32, #tpu.memory_space<hbm>> -> memref<16384x1024xf32, #tpu.memory_space<hbm>>
    tpu.enqueue_indirect_dma source(%dma_start3A_268 : memref<16384x1024xf32, #tpu.memory_space<hbm>>) target(%arg12 : memref<32x1024xf32, #tpu.memory_space<vmem>>) offsets(%arg7 : memref<32xi32, #tpu.memory_space<vmem>>) semaphore(%arg15 : memref<!tpu.dma_semaphore, #tpu.memory_space<semaphore_mem>>)
    %dma_wait3A_269 = arith.constant 0 : i32
    %dma_wait3A_270 = arith.constant 0 : i32
    %dma_wait3A_271 = tpu.memref_slice %arg4[%dma_wait3A_269, %dma_wait3A_270] : memref<16384x1024xf32, #tpu.memory_space<hbm>> -> memref<16384x1024xf32, #tpu.memory_space<hbm>>
    tpu.wait_indirect_dma semaphore(%arg14 : memref<!tpu.dma_semaphore, #tpu.memory_space<semaphore_mem>>) src(%dma_wait3A_271 : memref<16384x1024xf32, #tpu.memory_space<hbm>>) dst(%arg11 : memref<32x1024xf32, #tpu.memory_space<vmem>>)
    %add3A_272 = arith.constant 96 : i32
    %add3A_273 = arith.addi %mul3A_2, %add3A_272 : i32
    %dma_start3A_274 = arith.constant 0 : i32
    %dma_start3A_275 = tpu.memref_slice %arg5[%add3A_273, %dma_start3A_274] : memref<16384x1024xf32, #tpu.memory_space<hbm>> -> memref<32x1024xf32, #tpu.memory_space<hbm>>
    %dma_start3A_276 = arith.constant 0 : i32
    %dma_start3A_277 = tpu.memref_slice %arg5[%add3A_273, %dma_start3A_276] : memref<16384x1024xf32, #tpu.memory_space<hbm>> -> memref<32x1024xf32, #tpu.memory_space<hbm>>
    tpu.enqueue_dma source(%arg11 : memref<32x1024xf32, #tpu.memory_space<vmem>>) target(%dma_start3A_277 : memref<32x1024xf32, #tpu.memory_space<hbm>>) target_semaphore(%arg17 : memref<!tpu.dma_semaphore, #tpu.memory_space<semaphore_mem>>)
    %dma_wait3A_278 = arith.constant 0 : i32
    %dma_wait3A_279 = tpu.memref_slice %arg5[%add3A_213, %dma_wait3A_278] : memref<16384x1024xf32, #tpu.memory_space<hbm>> -> memref<32x1024xf32, #tpu.memory_space<hbm>>
    %dma_wait3A_280 = arith.constant 0 : i32
    %dma_wait3A_281 = tpu.memref_slice %arg5[%add3A_213, %dma_wait3A_280] : memref<16384x1024xf32, #tpu.memory_space<hbm>> -> memref<32x1024xf32, #tpu.memory_space<hbm>>
    tpu.wait_dma2 semaphore(%arg19 : memref<!tpu.dma_semaphore, #tpu.memory_space<semaphore_mem>>) src(%arg13 : memref<32x1024xf32, #tpu.memory_space<vmem>>) dst(%dma_wait3A_281 : memref<32x1024xf32, #tpu.memory_space<hbm>>)
    %add3A_282 = arith.constant 160 : i32
    %add3A_283 = arith.addi %mul3A_2, %add3A_282 : i32
    %add3A_284 = arith.constant 0 : i32
    %add3A_285 = arith.addi %add3A_283, %add3A_284 : i32
    %add3A_286 = vector.broadcast %add3A_285 : i32 to vector<16xi32>
    %add3A_287 = arith.addi %iota3A, %add3A_286 : vector<16xi32>
    %shift_right_logical3A_288 = arith.constant 7 : i32
    %shift_right_logical3A_289 = vector.broadcast %shift_right_logical3A_288 : i32 to vector<16xi32>
    %shift_right_logical3A_290 = arith.shrui %add3A_287, %shift_right_logical3A_289 : vector<16xi32>
    %and3A_291 = arith.constant 127 : i32
    %and3A_292 = vector.broadcast %and3A_291 : i32 to vector<16xi32>
    %and3A_293 = arith.andi %add3A_287, %and3A_292 : vector<16xi32>
    %lt3A_294 = arith.cmpi slt, %shift_right_logical3A_290, %get3A_4 : vector<16xi32>
    %lt3A_295 = arith.cmpi slt, %and3A_293, %get3A_7 : vector<16xi32>
    %and3A_296 = arith.andi %lt3A_294, %lt3A_295 : vector<16xi1>
    %jit3A_297 = arith.constant 0 : i32
    %broadcast_in_dim3A_298 = vector.broadcast %jit3A_297 : i32 to vector<16xi32>
    %select_n3A_299 = arith.select %and3A_296, %add3A_287, %broadcast_in_dim3A_298 : vector<16xi1>, vector<16xi32>
    %swap3A_300 = arith.constant 0 : index
    %swap3A_301 = tpu.vector_load %arg8[%swap3A_300] {strides = array<i32>} : memref<32xi32, #tpu.memory_space<vmem>>, vector<16xi32>,
    %swap3A_302 = vector.shape_cast %swap3A_301 : vector<16xi32> to vector<16xi32>
    %swap3A_303 = vector.shape_cast %select_n3A_299 : vector<16xi32> to vector<16xi32>
    tpu.vector_store %arg8[%swap3A_300], %swap3A_303 {strides = array<i32>} : memref<32xi32, #tpu.memory_space<vmem>>, vector<16xi32>,
    %add3A_304 = arith.constant 160 : i32
    %add3A_305 = arith.addi %mul3A_2, %add3A_304 : i32
    %add3A_306 = arith.constant 16 : i32
    %add3A_307 = arith.addi %add3A_305, %add3A_306 : i32
    %add3A_308 = vector.broadcast %add3A_307 : i32 to vector<16xi32>
    %add3A_309 = arith.addi %iota3A, %add3A_308 : vector<16xi32>
    %shift_right_logical3A_310 = arith.constant 7 : i32
    %shift_right_logical3A_311 = vector.broadcast %shift_right_logical3A_310 : i32 to vector<16xi32>
    %shift_right_logical3A_312 = arith.shrui %add3A_309, %shift_right_logical3A_311 : vector<16xi32>
    %and3A_313 = arith.constant 127 : i32
    %and3A_314 = vector.broadcast %and3A_313 : i32 to vector<16xi32>
    %and3A_315 = arith.andi %add3A_309, %and3A_314 : vector<16xi32>
    %lt3A_316 = arith.cmpi slt, %shift_right_logical3A_312, %get3A_4 : vector<16xi32>
    %lt3A_317 = arith.cmpi slt, %and3A_315, %get3A_7 : vector<16xi32>
    %and3A_318 = arith.andi %lt3A_316, %lt3A_317 : vector<16xi1>
    %jit3A_319 = arith.constant 0 : i32
    %broadcast_in_dim3A_320 = vector.broadcast %jit3A_319 : i32 to vector<16xi32>
    %select_n3A_321 = arith.select %and3A_318, %add3A_309, %broadcast_in_dim3A_320 : vector<16xi1>, vector<16xi32>
    %swap3A_322 = arith.constant 16 : index
    %swap3A_323 = tpu.vector_load %arg8[%swap3A_322] {strides = array<i32>} : memref<32xi32, #tpu.memory_space<vmem>>, vector<16xi32>,
    %swap3A_324 = vector.shape_cast %swap3A_323 : vector<16xi32> to vector<16xi32>
    %swap3A_325 = vector.shape_cast %select_n3A_321 : vector<16xi32> to vector<16xi32>
    tpu.vector_store %arg8[%swap3A_322], %swap3A_325 {strides = array<i32>} : memref<32xi32, #tpu.memory_space<vmem>>, vector<16xi32>,
    %dma_start3A_326 = arith.constant 0 : i32
    %dma_start3A_327 = arith.constant 0 : i32
    %dma_start3A_328 = tpu.memref_slice %arg4[%dma_start3A_326, %dma_start3A_327] : memref<16384x1024xf32, #tpu.memory_space<hbm>> -> memref<16384x1024xf32, #tpu.memory_space<hbm>>
    tpu.enqueue_indirect_dma source(%dma_start3A_328 : memref<16384x1024xf32, #tpu.memory_space<hbm>>) target(%arg13 : memref<32x1024xf32, #tpu.memory_space<vmem>>) offsets(%arg8 : memref<32xi32, #tpu.memory_space<vmem>>) semaphore(%arg16 : memref<!tpu.dma_semaphore, #tpu.memory_space<semaphore_mem>>)
    %dma_wait3A_329 = arith.constant 0 : i32
    %dma_wait3A_330 = arith.constant 0 : i32
    %dma_wait3A_331 = tpu.memref_slice %arg4[%dma_wait3A_329, %dma_wait3A_330] : memref<16384x1024xf32, #tpu.memory_space<hbm>> -> memref<16384x1024xf32, #tpu.memory_space<hbm>>
    tpu.wait_indirect_dma semaphore(%arg15 : memref<!tpu.dma_semaphore, #tpu.memory_space<semaphore_mem>>) src(%dma_wait3A_331 : memref<16384x1024xf32, #tpu.memory_space<hbm>>) dst(%arg12 : memref<32x1024xf32, #tpu.memory_space<vmem>>)
    %add3A_332 = arith.constant 128 : i32
    %add3A_333 = arith.addi %mul3A_2, %add3A_332 : i32
    %dma_start3A_334 = arith.constant 0 : i32
    %dma_start3A_335 = tpu.memref_slice %arg5[%add3A_333, %dma_start3A_334] : memref<16384x1024xf32, #tpu.memory_space<hbm>> -> memref<32x1024xf32, #tpu.memory_space<hbm>>
    %dma_start3A_336 = arith.constant 0 : i32
    %dma_start3A_337 = tpu.memref_slice %arg5[%add3A_333, %dma_start3A_336] : memref<16384x1024xf32, #tpu.memory_space<hbm>> -> memref<32x1024xf32, #tpu.memory_space<hbm>>
    tpu.enqueue_dma source(%arg12 : memref<32x1024xf32, #tpu.memory_space<vmem>>) target(%dma_start3A_337 : memref<32x1024xf32, #tpu.memory_space<hbm>>) target_semaphore(%arg18 : memref<!tpu.dma_semaphore, #tpu.memory_space<semaphore_mem>>)
    %dma_wait3A_338 = arith.constant 0 : i32
    %dma_wait3A_339 = tpu.memref_slice %arg5[%add3A_273, %dma_wait3A_338] : memref<16384x1024xf32, #tpu.memory_space<hbm>> -> memref<32x1024xf32, #tpu.memory_space<hbm>>
    %dma_wait3A_340 = arith.constant 0 : i32
    %dma_wait3A_341 = tpu.memref_slice %arg5[%add3A_273, %dma_wait3A_340] : memref<16384x1024xf32, #tpu.memory_space<hbm>> -> memref<32x1024xf32, #tpu.memory_space<hbm>>
    tpu.wait_dma2 semaphore(%arg17 : memref<!tpu.dma_semaphore, #tpu.memory_space<semaphore_mem>>) src(%arg11 : memref<32x1024xf32, #tpu.memory_space<vmem>>) dst(%dma_wait3A_341 : memref<32x1024xf32, #tpu.memory_space<hbm>>)
    %add3A_342 = arith.constant 192 : i32
    %add3A_343 = arith.addi %mul3A_2, %add3A_342 : i32
    %add3A_344 = arith.constant 0 : i32
    %add3A_345 = arith.addi %add3A_343, %add3A_344 : i32
    %add3A_346 = vector.broadcast %add3A_345 : i32 to vector<16xi32>
    %add3A_347 = arith.addi %iota3A, %add3A_346 : vector<16xi32>
    %shift_right_logical3A_348 = arith.constant 7 : i32
    %shift_right_logical3A_349 = vector.broadcast %shift_right_logical3A_348 : i32 to vector<16xi32>
    %shift_right_logical3A_350 = arith.shrui %add3A_347, %shift_right_logical3A_349 : vector<16xi32>
    %and3A_351 = arith.constant 127 : i32
    %and3A_352 = vector.broadcast %and3A_351 : i32 to vector<16xi32>
    %and3A_353 = arith.andi %add3A_347, %and3A_352 : vector<16xi32>
    %lt3A_354 = arith.cmpi slt, %shift_right_logical3A_350, %get3A_4 : vector<16xi32>
    %lt3A_355 = arith.cmpi slt, %and3A_353, %get3A_7 : vector<16xi32>
    %and3A_356 = arith.andi %lt3A_354, %lt3A_355 : vector<16xi1>
    %jit3A_357 = arith.constant 0 : i32
    %broadcast_in_dim3A_358 = vector.broadcast %jit3A_357 : i32 to vector<16xi32>
    %select_n3A_359 = arith.select %and3A_356, %add3A_347, %broadcast_in_dim3A_358 : vector<16xi1>, vector<16xi32>
    %swap3A_360 = arith.constant 0 : index
    %swap3A_361 = tpu.vector_load %arg6[%swap3A_360] {strides = array<i32>} : memref<32xi32, #tpu.memory_space<vmem>>, vector<16xi32>,
    %swap3A_362 = vector.shape_cast %swap3A_361 : vector<16xi32> to vector<16xi32>
    %swap3A_363 = vector.shape_cast %select_n3A_359 : vector<16xi32> to vector<16xi32>
    tpu.vector_store %arg6[%swap3A_360], %swap3A_363 {strides = array<i32>} : memref<32xi32, #tpu.memory_space<vmem>>, vector<16xi32>,
    %add3A_364 = arith.constant 192 : i32
    %add3A_365 = arith.addi %mul3A_2, %add3A_364 : i32
    %add3A_366 = arith.constant 16 : i32
    %add3A_367 = arith.addi %add3A_365, %add3A_366 : i32
    %add3A_368 = vector.broadcast %add3A_367 : i32 to vector<16xi32>
    %add3A_369 = arith.addi %iota3A, %add3A_368 : vector<16xi32>
    %shift_right_logical3A_370 = arith.constant 7 : i32
    %shift_right_logical3A_371 = vector.broadcast %shift_right_logical3A_370 : i32 to vector<16xi32>
    %shift_right_logical3A_372 = arith.shrui %add3A_369, %shift_right_logical3A_371 : vector<16xi32>
    %and3A_373 = arith.constant 127 : i32
    %and3A_374 = vector.broadcast %and3A_373 : i32 to vector<16xi32>
    %and3A_375 = arith.andi %add3A_369, %and3A_374 : vector<16xi32>
    %lt3A_376 = arith.cmpi slt, %shift_right_logical3A_372, %get3A_4 : vector<16xi32>
    %lt3A_377 = arith.cmpi slt, %and3A_375, %get3A_7 : vector<16xi32>
    %and3A_378 = arith.andi %lt3A_376, %lt3A_377 : vector<16xi1>
    %jit3A_379 = arith.constant 0 : i32
    %broadcast_in_dim3A_380 = vector.broadcast %jit3A_379 : i32 to vector<16xi32>
    %select_n3A_381 = arith.select %and3A_378, %add3A_369, %broadcast_in_dim3A_380 : vector<16xi1>, vector<16xi32>
    %swap3A_382 = arith.constant 16 : index
    %swap3A_383 = tpu.vector_load %arg6[%swap3A_382] {strides = array<i32>} : memref<32xi32, #tpu.memory_space<vmem>>, vector<16xi32>,
    %swap3A_384 = vector.shape_cast %swap3A_383 : vector<16xi32> to vector<16xi32>
    %swap3A_385 = vector.shape_cast %select_n3A_381 : vector<16xi32> to vector<16xi32>
    tpu.vector_store %arg6[%swap3A_382], %swap3A_385 {strides = array<i32>} : memref<32xi32, #tpu.memory_space<vmem>>, vector<16xi32>,
    %dma_start3A_386 = arith.constant 0 : i32
    %dma_start3A_387 = arith.constant 0 : i32
    %dma_start3A_388 = tpu.memref_slice %arg4[%dma_start3A_386, %dma_start3A_387] : memref<16384x1024xf32, #tpu.memory_space<hbm>> -> memref<16384x1024xf32, #tpu.memory_space<hbm>>
    tpu.enqueue_indirect_dma source(%dma_start3A_388 : memref<16384x1024xf32, #tpu.memory_space<hbm>>) target(%arg11 : memref<32x1024xf32, #tpu.memory_space<vmem>>) offsets(%arg6 : memref<32xi32, #tpu.memory_space<vmem>>) semaphore(%arg14 : memref<!tpu.dma_semaphore, #tpu.memory_space<semaphore_mem>>)
    %dma_wait3A_389 = arith.constant 0 : i32
    %dma_wait3A_390 = arith.constant 0 : i32
    %dma_wait3A_391 = tpu.memref_slice %arg4[%dma_wait3A_389, %dma_wait3A_390] : memref<16384x1024xf32, #tpu.memory_space<hbm>> -> memref<16384x1024xf32, #tpu.memory_space<hbm>>
    tpu.wait_indirect_dma semaphore(%arg16 : memref<!tpu.dma_semaphore, #tpu.memory_space<semaphore_mem>>) src(%dma_wait3A_391 : memref<16384x1024xf32, #tpu.memory_space<hbm>>) dst(%arg13 : memref<32x1024xf32, #tpu.memory_space<vmem>>)
    %add3A_392 = arith.constant 160 : i32
    %add3A_393 = arith.addi %mul3A_2, %add3A_392 : i32
    %dma_start3A_394 = arith.constant 0 : i32
    %dma_start3A_395 = tpu.memref_slice %arg5[%add3A_393, %dma_start3A_394] : memref<16384x1024xf32, #tpu.memory_space<hbm>> -> memref<32x1024xf32, #tpu.memory_space<hbm>>
    %dma_start3A_396 = arith.constant 0 : i32
    %dma_start3A_397 = tpu.memref_slice %arg5[%add3A_393, %dma_start3A_396] : memref<16384x1024xf32, #tpu.memory_space<hbm>> -> memref<32x1024xf32, #tpu.memory_space<hbm>>
    tpu.enqueue_dma source(%arg13 : memref<32x1024xf32, #tpu.memory_space<vmem>>) target(%dma_start3A_397 : memref<32x1024xf32, #tpu.memory_space<hbm>>) target_semaphore(%arg19 : memref<!tpu.dma_semaphore, #tpu.memory_space<semaphore_mem>>)
    %dma_wait3A_398 = arith.constant 0 : i32
    %dma_wait3A_399 = tpu.memref_slice %arg5[%add3A_333, %dma_wait3A_398] : memref<16384x1024xf32, #tpu.memory_space<hbm>> -> memref<32x1024xf32, #tpu.memory_space<hbm>>
    %dma_wait3A_400 = arith.constant 0 : i32
    %dma_wait3A_401 = tpu.memref_slice %arg5[%add3A_333, %dma_wait3A_400] : memref<16384x1024xf32, #tpu.memory_space<hbm>> -> memref<32x1024xf32, #tpu.memory_space<hbm>>
    tpu.wait_dma2 semaphore(%arg18 : memref<!tpu.dma_semaphore, #tpu.memory_space<semaphore_mem>>) src(%arg12 : memref<32x1024xf32, #tpu.memory_space<vmem>>) dst(%dma_wait3A_401 : memref<32x1024xf32, #tpu.memory_space<hbm>>)
    %add3A_402 = arith.constant 224 : i32
    %add3A_403 = arith.addi %mul3A_2, %add3A_402 : i32
    %add3A_404 = arith.constant 0 : i32
    %add3A_405 = arith.addi %add3A_403, %add3A_404 : i32
    %add3A_406 = vector.broadcast %add3A_405 : i32 to vector<16xi32>
    %add3A_407 = arith.addi %iota3A, %add3A_406 : vector<16xi32>
    %shift_right_logical3A_408 = arith.constant 7 : i32
    %shift_right_logical3A_409 = vector.broadcast %shift_right_logical3A_408 : i32 to vector<16xi32>
    %shift_right_logical3A_410 = arith.shrui %add3A_407, %shift_right_logical3A_409 : vector<16xi32>
    %and3A_411 = arith.constant 127 : i32
    %and3A_412 = vector.broadcast %and3A_411 : i32 to vector<16xi32>
    %and3A_413 = arith.andi %add3A_407, %and3A_412 : vector<16xi32>
    %lt3A_414 = arith.cmpi slt, %shift_right_logical3A_410, %get3A_4 : vector<16xi32>
    %lt3A_415 = arith.cmpi slt, %and3A_413, %get3A_7 : vector<16xi32>
    %and3A_416 = arith.andi %lt3A_414, %lt3A_415 : vector<16xi1>
    %jit3A_417 = arith.constant 0 : i32
    %broadcast_in_dim3A_418 = vector.broadcast %jit3A_417 : i32 to vector<16xi32>
    %select_n3A_419 = arith.select %and3A_416, %add3A_407, %broadcast_in_dim3A_418 : vector<16xi1>, vector<16xi32>
    %swap3A_420 = arith.constant 0 : index
    %swap3A_421 = tpu.vector_load %arg7[%swap3A_420] {strides = array<i32>} : memref<32xi32, #tpu.memory_space<vmem>>, vector<16xi32>,
    %swap3A_422 = vector.shape_cast %swap3A_421 : vector<16xi32> to vector<16xi32>
    %swap3A_423 = vector.shape_cast %select_n3A_419 : vector<16xi32> to vector<16xi32>
    tpu.vector_store %arg7[%swap3A_420], %swap3A_423 {strides = array<i32>} : memref<32xi32, #tpu.memory_space<vmem>>, vector<16xi32>,
    %add3A_424 = arith.constant 224 : i32
    %add3A_425 = arith.addi %mul3A_2, %add3A_424 : i32
    %add3A_426 = arith.constant 16 : i32
    %add3A_427 = arith.addi %add3A_425, %add3A_426 : i32
    %add3A_428 = vector.broadcast %add3A_427 : i32 to vector<16xi32>
    %add3A_429 = arith.addi %iota3A, %add3A_428 : vector<16xi32>
    %shift_right_logical3A_430 = arith.constant 7 : i32
    %shift_right_logical3A_431 = vector.broadcast %shift_right_logical3A_430 : i32 to vector<16xi32>
    %shift_right_logical3A_432 = arith.shrui %add3A_429, %shift_right_logical3A_431 : vector<16xi32>
    %and3A_433 = arith.constant 127 : i32
    %and3A_434 = vector.broadcast %and3A_433 : i32 to vector<16xi32>
    %and3A_435 = arith.andi %add3A_429, %and3A_434 : vector<16xi32>
    %lt3A_436 = arith.cmpi slt, %shift_right_logical3A_432, %get3A_4 : vector<16xi32>
    %lt3A_437 = arith.cmpi slt, %and3A_435, %get3A_7 : vector<16xi32>
    %and3A_438 = arith.andi %lt3A_436, %lt3A_437 : vector<16xi1>
    %jit3A_439 = arith.constant 0 : i32
    %broadcast_in_dim3A_440 = vector.broadcast %jit3A_439 : i32 to vector<16xi32>
    %select_n3A_441 = arith.select %and3A_438, %add3A_429, %broadcast_in_dim3A_440 : vector<16xi1>, vector<16xi32>
    %swap3A_442 = arith.constant 16 : index
    %swap3A_443 = tpu.vector_load %arg7[%swap3A_442] {strides = array<i32>} : memref<32xi32, #tpu.memory_space<vmem>>, vector<16xi32>,
    %swap3A_444 = vector.shape_cast %swap3A_443 : vector<16xi32> to vector<16xi32>
    %swap3A_445 = vector.shape_cast %select_n3A_441 : vector<16xi32> to vector<16xi32>
    tpu.vector_store %arg7[%swap3A_442], %swap3A_445 {strides = array<i32>} : memref<32xi32, #tpu.memory_space<vmem>>, vector<16xi32>,
    %dma_start3A_446 = arith.constant 0 : i32
    %dma_start3A_447 = arith.constant 0 : i32
    %dma_start3A_448 = tpu.memref_slice %arg4[%dma_start3A_446, %dma_start3A_447] : memref<16384x1024xf32, #tpu.memory_space<hbm>> -> memref<16384x1024xf32, #tpu.memory_space<hbm>>
    tpu.enqueue_indirect_dma source(%dma_start3A_448 : memref<16384x1024xf32, #tpu.memory_space<hbm>>) target(%arg12 : memref<32x1024xf32, #tpu.memory_space<vmem>>) offsets(%arg7 : memref<32xi32, #tpu.memory_space<vmem>>) semaphore(%arg15 : memref<!tpu.dma_semaphore, #tpu.memory_space<semaphore_mem>>)
    %dma_wait3A_449 = arith.constant 0 : i32
    %dma_wait3A_450 = arith.constant 0 : i32
    %dma_wait3A_451 = tpu.memref_slice %arg4[%dma_wait3A_449, %dma_wait3A_450] : memref<16384x1024xf32, #tpu.memory_space<hbm>> -> memref<16384x1024xf32, #tpu.memory_space<hbm>>
    tpu.wait_indirect_dma semaphore(%arg14 : memref<!tpu.dma_semaphore, #tpu.memory_space<semaphore_mem>>) src(%dma_wait3A_451 : memref<16384x1024xf32, #tpu.memory_space<hbm>>) dst(%arg11 : memref<32x1024xf32, #tpu.memory_space<vmem>>)
    %add3A_452 = arith.constant 192 : i32
    %add3A_453 = arith.addi %mul3A_2, %add3A_452 : i32
    %dma_start3A_454 = arith.constant 0 : i32
    %dma_start3A_455 = tpu.memref_slice %arg5[%add3A_453, %dma_start3A_454] : memref<16384x1024xf32, #tpu.memory_space<hbm>> -> memref<32x1024xf32, #tpu.memory_space<hbm>>
    %dma_start3A_456 = arith.constant 0 : i32
    %dma_start3A_457 = tpu.memref_slice %arg5[%add3A_453, %dma_start3A_456] : memref<16384x1024xf32, #tpu.memory_space<hbm>> -> memref<32x1024xf32, #tpu.memory_space<hbm>>
    tpu.enqueue_dma source(%arg11 : memref<32x1024xf32, #tpu.memory_space<vmem>>) target(%dma_start3A_457 : memref<32x1024xf32, #tpu.memory_space<hbm>>) target_semaphore(%arg17 : memref<!tpu.dma_semaphore, #tpu.memory_space<semaphore_mem>>)
    %dma_wait3A_458 = arith.constant 0 : i32
    %dma_wait3A_459 = tpu.memref_slice %arg5[%add3A_393, %dma_wait3A_458] : memref<16384x1024xf32, #tpu.memory_space<hbm>> -> memref<32x1024xf32, #tpu.memory_space<hbm>>
    %dma_wait3A_460 = arith.constant 0 : i32
    %dma_wait3A_461 = tpu.memref_slice %arg5[%add3A_393, %dma_wait3A_460] : memref<16384x1024xf32, #tpu.memory_space<hbm>> -> memref<32x1024xf32, #tpu.memory_space<hbm>>
    tpu.wait_dma2 semaphore(%arg19 : memref<!tpu.dma_semaphore, #tpu.memory_space<semaphore_mem>>) src(%arg13 : memref<32x1024xf32, #tpu.memory_space<vmem>>) dst(%dma_wait3A_461 : memref<32x1024xf32, #tpu.memory_space<hbm>>)
    %add3A_462 = arith.constant 256 : i32
    %add3A_463 = arith.addi %mul3A_2, %add3A_462 : i32
    %add3A_464 = arith.constant 0 : i32
    %add3A_465 = arith.addi %add3A_463, %add3A_464 : i32
    %add3A_466 = vector.broadcast %add3A_465 : i32 to vector<16xi32>
    %add3A_467 = arith.addi %iota3A, %add3A_466 : vector<16xi32>
    %shift_right_logical3A_468 = arith.constant 7 : i32
    %shift_right_logical3A_469 = vector.broadcast %shift_right_logical3A_468 : i32 to vector<16xi32>
    %shift_right_logical3A_470 = arith.shrui %add3A_467, %shift_right_logical3A_469 : vector<16xi32>
    %and3A_471 = arith.constant 127 : i32
    %and3A_472 = vector.broadcast %and3A_471 : i32 to vector<16xi32>
    %and3A_473 = arith.andi %add3A_467, %and3A_472 : vector<16xi32>
    %lt3A_474 = arith.cmpi slt, %shift_right_logical3A_470, %get3A_4 : vector<16xi32>
    %lt3A_475 = arith.cmpi slt, %and3A_473, %get3A_7 : vector<16xi32>
    %and3A_476 = arith.andi %lt3A_474, %lt3A_475 : vector<16xi1>
    %jit3A_477 = arith.constant 0 : i32
    %broadcast_in_dim3A_478 = vector.broadcast %jit3A_477 : i32 to vector<16xi32>
    %select_n3A_479 = arith.select %and3A_476, %add3A_467, %broadcast_in_dim3A_478 : vector<16xi1>, vector<16xi32>
    %swap3A_480 = arith.constant 0 : index
    %swap3A_481 = tpu.vector_load %arg8[%swap3A_480] {strides = array<i32>} : memref<32xi32, #tpu.memory_space<vmem>>, vector<16xi32>,
    %swap3A_482 = vector.shape_cast %swap3A_481 : vector<16xi32> to vector<16xi32>
    %swap3A_483 = vector.shape_cast %select_n3A_479 : vector<16xi32> to vector<16xi32>
    tpu.vector_store %arg8[%swap3A_480], %swap3A_483 {strides = array<i32>} : memref<32xi32, #tpu.memory_space<vmem>>, vector<16xi32>,
    %add3A_484 = arith.constant 256 : i32
    %add3A_485 = arith.addi %mul3A_2, %add3A_484 : i32
    %add3A_486 = arith.constant 16 : i32
    %add3A_487 = arith.addi %add3A_485, %add3A_486 : i32
    %add3A_488 = vector.broadcast %add3A_487 : i32 to vector<16xi32>
    %add3A_489 = arith.addi %iota3A, %add3A_488 : vector<16xi32>
    %shift_right_logical3A_490 = arith.constant 7 : i32
    %shift_right_logical3A_491 = vector.broadcast %shift_right_logical3A_490 : i32 to vector<16xi32>
    %shift_right_logical3A_492 = arith.shrui %add3A_489, %shift_right_logical3A_491 : vector<16xi32>
    %and3A_493 = arith.constant 127 : i32
    %and3A_494 = vector.broadcast %and3A_493 : i32 to vector<16xi32>
    %and3A_495 = arith.andi %add3A_489, %and3A_494 : vector<16xi32>
    %lt3A_496 = arith.cmpi slt, %shift_right_logical3A_492, %get3A_4 : vector<16xi32>
    %lt3A_497 = arith.cmpi slt, %and3A_495, %get3A_7 : vector<16xi32>
    %and3A_498 = arith.andi %lt3A_496, %lt3A_497 : vector<16xi1>
    %jit3A_499 = arith.constant 0 : i32
    %broadcast_in_dim3A_500 = vector.broadcast %jit3A_499 : i32 to vector<16xi32>
    %select_n3A_501 = arith.select %and3A_498, %add3A_489, %broadcast_in_dim3A_500 : vector<16xi1>, vector<16xi32>
    %swap3A_502 = arith.constant 16 : index
    %swap3A_503 = tpu.vector_load %arg8[%swap3A_502] {strides = array<i32>} : memref<32xi32, #tpu.memory_space<vmem>>, vector<16xi32>,
    %swap3A_504 = vector.shape_cast %swap3A_503 : vector<16xi32> to vector<16xi32>
    %swap3A_505 = vector.shape_cast %select_n3A_501 : vector<16xi32> to vector<16xi32>
    tpu.vector_store %arg8[%swap3A_502], %swap3A_505 {strides = array<i32>} : memref<32xi32, #tpu.memory_space<vmem>>, vector<16xi32>,
    %dma_start3A_506 = arith.constant 0 : i32
    %dma_start3A_507 = arith.constant 0 : i32
    %dma_start3A_508 = tpu.memref_slice %arg4[%dma_start3A_506, %dma_start3A_507] : memref<16384x1024xf32, #tpu.memory_space<hbm>> -> memref<16384x1024xf32, #tpu.memory_space<hbm>>
    tpu.enqueue_indirect_dma source(%dma_start3A_508 : memref<16384x1024xf32, #tpu.memory_space<hbm>>) target(%arg13 : memref<32x1024xf32, #tpu.memory_space<vmem>>) offsets(%arg8 : memref<32xi32, #tpu.memory_space<vmem>>) semaphore(%arg16 : memref<!tpu.dma_semaphore, #tpu.memory_space<semaphore_mem>>)
    %dma_wait3A_509 = arith.constant 0 : i32
    %dma_wait3A_510 = arith.constant 0 : i32
    %dma_wait3A_511 = tpu.memref_slice %arg4[%dma_wait3A_509, %dma_wait3A_510] : memref<16384x1024xf32, #tpu.memory_space<hbm>> -> memref<16384x1024xf32, #tpu.memory_space<hbm>>
    tpu.wait_indirect_dma semaphore(%arg15 : memref<!tpu.dma_semaphore, #tpu.memory_space<semaphore_mem>>) src(%dma_wait3A_511 : memref<16384x1024xf32, #tpu.memory_space<hbm>>) dst(%arg12 : memref<32x1024xf32, #tpu.memory_space<vmem>>)
    %add3A_512 = arith.constant 224 : i32
    %add3A_513 = arith.addi %mul3A_2, %add3A_512 : i32
    %dma_start3A_514 = arith.constant 0 : i32
    %dma_start3A_515 = tpu.memref_slice %arg5[%add3A_513, %dma_start3A_514] : memref<16384x1024xf32, #tpu.memory_space<hbm>> -> memref<32x1024xf32, #tpu.memory_space<hbm>>
    %dma_start3A_516 = arith.constant 0 : i32
    %dma_start3A_517 = tpu.memref_slice %arg5[%add3A_513, %dma_start3A_516] : memref<16384x1024xf32, #tpu.memory_space<hbm>> -> memref<32x1024xf32, #tpu.memory_space<hbm>>
    tpu.enqueue_dma source(%arg12 : memref<32x1024xf32, #tpu.memory_space<vmem>>) target(%dma_start3A_517 : memref<32x1024xf32, #tpu.memory_space<hbm>>) target_semaphore(%arg18 : memref<!tpu.dma_semaphore, #tpu.memory_space<semaphore_mem>>)
    %dma_wait3A_518 = arith.constant 0 : i32
    %dma_wait3A_519 = tpu.memref_slice %arg5[%add3A_453, %dma_wait3A_518] : memref<16384x1024xf32, #tpu.memory_space<hbm>> -> memref<32x1024xf32, #tpu.memory_space<hbm>>
    %dma_wait3A_520 = arith.constant 0 : i32
    %dma_wait3A_521 = tpu.memref_slice %arg5[%add3A_453, %dma_wait3A_520] : memref<16384x1024xf32, #tpu.memory_space<hbm>> -> memref<32x1024xf32, #tpu.memory_space<hbm>>
    tpu.wait_dma2 semaphore(%arg17 : memref<!tpu.dma_semaphore, #tpu.memory_space<semaphore_mem>>) src(%arg11 : memref<32x1024xf32, #tpu.memory_space<vmem>>) dst(%dma_wait3A_521 : memref<32x1024xf32, #tpu.memory_space<hbm>>)
    %add3A_522 = arith.constant 288 : i32
    %add3A_523 = arith.addi %mul3A_2, %add3A_522 : i32
    %add3A_524 = arith.constant 0 : i32
    %add3A_525 = arith.addi %add3A_523, %add3A_524 : i32
    %add3A_526 = vector.broadcast %add3A_525 : i32 to vector<16xi32>
    %add3A_527 = arith.addi %iota3A, %add3A_526 : vector<16xi32>
    %shift_right_logical3A_528 = arith.constant 7 : i32
    %shift_right_logical3A_529 = vector.broadcast %shift_right_logical3A_528 : i32 to vector<16xi32>
    %shift_right_logical3A_530 = arith.shrui %add3A_527, %shift_right_logical3A_529 : vector<16xi32>
    %and3A_531 = arith.constant 127 : i32
    %and3A_532 = vector.broadcast %and3A_531 : i32 to vector<16xi32>
    %and3A_533 = arith.andi %add3A_527, %and3A_532 : vector<16xi32>
    %lt3A_534 = arith.cmpi slt, %shift_right_logical3A_530, %get3A_4 : vector<16xi32>
    %lt3A_535 = arith.cmpi slt, %and3A_533, %get3A_7 : vector<16xi32>
    %and3A_536 = arith.andi %lt3A_534, %lt3A_535 : vector<16xi1>
    %jit3A_537 = arith.constant 0 : i32
    %broadcast_in_dim3A_538 = vector.broadcast %jit3A_537 : i32 to vector<16xi32>
    %select_n3A_539 = arith.select %and3A_536, %add3A_527, %broadcast_in_dim3A_538 : vector<16xi1>, vector<16xi32>
    %swap3A_540 = arith.constant 0 : index
    %swap3A_541 = tpu.vector_load %arg6[%swap3A_540] {strides = array<i32>} : memref<32xi32, #tpu.memory_space<vmem>>, vector<16xi32>,
    %swap3A_542 = vector.shape_cast %swap3A_541 : vector<16xi32> to vector<16xi32>
    %swap3A_543 = vector.shape_cast %select_n3A_539 : vector<16xi32> to vector<16xi32>
    tpu.vector_store %arg6[%swap3A_540], %swap3A_543 {strides = array<i32>} : memref<32xi32, #tpu.memory_space<vmem>>, vector<16xi32>,
    %add3A_544 = arith.constant 288 : i32
    %add3A_545 = arith.addi %mul3A_2, %add3A_544 : i32
    %add3A_546 = arith.constant 16 : i32
    %add3A_547 = arith.addi %add3A_545, %add3A_546 : i32
    %add3A_548 = vector.broadcast %add3A_547 : i32 to vector<16xi32>
    %add3A_549 = arith.addi %iota3A, %add3A_548 : vector<16xi32>
    %shift_right_logical3A_550 = arith.constant 7 : i32
    %shift_right_logical3A_551 = vector.broadcast %shift_right_logical3A_550 : i32 to vector<16xi32>
    %shift_right_logical3A_552 = arith.shrui %add3A_549, %shift_right_logical3A_551 : vector<16xi32>
    %and3A_553 = arith.constant 127 : i32
    %and3A_554 = vector.broadcast %and3A_553 : i32 to vector<16xi32>
    %and3A_555 = arith.andi %add3A_549, %and3A_554 : vector<16xi32>
    %lt3A_556 = arith.cmpi slt, %shift_right_logical3A_552, %get3A_4 : vector<16xi32>
    %lt3A_557 = arith.cmpi slt, %and3A_555, %get3A_7 : vector<16xi32>
    %and3A_558 = arith.andi %lt3A_556, %lt3A_557 : vector<16xi1>
    %jit3A_559 = arith.constant 0 : i32
    %broadcast_in_dim3A_560 = vector.broadcast %jit3A_559 : i32 to vector<16xi32>
    %select_n3A_561 = arith.select %and3A_558, %add3A_549, %broadcast_in_dim3A_560 : vector<16xi1>, vector<16xi32>
    %swap3A_562 = arith.constant 16 : index
    %swap3A_563 = tpu.vector_load %arg6[%swap3A_562] {strides = array<i32>} : memref<32xi32, #tpu.memory_space<vmem>>, vector<16xi32>,
    %swap3A_564 = vector.shape_cast %swap3A_563 : vector<16xi32> to vector<16xi32>
    %swap3A_565 = vector.shape_cast %select_n3A_561 : vector<16xi32> to vector<16xi32>
    tpu.vector_store %arg6[%swap3A_562], %swap3A_565 {strides = array<i32>} : memref<32xi32, #tpu.memory_space<vmem>>, vector<16xi32>,
    %dma_start3A_566 = arith.constant 0 : i32
    %dma_start3A_567 = arith.constant 0 : i32
    %dma_start3A_568 = tpu.memref_slice %arg4[%dma_start3A_566, %dma_start3A_567] : memref<16384x1024xf32, #tpu.memory_space<hbm>> -> memref<16384x1024xf32, #tpu.memory_space<hbm>>
    tpu.enqueue_indirect_dma source(%dma_start3A_568 : memref<16384x1024xf32, #tpu.memory_space<hbm>>) target(%arg11 : memref<32x1024xf32, #tpu.memory_space<vmem>>) offsets(%arg6 : memref<32xi32, #tpu.memory_space<vmem>>) semaphore(%arg14 : memref<!tpu.dma_semaphore, #tpu.memory_space<semaphore_mem>>)
    %dma_wait3A_569 = arith.constant 0 : i32
    %dma_wait3A_570 = arith.constant 0 : i32
    %dma_wait3A_571 = tpu.memref_slice %arg4[%dma_wait3A_569, %dma_wait3A_570] : memref<16384x1024xf32, #tpu.memory_space<hbm>> -> memref<16384x1024xf32, #tpu.memory_space<hbm>>
    tpu.wait_indirect_dma semaphore(%arg16 : memref<!tpu.dma_semaphore, #tpu.memory_space<semaphore_mem>>) src(%dma_wait3A_571 : memref<16384x1024xf32, #tpu.memory_space<hbm>>) dst(%arg13 : memref<32x1024xf32, #tpu.memory_space<vmem>>)
    %add3A_572 = arith.constant 256 : i32
    %add3A_573 = arith.addi %mul3A_2, %add3A_572 : i32
    %dma_start3A_574 = arith.constant 0 : i32
    %dma_start3A_575 = tpu.memref_slice %arg5[%add3A_573, %dma_start3A_574] : memref<16384x1024xf32, #tpu.memory_space<hbm>> -> memref<32x1024xf32, #tpu.memory_space<hbm>>
    %dma_start3A_576 = arith.constant 0 : i32
    %dma_start3A_577 = tpu.memref_slice %arg5[%add3A_573, %dma_start3A_576] : memref<16384x1024xf32, #tpu.memory_space<hbm>> -> memref<32x1024xf32, #tpu.memory_space<hbm>>
    tpu.enqueue_dma source(%arg13 : memref<32x1024xf32, #tpu.memory_space<vmem>>) target(%dma_start3A_577 : memref<32x1024xf32, #tpu.memory_space<hbm>>) target_semaphore(%arg19 : memref<!tpu.dma_semaphore, #tpu.memory_space<semaphore_mem>>)
    %dma_wait3A_578 = arith.constant 0 : i32
    %dma_wait3A_579 = tpu.memref_slice %arg5[%add3A_513, %dma_wait3A_578] : memref<16384x1024xf32, #tpu.memory_space<hbm>> -> memref<32x1024xf32, #tpu.memory_space<hbm>>
    %dma_wait3A_580 = arith.constant 0 : i32
    %dma_wait3A_581 = tpu.memref_slice %arg5[%add3A_513, %dma_wait3A_580] : memref<16384x1024xf32, #tpu.memory_space<hbm>> -> memref<32x1024xf32, #tpu.memory_space<hbm>>
    tpu.wait_dma2 semaphore(%arg18 : memref<!tpu.dma_semaphore, #tpu.memory_space<semaphore_mem>>) src(%arg12 : memref<32x1024xf32, #tpu.memory_space<vmem>>) dst(%dma_wait3A_581 : memref<32x1024xf32, #tpu.memory_space<hbm>>)
    %add3A_582 = arith.constant 320 : i32
    %add3A_583 = arith.addi %mul3A_2, %add3A_582 : i32
    %add3A_584 = arith.constant 0 : i32
    %add3A_585 = arith.addi %add3A_583, %add3A_584 : i32
    %add3A_586 = vector.broadcast %add3A_585 : i32 to vector<16xi32>
    %add3A_587 = arith.addi %iota3A, %add3A_586 : vector<16xi32>
    %shift_right_logical3A_588 = arith.constant 7 : i32
    %shift_right_logical3A_589 = vector.broadcast %shift_right_logical3A_588 : i32 to vector<16xi32>
    %shift_right_logical3A_590 = arith.shrui %add3A_587, %shift_right_logical3A_589 : vector<16xi32>
    %and3A_591 = arith.constant 127 : i32
    %and3A_592 = vector.broadcast %and3A_591 : i32 to vector<16xi32>
    %and3A_593 = arith.andi %add3A_587, %and3A_592 : vector<16xi32>
    %lt3A_594 = arith.cmpi slt, %shift_right_logical3A_590, %get3A_4 : vector<16xi32>
    %lt3A_595 = arith.cmpi slt, %and3A_593, %get3A_7 : vector<16xi32>
    %and3A_596 = arith.andi %lt3A_594, %lt3A_595 : vector<16xi1>
    %jit3A_597 = arith.constant 0 : i32
    %broadcast_in_dim3A_598 = vector.broadcast %jit3A_597 : i32 to vector<16xi32>
    %select_n3A_599 = arith.select %and3A_596, %add3A_587, %broadcast_in_dim3A_598 : vector<16xi1>, vector<16xi32>
    %swap3A_600 = arith.constant 0 : index
    %swap3A_601 = tpu.vector_load %arg7[%swap3A_600] {strides = array<i32>} : memref<32xi32, #tpu.memory_space<vmem>>, vector<16xi32>,
    %swap3A_602 = vector.shape_cast %swap3A_601 : vector<16xi32> to vector<16xi32>
    %swap3A_603 = vector.shape_cast %select_n3A_599 : vector<16xi32> to vector<16xi32>
    tpu.vector_store %arg7[%swap3A_600], %swap3A_603 {strides = array<i32>} : memref<32xi32, #tpu.memory_space<vmem>>, vector<16xi32>,
    %add3A_604 = arith.constant 320 : i32
    %add3A_605 = arith.addi %mul3A_2, %add3A_604 : i32
    %add3A_606 = arith.constant 16 : i32
    %add3A_607 = arith.addi %add3A_605, %add3A_606 : i32
    %add3A_608 = vector.broadcast %add3A_607 : i32 to vector<16xi32>
    %add3A_609 = arith.addi %iota3A, %add3A_608 : vector<16xi32>
    %shift_right_logical3A_610 = arith.constant 7 : i32
    %shift_right_logical3A_611 = vector.broadcast %shift_right_logical3A_610 : i32 to vector<16xi32>
    %shift_right_logical3A_612 = arith.shrui %add3A_609, %shift_right_logical3A_611 : vector<16xi32>
    %and3A_613 = arith.constant 127 : i32
    %and3A_614 = vector.broadcast %and3A_613 : i32 to vector<16xi32>
    %and3A_615 = arith.andi %add3A_609, %and3A_614 : vector<16xi32>
    %lt3A_616 = arith.cmpi slt, %shift_right_logical3A_612, %get3A_4 : vector<16xi32>
    %lt3A_617 = arith.cmpi slt, %and3A_615, %get3A_7 : vector<16xi32>
    %and3A_618 = arith.andi %lt3A_616, %lt3A_617 : vector<16xi1>
    %jit3A_619 = arith.constant 0 : i32
    %broadcast_in_dim3A_620 = vector.broadcast %jit3A_619 : i32 to vector<16xi32>
    %select_n3A_621 = arith.select %and3A_618, %add3A_609, %broadcast_in_dim3A_620 : vector<16xi1>, vector<16xi32>
    %swap3A_622 = arith.constant 16 : index
    %swap3A_623 = tpu.vector_load %arg7[%swap3A_622] {strides = array<i32>} : memref<32xi32, #tpu.memory_space<vmem>>, vector<16xi32>,
    %swap3A_624 = vector.shape_cast %swap3A_623 : vector<16xi32> to vector<16xi32>
    %swap3A_625 = vector.shape_cast %select_n3A_621 : vector<16xi32> to vector<16xi32>
    tpu.vector_store %arg7[%swap3A_622], %swap3A_625 {strides = array<i32>} : memref<32xi32, #tpu.memory_space<vmem>>, vector<16xi32>,
    %dma_start3A_626 = arith.constant 0 : i32
    %dma_start3A_627 = arith.constant 0 : i32
    %dma_start3A_628 = tpu.memref_slice %arg4[%dma_start3A_626, %dma_start3A_627] : memref<16384x1024xf32, #tpu.memory_space<hbm>> -> memref<16384x1024xf32, #tpu.memory_space<hbm>>
    tpu.enqueue_indirect_dma source(%dma_start3A_628 : memref<16384x1024xf32, #tpu.memory_space<hbm>>) target(%arg12 : memref<32x1024xf32, #tpu.memory_space<vmem>>) offsets(%arg7 : memref<32xi32, #tpu.memory_space<vmem>>) semaphore(%arg15 : memref<!tpu.dma_semaphore, #tpu.memory_space<semaphore_mem>>)
    %dma_wait3A_629 = arith.constant 0 : i32
    %dma_wait3A_630 = arith.constant 0 : i32
    %dma_wait3A_631 = tpu.memref_slice %arg4[%dma_wait3A_629, %dma_wait3A_630] : memref<16384x1024xf32, #tpu.memory_space<hbm>> -> memref<16384x1024xf32, #tpu.memory_space<hbm>>
    tpu.wait_indirect_dma semaphore(%arg14 : memref<!tpu.dma_semaphore, #tpu.memory_space<semaphore_mem>>) src(%dma_wait3A_631 : memref<16384x1024xf32, #tpu.memory_space<hbm>>) dst(%arg11 : memref<32x1024xf32, #tpu.memory_space<vmem>>)
    %add3A_632 = arith.constant 288 : i32
    %add3A_633 = arith.addi %mul3A_2, %add3A_632 : i32
    %dma_start3A_634 = arith.constant 0 : i32
    %dma_start3A_635 = tpu.memref_slice %arg5[%add3A_633, %dma_start3A_634] : memref<16384x1024xf32, #tpu.memory_space<hbm>> -> memref<32x1024xf32, #tpu.memory_space<hbm>>
    %dma_start3A_636 = arith.constant 0 : i32
    %dma_start3A_637 = tpu.memref_slice %arg5[%add3A_633, %dma_start3A_636] : memref<16384x1024xf32, #tpu.memory_space<hbm>> -> memref<32x1024xf32, #tpu.memory_space<hbm>>
    tpu.enqueue_dma source(%arg11 : memref<32x1024xf32, #tpu.memory_space<vmem>>) target(%dma_start3A_637 : memref<32x1024xf32, #tpu.memory_space<hbm>>) target_semaphore(%arg17 : memref<!tpu.dma_semaphore, #tpu.memory_space<semaphore_mem>>)
    %dma_wait3A_638 = arith.constant 0 : i32
    %dma_wait3A_639 = tpu.memref_slice %arg5[%add3A_573, %dma_wait3A_638] : memref<16384x1024xf32, #tpu.memory_space<hbm>> -> memref<32x1024xf32, #tpu.memory_space<hbm>>
    %dma_wait3A_640 = arith.constant 0 : i32
    %dma_wait3A_641 = tpu.memref_slice %arg5[%add3A_573, %dma_wait3A_640] : memref<16384x1024xf32, #tpu.memory_space<hbm>> -> memref<32x1024xf32, #tpu.memory_space<hbm>>
    tpu.wait_dma2 semaphore(%arg19 : memref<!tpu.dma_semaphore, #tpu.memory_space<semaphore_mem>>) src(%arg13 : memref<32x1024xf32, #tpu.memory_space<vmem>>) dst(%dma_wait3A_641 : memref<32x1024xf32, #tpu.memory_space<hbm>>)
    %add3A_642 = arith.constant 352 : i32
    %add3A_643 = arith.addi %mul3A_2, %add3A_642 : i32
    %add3A_644 = arith.constant 0 : i32
    %add3A_645 = arith.addi %add3A_643, %add3A_644 : i32
    %add3A_646 = vector.broadcast %add3A_645 : i32 to vector<16xi32>
    %add3A_647 = arith.addi %iota3A, %add3A_646 : vector<16xi32>
    %shift_right_logical3A_648 = arith.constant 7 : i32
    %shift_right_logical3A_649 = vector.broadcast %shift_right_logical3A_648 : i32 to vector<16xi32>
    %shift_right_logical3A_650 = arith.shrui %add3A_647, %shift_right_logical3A_649 : vector<16xi32>
    %and3A_651 = arith.constant 127 : i32
    %and3A_652 = vector.broadcast %and3A_651 : i32 to vector<16xi32>
    %and3A_653 = arith.andi %add3A_647, %and3A_652 : vector<16xi32>
    %lt3A_654 = arith.cmpi slt, %shift_right_logical3A_650, %get3A_4 : vector<16xi32>
    %lt3A_655 = arith.cmpi slt, %and3A_653, %get3A_7 : vector<16xi32>
    %and3A_656 = arith.andi %lt3A_654, %lt3A_655 : vector<16xi1>
    %jit3A_657 = arith.constant 0 : i32
    %broadcast_in_dim3A_658 = vector.broadcast %jit3A_657 : i32 to vector<16xi32>
    %select_n3A_659 = arith.select %and3A_656, %add3A_647, %broadcast_in_dim3A_658 : vector<16xi1>, vector<16xi32>
    %swap3A_660 = arith.constant 0 : index
    %swap3A_661 = tpu.vector_load %arg8[%swap3A_660] {strides = array<i32>} : memref<32xi32, #tpu.memory_space<vmem>>, vector<16xi32>,
    %swap3A_662 = vector.shape_cast %swap3A_661 : vector<16xi32> to vector<16xi32>
    %swap3A_663 = vector.shape_cast %select_n3A_659 : vector<16xi32> to vector<16xi32>
    tpu.vector_store %arg8[%swap3A_660], %swap3A_663 {strides = array<i32>} : memref<32xi32, #tpu.memory_space<vmem>>, vector<16xi32>,
    %add3A_664 = arith.constant 352 : i32
    %add3A_665 = arith.addi %mul3A_2, %add3A_664 : i32
    %add3A_666 = arith.constant 16 : i32
    %add3A_667 = arith.addi %add3A_665, %add3A_666 : i32
    %add3A_668 = vector.broadcast %add3A_667 : i32 to vector<16xi32>
    %add3A_669 = arith.addi %iota3A, %add3A_668 : vector<16xi32>
    %shift_right_logical3A_670 = arith.constant 7 : i32
    %shift_right_logical3A_671 = vector.broadcast %shift_right_logical3A_670 : i32 to vector<16xi32>
    %shift_right_logical3A_672 = arith.shrui %add3A_669, %shift_right_logical3A_671 : vector<16xi32>
    %and3A_673 = arith.constant 127 : i32
    %and3A_674 = vector.broadcast %and3A_673 : i32 to vector<16xi32>
    %and3A_675 = arith.andi %add3A_669, %and3A_674 : vector<16xi32>
    %lt3A_676 = arith.cmpi slt, %shift_right_logical3A_672, %get3A_4 : vector<16xi32>
    %lt3A_677 = arith.cmpi slt, %and3A_675, %get3A_7 : vector<16xi32>
    %and3A_678 = arith.andi %lt3A_676, %lt3A_677 : vector<16xi1>
    %jit3A_679 = arith.constant 0 : i32
    %broadcast_in_dim3A_680 = vector.broadcast %jit3A_679 : i32 to vector<16xi32>
    %select_n3A_681 = arith.select %and3A_678, %add3A_669, %broadcast_in_dim3A_680 : vector<16xi1>, vector<16xi32>
    %swap3A_682 = arith.constant 16 : index
    %swap3A_683 = tpu.vector_load %arg8[%swap3A_682] {strides = array<i32>} : memref<32xi32, #tpu.memory_space<vmem>>, vector<16xi32>,
    %swap3A_684 = vector.shape_cast %swap3A_683 : vector<16xi32> to vector<16xi32>
    %swap3A_685 = vector.shape_cast %select_n3A_681 : vector<16xi32> to vector<16xi32>
    tpu.vector_store %arg8[%swap3A_682], %swap3A_685 {strides = array<i32>} : memref<32xi32, #tpu.memory_space<vmem>>, vector<16xi32>,
    %dma_start3A_686 = arith.constant 0 : i32
    %dma_start3A_687 = arith.constant 0 : i32
    %dma_start3A_688 = tpu.memref_slice %arg4[%dma_start3A_686, %dma_start3A_687] : memref<16384x1024xf32, #tpu.memory_space<hbm>> -> memref<16384x1024xf32, #tpu.memory_space<hbm>>
    tpu.enqueue_indirect_dma source(%dma_start3A_688 : memref<16384x1024xf32, #tpu.memory_space<hbm>>) target(%arg13 : memref<32x1024xf32, #tpu.memory_space<vmem>>) offsets(%arg8 : memref<32xi32, #tpu.memory_space<vmem>>) semaphore(%arg16 : memref<!tpu.dma_semaphore, #tpu.memory_space<semaphore_mem>>)
    %dma_wait3A_689 = arith.constant 0 : i32
    %dma_wait3A_690 = arith.constant 0 : i32
    %dma_wait3A_691 = tpu.memref_slice %arg4[%dma_wait3A_689, %dma_wait3A_690] : memref<16384x1024xf32, #tpu.memory_space<hbm>> -> memref<16384x1024xf32, #tpu.memory_space<hbm>>
    tpu.wait_indirect_dma semaphore(%arg15 : memref<!tpu.dma_semaphore, #tpu.memory_space<semaphore_mem>>) src(%dma_wait3A_691 : memref<16384x1024xf32, #tpu.memory_space<hbm>>) dst(%arg12 : memref<32x1024xf32, #tpu.memory_space<vmem>>)
    %add3A_692 = arith.constant 320 : i32
    %add3A_693 = arith.addi %mul3A_2, %add3A_692 : i32
    %dma_start3A_694 = arith.constant 0 : i32
    %dma_start3A_695 = tpu.memref_slice %arg5[%add3A_693, %dma_start3A_694] : memref<16384x1024xf32, #tpu.memory_space<hbm>> -> memref<32x1024xf32, #tpu.memory_space<hbm>>
    %dma_start3A_696 = arith.constant 0 : i32
    %dma_start3A_697 = tpu.memref_slice %arg5[%add3A_693, %dma_start3A_696] : memref<16384x1024xf32, #tpu.memory_space<hbm>> -> memref<32x1024xf32, #tpu.memory_space<hbm>>
    tpu.enqueue_dma source(%arg12 : memref<32x1024xf32, #tpu.memory_space<vmem>>) target(%dma_start3A_697 : memref<32x1024xf32, #tpu.memory_space<hbm>>) target_semaphore(%arg18 : memref<!tpu.dma_semaphore, #tpu.memory_space<semaphore_mem>>)
    %dma_wait3A_698 = arith.constant 0 : i32
    %dma_wait3A_699 = tpu.memref_slice %arg5[%add3A_633, %dma_wait3A_698] : memref<16384x1024xf32, #tpu.memory_space<hbm>> -> memref<32x1024xf32, #tpu.memory_space<hbm>>
    %dma_wait3A_700 = arith.constant 0 : i32
    %dma_wait3A_701 = tpu.memref_slice %arg5[%add3A_633, %dma_wait3A_700] : memref<16384x1024xf32, #tpu.memory_space<hbm>> -> memref<32x1024xf32, #tpu.memory_space<hbm>>
    tpu.wait_dma2 semaphore(%arg17 : memref<!tpu.dma_semaphore, #tpu.memory_space<semaphore_mem>>) src(%arg11 : memref<32x1024xf32, #tpu.memory_space<vmem>>) dst(%dma_wait3A_701 : memref<32x1024xf32, #tpu.memory_space<hbm>>)
    %add3A_702 = arith.constant 384 : i32
    %add3A_703 = arith.addi %mul3A_2, %add3A_702 : i32
    %add3A_704 = arith.constant 0 : i32
    %add3A_705 = arith.addi %add3A_703, %add3A_704 : i32
    %add3A_706 = vector.broadcast %add3A_705 : i32 to vector<16xi32>
    %add3A_707 = arith.addi %iota3A, %add3A_706 : vector<16xi32>
    %shift_right_logical3A_708 = arith.constant 7 : i32
    %shift_right_logical3A_709 = vector.broadcast %shift_right_logical3A_708 : i32 to vector<16xi32>
    %shift_right_logical3A_710 = arith.shrui %add3A_707, %shift_right_logical3A_709 : vector<16xi32>
    %and3A_711 = arith.constant 127 : i32
    %and3A_712 = vector.broadcast %and3A_711 : i32 to vector<16xi32>
    %and3A_713 = arith.andi %add3A_707, %and3A_712 : vector<16xi32>
    %lt3A_714 = arith.cmpi slt, %shift_right_logical3A_710, %get3A_4 : vector<16xi32>
    %lt3A_715 = arith.cmpi slt, %and3A_713, %get3A_7 : vector<16xi32>
    %and3A_716 = arith.andi %lt3A_714, %lt3A_715 : vector<16xi1>
    %jit3A_717 = arith.constant 0 : i32
    %broadcast_in_dim3A_718 = vector.broadcast %jit3A_717 : i32 to vector<16xi32>
    %select_n3A_719 = arith.select %and3A_716, %add3A_707, %broadcast_in_dim3A_718 : vector<16xi1>, vector<16xi32>
    %swap3A_720 = arith.constant 0 : index
    %swap3A_721 = tpu.vector_load %arg6[%swap3A_720] {strides = array<i32>} : memref<32xi32, #tpu.memory_space<vmem>>, vector<16xi32>,
    %swap3A_722 = vector.shape_cast %swap3A_721 : vector<16xi32> to vector<16xi32>
    %swap3A_723 = vector.shape_cast %select_n3A_719 : vector<16xi32> to vector<16xi32>
    tpu.vector_store %arg6[%swap3A_720], %swap3A_723 {strides = array<i32>} : memref<32xi32, #tpu.memory_space<vmem>>, vector<16xi32>,
    %add3A_724 = arith.constant 384 : i32
    %add3A_725 = arith.addi %mul3A_2, %add3A_724 : i32
    %add3A_726 = arith.constant 16 : i32
    %add3A_727 = arith.addi %add3A_725, %add3A_726 : i32
    %add3A_728 = vector.broadcast %add3A_727 : i32 to vector<16xi32>
    %add3A_729 = arith.addi %iota3A, %add3A_728 : vector<16xi32>
    %shift_right_logical3A_730 = arith.constant 7 : i32
    %shift_right_logical3A_731 = vector.broadcast %shift_right_logical3A_730 : i32 to vector<16xi32>
    %shift_right_logical3A_732 = arith.shrui %add3A_729, %shift_right_logical3A_731 : vector<16xi32>
    %and3A_733 = arith.constant 127 : i32
    %and3A_734 = vector.broadcast %and3A_733 : i32 to vector<16xi32>
    %and3A_735 = arith.andi %add3A_729, %and3A_734 : vector<16xi32>
    %lt3A_736 = arith.cmpi slt, %shift_right_logical3A_732, %get3A_4 : vector<16xi32>
    %lt3A_737 = arith.cmpi slt, %and3A_735, %get3A_7 : vector<16xi32>
    %and3A_738 = arith.andi %lt3A_736, %lt3A_737 : vector<16xi1>
    %jit3A_739 = arith.constant 0 : i32
    %broadcast_in_dim3A_740 = vector.broadcast %jit3A_739 : i32 to vector<16xi32>
    %select_n3A_741 = arith.select %and3A_738, %add3A_729, %broadcast_in_dim3A_740 : vector<16xi1>, vector<16xi32>
    %swap3A_742 = arith.constant 16 : index
    %swap3A_743 = tpu.vector_load %arg6[%swap3A_742] {strides = array<i32>} : memref<32xi32, #tpu.memory_space<vmem>>, vector<16xi32>,
    %swap3A_744 = vector.shape_cast %swap3A_743 : vector<16xi32> to vector<16xi32>
    %swap3A_745 = vector.shape_cast %select_n3A_741 : vector<16xi32> to vector<16xi32>
    tpu.vector_store %arg6[%swap3A_742], %swap3A_745 {strides = array<i32>} : memref<32xi32, #tpu.memory_space<vmem>>, vector<16xi32>,
    %dma_start3A_746 = arith.constant 0 : i32
    %dma_start3A_747 = arith.constant 0 : i32
    %dma_start3A_748 = tpu.memref_slice %arg4[%dma_start3A_746, %dma_start3A_747] : memref<16384x1024xf32, #tpu.memory_space<hbm>> -> memref<16384x1024xf32, #tpu.memory_space<hbm>>
    tpu.enqueue_indirect_dma source(%dma_start3A_748 : memref<16384x1024xf32, #tpu.memory_space<hbm>>) target(%arg11 : memref<32x1024xf32, #tpu.memory_space<vmem>>) offsets(%arg6 : memref<32xi32, #tpu.memory_space<vmem>>) semaphore(%arg14 : memref<!tpu.dma_semaphore, #tpu.memory_space<semaphore_mem>>)
    %dma_wait3A_749 = arith.constant 0 : i32
    %dma_wait3A_750 = arith.constant 0 : i32
    %dma_wait3A_751 = tpu.memref_slice %arg4[%dma_wait3A_749, %dma_wait3A_750] : memref<16384x1024xf32, #tpu.memory_space<hbm>> -> memref<16384x1024xf32, #tpu.memory_space<hbm>>
    tpu.wait_indirect_dma semaphore(%arg16 : memref<!tpu.dma_semaphore, #tpu.memory_space<semaphore_mem>>) src(%dma_wait3A_751 : memref<16384x1024xf32, #tpu.memory_space<hbm>>) dst(%arg13 : memref<32x1024xf32, #tpu.memory_space<vmem>>)
    %add3A_752 = arith.constant 352 : i32
    %add3A_753 = arith.addi %mul3A_2, %add3A_752 : i32
    %dma_start3A_754 = arith.constant 0 : i32
    %dma_start3A_755 = tpu.memref_slice %arg5[%add3A_753, %dma_start3A_754] : memref<16384x1024xf32, #tpu.memory_space<hbm>> -> memref<32x1024xf32, #tpu.memory_space<hbm>>
    %dma_start3A_756 = arith.constant 0 : i32
    %dma_start3A_757 = tpu.memref_slice %arg5[%add3A_753, %dma_start3A_756] : memref<16384x1024xf32, #tpu.memory_space<hbm>> -> memref<32x1024xf32, #tpu.memory_space<hbm>>
    tpu.enqueue_dma source(%arg13 : memref<32x1024xf32, #tpu.memory_space<vmem>>) target(%dma_start3A_757 : memref<32x1024xf32, #tpu.memory_space<hbm>>) target_semaphore(%arg19 : memref<!tpu.dma_semaphore, #tpu.memory_space<semaphore_mem>>)
    %dma_wait3A_758 = arith.constant 0 : i32
    %dma_wait3A_759 = tpu.memref_slice %arg5[%add3A_693, %dma_wait3A_758] : memref<16384x1024xf32, #tpu.memory_space<hbm>> -> memref<32x1024xf32, #tpu.memory_space<hbm>>
    %dma_wait3A_760 = arith.constant 0 : i32
    %dma_wait3A_761 = tpu.memref_slice %arg5[%add3A_693, %dma_wait3A_760] : memref<16384x1024xf32, #tpu.memory_space<hbm>> -> memref<32x1024xf32, #tpu.memory_space<hbm>>
    tpu.wait_dma2 semaphore(%arg18 : memref<!tpu.dma_semaphore, #tpu.memory_space<semaphore_mem>>) src(%arg12 : memref<32x1024xf32, #tpu.memory_space<vmem>>) dst(%dma_wait3A_761 : memref<32x1024xf32, #tpu.memory_space<hbm>>)
    %add3A_762 = arith.constant 416 : i32
    %add3A_763 = arith.addi %mul3A_2, %add3A_762 : i32
    %add3A_764 = arith.constant 0 : i32
    %add3A_765 = arith.addi %add3A_763, %add3A_764 : i32
    %add3A_766 = vector.broadcast %add3A_765 : i32 to vector<16xi32>
    %add3A_767 = arith.addi %iota3A, %add3A_766 : vector<16xi32>
    %shift_right_logical3A_768 = arith.constant 7 : i32
    %shift_right_logical3A_769 = vector.broadcast %shift_right_logical3A_768 : i32 to vector<16xi32>
    %shift_right_logical3A_770 = arith.shrui %add3A_767, %shift_right_logical3A_769 : vector<16xi32>
    %and3A_771 = arith.constant 127 : i32
    %and3A_772 = vector.broadcast %and3A_771 : i32 to vector<16xi32>
    %and3A_773 = arith.andi %add3A_767, %and3A_772 : vector<16xi32>
    %lt3A_774 = arith.cmpi slt, %shift_right_logical3A_770, %get3A_4 : vector<16xi32>
    %lt3A_775 = arith.cmpi slt, %and3A_773, %get3A_7 : vector<16xi32>
    %and3A_776 = arith.andi %lt3A_774, %lt3A_775 : vector<16xi1>
    %jit3A_777 = arith.constant 0 : i32
    %broadcast_in_dim3A_778 = vector.broadcast %jit3A_777 : i32 to vector<16xi32>
    %select_n3A_779 = arith.select %and3A_776, %add3A_767, %broadcast_in_dim3A_778 : vector<16xi1>, vector<16xi32>
    %swap3A_780 = arith.constant 0 : index
    %swap3A_781 = tpu.vector_load %arg7[%swap3A_780] {strides = array<i32>} : memref<32xi32, #tpu.memory_space<vmem>>, vector<16xi32>,
    %swap3A_782 = vector.shape_cast %swap3A_781 : vector<16xi32> to vector<16xi32>
    %swap3A_783 = vector.shape_cast %select_n3A_779 : vector<16xi32> to vector<16xi32>
    tpu.vector_store %arg7[%swap3A_780], %swap3A_783 {strides = array<i32>} : memref<32xi32, #tpu.memory_space<vmem>>, vector<16xi32>,
    %add3A_784 = arith.constant 416 : i32
    %add3A_785 = arith.addi %mul3A_2, %add3A_784 : i32
    %add3A_786 = arith.constant 16 : i32
    %add3A_787 = arith.addi %add3A_785, %add3A_786 : i32
    %add3A_788 = vector.broadcast %add3A_787 : i32 to vector<16xi32>
    %add3A_789 = arith.addi %iota3A, %add3A_788 : vector<16xi32>
    %shift_right_logical3A_790 = arith.constant 7 : i32
    %shift_right_logical3A_791 = vector.broadcast %shift_right_logical3A_790 : i32 to vector<16xi32>
    %shift_right_logical3A_792 = arith.shrui %add3A_789, %shift_right_logical3A_791 : vector<16xi32>
    %and3A_793 = arith.constant 127 : i32
    %and3A_794 = vector.broadcast %and3A_793 : i32 to vector<16xi32>
    %and3A_795 = arith.andi %add3A_789, %and3A_794 : vector<16xi32>
    %lt3A_796 = arith.cmpi slt, %shift_right_logical3A_792, %get3A_4 : vector<16xi32>
    %lt3A_797 = arith.cmpi slt, %and3A_795, %get3A_7 : vector<16xi32>
    %and3A_798 = arith.andi %lt3A_796, %lt3A_797 : vector<16xi1>
    %jit3A_799 = arith.constant 0 : i32
    %broadcast_in_dim3A_800 = vector.broadcast %jit3A_799 : i32 to vector<16xi32>
    %select_n3A_801 = arith.select %and3A_798, %add3A_789, %broadcast_in_dim3A_800 : vector<16xi1>, vector<16xi32>
    %swap3A_802 = arith.constant 16 : index
    %swap3A_803 = tpu.vector_load %arg7[%swap3A_802] {strides = array<i32>} : memref<32xi32, #tpu.memory_space<vmem>>, vector<16xi32>,
    %swap3A_804 = vector.shape_cast %swap3A_803 : vector<16xi32> to vector<16xi32>
    %swap3A_805 = vector.shape_cast %select_n3A_801 : vector<16xi32> to vector<16xi32>
    tpu.vector_store %arg7[%swap3A_802], %swap3A_805 {strides = array<i32>} : memref<32xi32, #tpu.memory_space<vmem>>, vector<16xi32>,
    %dma_start3A_806 = arith.constant 0 : i32
    %dma_start3A_807 = arith.constant 0 : i32
    %dma_start3A_808 = tpu.memref_slice %arg4[%dma_start3A_806, %dma_start3A_807] : memref<16384x1024xf32, #tpu.memory_space<hbm>> -> memref<16384x1024xf32, #tpu.memory_space<hbm>>
    tpu.enqueue_indirect_dma source(%dma_start3A_808 : memref<16384x1024xf32, #tpu.memory_space<hbm>>) target(%arg12 : memref<32x1024xf32, #tpu.memory_space<vmem>>) offsets(%arg7 : memref<32xi32, #tpu.memory_space<vmem>>) semaphore(%arg15 : memref<!tpu.dma_semaphore, #tpu.memory_space<semaphore_mem>>)
    %dma_wait3A_809 = arith.constant 0 : i32
    %dma_wait3A_810 = arith.constant 0 : i32
    %dma_wait3A_811 = tpu.memref_slice %arg4[%dma_wait3A_809, %dma_wait3A_810] : memref<16384x1024xf32, #tpu.memory_space<hbm>> -> memref<16384x1024xf32, #tpu.memory_space<hbm>>
    tpu.wait_indirect_dma semaphore(%arg14 : memref<!tpu.dma_semaphore, #tpu.memory_space<semaphore_mem>>) src(%dma_wait3A_811 : memref<16384x1024xf32, #tpu.memory_space<hbm>>) dst(%arg11 : memref<32x1024xf32, #tpu.memory_space<vmem>>)
    %add3A_812 = arith.constant 384 : i32
    %add3A_813 = arith.addi %mul3A_2, %add3A_812 : i32
    %dma_start3A_814 = arith.constant 0 : i32
    %dma_start3A_815 = tpu.memref_slice %arg5[%add3A_813, %dma_start3A_814] : memref<16384x1024xf32, #tpu.memory_space<hbm>> -> memref<32x1024xf32, #tpu.memory_space<hbm>>
    %dma_start3A_816 = arith.constant 0 : i32
    %dma_start3A_817 = tpu.memref_slice %arg5[%add3A_813, %dma_start3A_816] : memref<16384x1024xf32, #tpu.memory_space<hbm>> -> memref<32x1024xf32, #tpu.memory_space<hbm>>
    tpu.enqueue_dma source(%arg11 : memref<32x1024xf32, #tpu.memory_space<vmem>>) target(%dma_start3A_817 : memref<32x1024xf32, #tpu.memory_space<hbm>>) target_semaphore(%arg17 : memref<!tpu.dma_semaphore, #tpu.memory_space<semaphore_mem>>)
    %dma_wait3A_818 = arith.constant 0 : i32
    %dma_wait3A_819 = tpu.memref_slice %arg5[%add3A_753, %dma_wait3A_818] : memref<16384x1024xf32, #tpu.memory_space<hbm>> -> memref<32x1024xf32, #tpu.memory_space<hbm>>
    %dma_wait3A_820 = arith.constant 0 : i32
    %dma_wait3A_821 = tpu.memref_slice %arg5[%add3A_753, %dma_wait3A_820] : memref<16384x1024xf32, #tpu.memory_space<hbm>> -> memref<32x1024xf32, #tpu.memory_space<hbm>>
    tpu.wait_dma2 semaphore(%arg19 : memref<!tpu.dma_semaphore, #tpu.memory_space<semaphore_mem>>) src(%arg13 : memref<32x1024xf32, #tpu.memory_space<vmem>>) dst(%dma_wait3A_821 : memref<32x1024xf32, #tpu.memory_space<hbm>>)
    %add3A_822 = arith.constant 448 : i32
    %add3A_823 = arith.addi %mul3A_2, %add3A_822 : i32
    %add3A_824 = arith.constant 0 : i32
    %add3A_825 = arith.addi %add3A_823, %add3A_824 : i32
    %add3A_826 = vector.broadcast %add3A_825 : i32 to vector<16xi32>
    %add3A_827 = arith.addi %iota3A, %add3A_826 : vector<16xi32>
    %shift_right_logical3A_828 = arith.constant 7 : i32
    %shift_right_logical3A_829 = vector.broadcast %shift_right_logical3A_828 : i32 to vector<16xi32>
    %shift_right_logical3A_830 = arith.shrui %add3A_827, %shift_right_logical3A_829 : vector<16xi32>
    %and3A_831 = arith.constant 127 : i32
    %and3A_832 = vector.broadcast %and3A_831 : i32 to vector<16xi32>
    %and3A_833 = arith.andi %add3A_827, %and3A_832 : vector<16xi32>
    %lt3A_834 = arith.cmpi slt, %shift_right_logical3A_830, %get3A_4 : vector<16xi32>
    %lt3A_835 = arith.cmpi slt, %and3A_833, %get3A_7 : vector<16xi32>
    %and3A_836 = arith.andi %lt3A_834, %lt3A_835 : vector<16xi1>
    %jit3A_837 = arith.constant 0 : i32
    %broadcast_in_dim3A_838 = vector.broadcast %jit3A_837 : i32 to vector<16xi32>
    %select_n3A_839 = arith.select %and3A_836, %add3A_827, %broadcast_in_dim3A_838 : vector<16xi1>, vector<16xi32>
    %swap3A_840 = arith.constant 0 : index
    %swap3A_841 = tpu.vector_load %arg8[%swap3A_840] {strides = array<i32>} : memref<32xi32, #tpu.memory_space<vmem>>, vector<16xi32>,
    %swap3A_842 = vector.shape_cast %swap3A_841 : vector<16xi32> to vector<16xi32>
    %swap3A_843 = vector.shape_cast %select_n3A_839 : vector<16xi32> to vector<16xi32>
    tpu.vector_store %arg8[%swap3A_840], %swap3A_843 {strides = array<i32>} : memref<32xi32, #tpu.memory_space<vmem>>, vector<16xi32>,
    %add3A_844 = arith.constant 448 : i32
    %add3A_845 = arith.addi %mul3A_2, %add3A_844 : i32
    %add3A_846 = arith.constant 16 : i32
    %add3A_847 = arith.addi %add3A_845, %add3A_846 : i32
    %add3A_848 = vector.broadcast %add3A_847 : i32 to vector<16xi32>
    %add3A_849 = arith.addi %iota3A, %add3A_848 : vector<16xi32>
    %shift_right_logical3A_850 = arith.constant 7 : i32
    %shift_right_logical3A_851 = vector.broadcast %shift_right_logical3A_850 : i32 to vector<16xi32>
    %shift_right_logical3A_852 = arith.shrui %add3A_849, %shift_right_logical3A_851 : vector<16xi32>
    %and3A_853 = arith.constant 127 : i32
    %and3A_854 = vector.broadcast %and3A_853 : i32 to vector<16xi32>
    %and3A_855 = arith.andi %add3A_849, %and3A_854 : vector<16xi32>
    %lt3A_856 = arith.cmpi slt, %shift_right_logical3A_852, %get3A_4 : vector<16xi32>
    %lt3A_857 = arith.cmpi slt, %and3A_855, %get3A_7 : vector<16xi32>
    %and3A_858 = arith.andi %lt3A_856, %lt3A_857 : vector<16xi1>
    %jit3A_859 = arith.constant 0 : i32
    %broadcast_in_dim3A_860 = vector.broadcast %jit3A_859 : i32 to vector<16xi32>
    %select_n3A_861 = arith.select %and3A_858, %add3A_849, %broadcast_in_dim3A_860 : vector<16xi1>, vector<16xi32>
    %swap3A_862 = arith.constant 16 : index
    %swap3A_863 = tpu.vector_load %arg8[%swap3A_862] {strides = array<i32>} : memref<32xi32, #tpu.memory_space<vmem>>, vector<16xi32>,
    %swap3A_864 = vector.shape_cast %swap3A_863 : vector<16xi32> to vector<16xi32>
    %swap3A_865 = vector.shape_cast %select_n3A_861 : vector<16xi32> to vector<16xi32>
    tpu.vector_store %arg8[%swap3A_862], %swap3A_865 {strides = array<i32>} : memref<32xi32, #tpu.memory_space<vmem>>, vector<16xi32>,
    %dma_start3A_866 = arith.constant 0 : i32
    %dma_start3A_867 = arith.constant 0 : i32
    %dma_start3A_868 = tpu.memref_slice %arg4[%dma_start3A_866, %dma_start3A_867] : memref<16384x1024xf32, #tpu.memory_space<hbm>> -> memref<16384x1024xf32, #tpu.memory_space<hbm>>
    tpu.enqueue_indirect_dma source(%dma_start3A_868 : memref<16384x1024xf32, #tpu.memory_space<hbm>>) target(%arg13 : memref<32x1024xf32, #tpu.memory_space<vmem>>) offsets(%arg8 : memref<32xi32, #tpu.memory_space<vmem>>) semaphore(%arg16 : memref<!tpu.dma_semaphore, #tpu.memory_space<semaphore_mem>>)
    %dma_wait3A_869 = arith.constant 0 : i32
    %dma_wait3A_870 = arith.constant 0 : i32
    %dma_wait3A_871 = tpu.memref_slice %arg4[%dma_wait3A_869, %dma_wait3A_870] : memref<16384x1024xf32, #tpu.memory_space<hbm>> -> memref<16384x1024xf32, #tpu.memory_space<hbm>>
    tpu.wait_indirect_dma semaphore(%arg15 : memref<!tpu.dma_semaphore, #tpu.memory_space<semaphore_mem>>) src(%dma_wait3A_871 : memref<16384x1024xf32, #tpu.memory_space<hbm>>) dst(%arg12 : memref<32x1024xf32, #tpu.memory_space<vmem>>)
    %add3A_872 = arith.constant 416 : i32
    %add3A_873 = arith.addi %mul3A_2, %add3A_872 : i32
    %dma_start3A_874 = arith.constant 0 : i32
    %dma_start3A_875 = tpu.memref_slice %arg5[%add3A_873, %dma_start3A_874] : memref<16384x1024xf32, #tpu.memory_space<hbm>> -> memref<32x1024xf32, #tpu.memory_space<hbm>>
    %dma_start3A_876 = arith.constant 0 : i32
    %dma_start3A_877 = tpu.memref_slice %arg5[%add3A_873, %dma_start3A_876] : memref<16384x1024xf32, #tpu.memory_space<hbm>> -> memref<32x1024xf32, #tpu.memory_space<hbm>>
    tpu.enqueue_dma source(%arg12 : memref<32x1024xf32, #tpu.memory_space<vmem>>) target(%dma_start3A_877 : memref<32x1024xf32, #tpu.memory_space<hbm>>) target_semaphore(%arg18 : memref<!tpu.dma_semaphore, #tpu.memory_space<semaphore_mem>>)
    %dma_wait3A_878 = arith.constant 0 : i32
    %dma_wait3A_879 = tpu.memref_slice %arg5[%add3A_813, %dma_wait3A_878] : memref<16384x1024xf32, #tpu.memory_space<hbm>> -> memref<32x1024xf32, #tpu.memory_space<hbm>>
    %dma_wait3A_880 = arith.constant 0 : i32
    %dma_wait3A_881 = tpu.memref_slice %arg5[%add3A_813, %dma_wait3A_880] : memref<16384x1024xf32, #tpu.memory_space<hbm>> -> memref<32x1024xf32, #tpu.memory_space<hbm>>
    tpu.wait_dma2 semaphore(%arg17 : memref<!tpu.dma_semaphore, #tpu.memory_space<semaphore_mem>>) src(%arg11 : memref<32x1024xf32, #tpu.memory_space<vmem>>) dst(%dma_wait3A_881 : memref<32x1024xf32, #tpu.memory_space<hbm>>)
    %add3A_882 = arith.constant 480 : i32
    %add3A_883 = arith.addi %mul3A_2, %add3A_882 : i32
    %add3A_884 = arith.constant 0 : i32
    %add3A_885 = arith.addi %add3A_883, %add3A_884 : i32
    %add3A_886 = vector.broadcast %add3A_885 : i32 to vector<16xi32>
    %add3A_887 = arith.addi %iota3A, %add3A_886 : vector<16xi32>
    %shift_right_logical3A_888 = arith.constant 7 : i32
    %shift_right_logical3A_889 = vector.broadcast %shift_right_logical3A_888 : i32 to vector<16xi32>
    %shift_right_logical3A_890 = arith.shrui %add3A_887, %shift_right_logical3A_889 : vector<16xi32>
    %and3A_891 = arith.constant 127 : i32
    %and3A_892 = vector.broadcast %and3A_891 : i32 to vector<16xi32>
    %and3A_893 = arith.andi %add3A_887, %and3A_892 : vector<16xi32>
    %lt3A_894 = arith.cmpi slt, %shift_right_logical3A_890, %get3A_4 : vector<16xi32>
    %lt3A_895 = arith.cmpi slt, %and3A_893, %get3A_7 : vector<16xi32>
    %and3A_896 = arith.andi %lt3A_894, %lt3A_895 : vector<16xi1>
    %jit3A_897 = arith.constant 0 : i32
    %broadcast_in_dim3A_898 = vector.broadcast %jit3A_897 : i32 to vector<16xi32>
    %select_n3A_899 = arith.select %and3A_896, %add3A_887, %broadcast_in_dim3A_898 : vector<16xi1>, vector<16xi32>
    %swap3A_900 = arith.constant 0 : index
    %swap3A_901 = tpu.vector_load %arg6[%swap3A_900] {strides = array<i32>} : memref<32xi32, #tpu.memory_space<vmem>>, vector<16xi32>,
    %swap3A_902 = vector.shape_cast %swap3A_901 : vector<16xi32> to vector<16xi32>
    %swap3A_903 = vector.shape_cast %select_n3A_899 : vector<16xi32> to vector<16xi32>
    tpu.vector_store %arg6[%swap3A_900], %swap3A_903 {strides = array<i32>} : memref<32xi32, #tpu.memory_space<vmem>>, vector<16xi32>,
    %add3A_904 = arith.constant 480 : i32
    %add3A_905 = arith.addi %mul3A_2, %add3A_904 : i32
    %add3A_906 = arith.constant 16 : i32
    %add3A_907 = arith.addi %add3A_905, %add3A_906 : i32
    %add3A_908 = vector.broadcast %add3A_907 : i32 to vector<16xi32>
    %add3A_909 = arith.addi %iota3A, %add3A_908 : vector<16xi32>
    %shift_right_logical3A_910 = arith.constant 7 : i32
    %shift_right_logical3A_911 = vector.broadcast %shift_right_logical3A_910 : i32 to vector<16xi32>
    %shift_right_logical3A_912 = arith.shrui %add3A_909, %shift_right_logical3A_911 : vector<16xi32>
    %and3A_913 = arith.constant 127 : i32
    %and3A_914 = vector.broadcast %and3A_913 : i32 to vector<16xi32>
    %and3A_915 = arith.andi %add3A_909, %and3A_914 : vector<16xi32>
    %lt3A_916 = arith.cmpi slt, %shift_right_logical3A_912, %get3A_4 : vector<16xi32>
    %lt3A_917 = arith.cmpi slt, %and3A_915, %get3A_7 : vector<16xi32>
    %and3A_918 = arith.andi %lt3A_916, %lt3A_917 : vector<16xi1>
    %jit3A_919 = arith.constant 0 : i32
    %broadcast_in_dim3A_920 = vector.broadcast %jit3A_919 : i32 to vector<16xi32>
    %select_n3A_921 = arith.select %and3A_918, %add3A_909, %broadcast_in_dim3A_920 : vector<16xi1>, vector<16xi32>
    %swap3A_922 = arith.constant 16 : index
    %swap3A_923 = tpu.vector_load %arg6[%swap3A_922] {strides = array<i32>} : memref<32xi32, #tpu.memory_space<vmem>>, vector<16xi32>,
    %swap3A_924 = vector.shape_cast %swap3A_923 : vector<16xi32> to vector<16xi32>
    %swap3A_925 = vector.shape_cast %select_n3A_921 : vector<16xi32> to vector<16xi32>
    tpu.vector_store %arg6[%swap3A_922], %swap3A_925 {strides = array<i32>} : memref<32xi32, #tpu.memory_space<vmem>>, vector<16xi32>,
    %dma_start3A_926 = arith.constant 0 : i32
    %dma_start3A_927 = arith.constant 0 : i32
    %dma_start3A_928 = tpu.memref_slice %arg4[%dma_start3A_926, %dma_start3A_927] : memref<16384x1024xf32, #tpu.memory_space<hbm>> -> memref<16384x1024xf32, #tpu.memory_space<hbm>>
    tpu.enqueue_indirect_dma source(%dma_start3A_928 : memref<16384x1024xf32, #tpu.memory_space<hbm>>) target(%arg11 : memref<32x1024xf32, #tpu.memory_space<vmem>>) offsets(%arg6 : memref<32xi32, #tpu.memory_space<vmem>>) semaphore(%arg14 : memref<!tpu.dma_semaphore, #tpu.memory_space<semaphore_mem>>)
    %dma_wait3A_929 = arith.constant 0 : i32
    %dma_wait3A_930 = arith.constant 0 : i32
    %dma_wait3A_931 = tpu.memref_slice %arg4[%dma_wait3A_929, %dma_wait3A_930] : memref<16384x1024xf32, #tpu.memory_space<hbm>> -> memref<16384x1024xf32, #tpu.memory_space<hbm>>
    tpu.wait_indirect_dma semaphore(%arg16 : memref<!tpu.dma_semaphore, #tpu.memory_space<semaphore_mem>>) src(%dma_wait3A_931 : memref<16384x1024xf32, #tpu.memory_space<hbm>>) dst(%arg13 : memref<32x1024xf32, #tpu.memory_space<vmem>>)
    %add3A_932 = arith.constant 448 : i32
    %add3A_933 = arith.addi %mul3A_2, %add3A_932 : i32
    %dma_start3A_934 = arith.constant 0 : i32
    %dma_start3A_935 = tpu.memref_slice %arg5[%add3A_933, %dma_start3A_934] : memref<16384x1024xf32, #tpu.memory_space<hbm>> -> memref<32x1024xf32, #tpu.memory_space<hbm>>
    %dma_start3A_936 = arith.constant 0 : i32
    %dma_start3A_937 = tpu.memref_slice %arg5[%add3A_933, %dma_start3A_936] : memref<16384x1024xf32, #tpu.memory_space<hbm>> -> memref<32x1024xf32, #tpu.memory_space<hbm>>
    tpu.enqueue_dma source(%arg13 : memref<32x1024xf32, #tpu.memory_space<vmem>>) target(%dma_start3A_937 : memref<32x1024xf32, #tpu.memory_space<hbm>>) target_semaphore(%arg19 : memref<!tpu.dma_semaphore, #tpu.memory_space<semaphore_mem>>)
    %dma_wait3A_938 = arith.constant 0 : i32
    %dma_wait3A_939 = arith.constant 0 : i32
    %dma_wait3A_940 = tpu.memref_slice %arg4[%dma_wait3A_938, %dma_wait3A_939] : memref<16384x1024xf32, #tpu.memory_space<hbm>> -> memref<16384x1024xf32, #tpu.memory_space<hbm>>
    tpu.wait_indirect_dma semaphore(%arg14 : memref<!tpu.dma_semaphore, #tpu.memory_space<semaphore_mem>>) src(%dma_wait3A_940 : memref<16384x1024xf32, #tpu.memory_space<hbm>>) dst(%arg11 : memref<32x1024xf32, #tpu.memory_space<vmem>>)
    %add3A_941 = arith.constant 480 : i32
    %add3A_942 = arith.addi %mul3A_2, %add3A_941 : i32
    %dma_start3A_943 = arith.constant 0 : i32
    %dma_start3A_944 = tpu.memref_slice %arg5[%add3A_942, %dma_start3A_943] : memref<16384x1024xf32, #tpu.memory_space<hbm>> -> memref<32x1024xf32, #tpu.memory_space<hbm>>
    %dma_start3A_945 = arith.constant 0 : i32
    %dma_start3A_946 = tpu.memref_slice %arg5[%add3A_942, %dma_start3A_945] : memref<16384x1024xf32, #tpu.memory_space<hbm>> -> memref<32x1024xf32, #tpu.memory_space<hbm>>
    tpu.enqueue_dma source(%arg11 : memref<32x1024xf32, #tpu.memory_space<vmem>>) target(%dma_start3A_946 : memref<32x1024xf32, #tpu.memory_space<hbm>>) target_semaphore(%arg17 : memref<!tpu.dma_semaphore, #tpu.memory_space<semaphore_mem>>)
    %dma_wait3A_947 = arith.constant 0 : i32
    %dma_wait3A_948 = tpu.memref_slice %arg5[%add3A_942, %dma_wait3A_947] : memref<16384x1024xf32, #tpu.memory_space<hbm>> -> memref<32x1024xf32, #tpu.memory_space<hbm>>
    %dma_wait3A_949 = arith.constant 0 : i32
    %dma_wait3A_950 = tpu.memref_slice %arg5[%add3A_942, %dma_wait3A_949] : memref<16384x1024xf32, #tpu.memory_space<hbm>> -> memref<32x1024xf32, #tpu.memory_space<hbm>>
    tpu.wait_dma2 semaphore(%arg17 : memref<!tpu.dma_semaphore, #tpu.memory_space<semaphore_mem>>) src(%arg11 : memref<32x1024xf32, #tpu.memory_space<vmem>>) dst(%dma_wait3A_950 : memref<32x1024xf32, #tpu.memory_space<hbm>>)
    %dma_wait3A_951 = arith.constant 0 : i32
    %dma_wait3A_952 = tpu.memref_slice %arg5[%add3A_873, %dma_wait3A_951] : memref<16384x1024xf32, #tpu.memory_space<hbm>> -> memref<32x1024xf32, #tpu.memory_space<hbm>>
    %dma_wait3A_953 = arith.constant 0 : i32
    %dma_wait3A_954 = tpu.memref_slice %arg5[%add3A_873, %dma_wait3A_953] : memref<16384x1024xf32, #tpu.memory_space<hbm>> -> memref<32x1024xf32, #tpu.memory_space<hbm>>
    tpu.wait_dma2 semaphore(%arg18 : memref<!tpu.dma_semaphore, #tpu.memory_space<semaphore_mem>>) src(%arg12 : memref<32x1024xf32, #tpu.memory_space<vmem>>) dst(%dma_wait3A_954 : memref<32x1024xf32, #tpu.memory_space<hbm>>)
    %dma_wait3A_955 = arith.constant 0 : i32
    %dma_wait3A_956 = tpu.memref_slice %arg5[%add3A_933, %dma_wait3A_955] : memref<16384x1024xf32, #tpu.memory_space<hbm>> -> memref<32x1024xf32, #tpu.memory_space<hbm>>
    %dma_wait3A_957 = arith.constant 0 : i32
    %dma_wait3A_958 = tpu.memref_slice %arg5[%add3A_933, %dma_wait3A_957] : memref<16384x1024xf32, #tpu.memory_space<hbm>> -> memref<32x1024xf32, #tpu.memory_space<hbm>>
    tpu.wait_dma2 semaphore(%arg19 : memref<!tpu.dma_semaphore, #tpu.memory_space<semaphore_mem>>) src(%arg13 : memref<32x1024xf32, #tpu.memory_space<vmem>>) dst(%dma_wait3A_958 : memref<32x1024xf32, #tpu.memory_space<hbm>>)
    return
  }
}

</mosaic_0001>

<sc_bundles>
// kernel: branch_0_fun.3.cloned.1.call-start
scs
__scs_entry_jumppad:
0x0: {  	(pc) =	sbr.rel $0x88, $3  }
0x1: {  	(tag) =	ssettag $0x0;
	lr =	simm.s32 $0x1  }
0x2: {  	[smem:$0x3F9F] =	sst lr;
	_ =	strace $0xD0000000  }
0x3: {  	_ = 	snop  }
0x4: {  	_ = 	snop  }
0x5: {  	_ = 	snop  }
0x6: {  	_ = 	snop  }
0x7: {  	_ = 	snop  }
__scs_overlays_trampoline_lowered:
0x8: {  	[smem:$0x3FAE] =	sst s0  }
0x9: {  	[smem:$0x3FAF] =	sst s1  }
0xa: {  	[smem:$0x3FB0] =	sst s2  }
0xb: {  	[smem:$0x3FB1] =	sst s3  }
0xc: {  	[smem:$0x3FB2] =	sst s4  }
0xd: {  	[smem:$0x3FB3] =	sst s5  }
0xe: {  	[smem:$0x3FB4] =	sst s6  }
0xf: {  	[smem:$0x3FB5] =	sst s7  }
0x10: {  	[smem:$0x3FB6] =	sst s8  }
0x11: {  	[smem:$0x3FB7] =	sst s9;
	s0 =	simm.s32 @!p0 $0x0  }
0x12: {  	s1 =	sld [smem:$0x3F9D];
	s0 =	simm.s32 @p0 $0x1  }
0x13: {  	[smem:$0x3FB8] =	sst s0;
	s0 =	simm.s32 @!p1 $0x0  }
0x14: {  	s2 =	sld [smem:$0x3F9C];
	s0 =	simm.s32 @p1 $0x1  }
0x15: {  	[smem:$0x3FB9] =	sst s0;
	s0 =	simm.s32 @!p2 $0x0  }
0x16: {  	s3 =	sld [smem:$0x3FDB];
	s0 =	simm.s32 @p2 $0x1  }
0x17: {  	s4 =	simm.s32 $0x1BF5;
	[smem:$0x3FBB] =	sst s0  }
0x18: {  	s0 =	sld [smem:$0x3F9E];
	_ =	swait.ge [sflag:s4], $0x0  }
0x19: {  	s7 =	sld [smem:$0x3F9F]  }
0x1a: {  	s8 =	sadd.s32 $0xFFFFE003, lr  }
0x1b: {  	s9 =	sadd.s32 $0xFFFFFEF7, lr;
	s5 =	simm.s32 $0xFFFFFFFF;
	p2 =	slt.u32 s8, $0xFFFFF086  }
0x1c: {  	p1 =	slt.u32 s9, $0xF7A;
	s5 =	simm.s32 @!p2 $0x0  }
0x1d: {  	s5 =	simm.s32 @p1 $0x1;
	p0 =	seq.s32 s7, s2  }
0x1e: {  	s7 =	smul.u32 @!p0 $0xF7A, s2;
	p2 =	seq.s32 @!p0 s5, $0x0  }
0x1f: {  	s9 =	smul.u32 $0xF7A, s1;
	s8 =	simm.s32 @!p0 $0x1BF5;
	p2 =	por !p2, p0  }
0x20: {  	[sflag:s8] =	ssyncset.s32 @!p0 $0xFFFFF086;
	s6 =	sadd.s32 @!p0 s3, s7;
	s7 =	simm.s32 @!p0 $0x108  }
0x21: {  	s3 =	sadd.s32 s3, s9;
	s6 =	sadd.s32 @!p0 $0x88, s6;
	s7 =	simm.s32 @p2 $0x1082  }
0x22: {  	[simem:s7], [sflag:s8] =	dma.local @!p0 [hbm:s6], $0xF7A  }
0x23: {  	s9 =	sor.u32 $0xD0000000, s2;
	s6 =	simm.s32 $0x108;
	_ =	swait.ge @!p0 [sflag:s8], $0x0  }
0x24: {  	s3 =	sadd.s32 $0x88, s3;
	s6 =	simm.s32 @!p1 $0x1082;
	[sflag:s4] =	ssyncset.s32 $0xFFFFF086  }
0x25: {  	[simem:s6], [sflag:s4] =	dma.local [hbm:s3], $0xF7A  }
0x26: {  	[smem:$0x3F9F] =	sst s1;
	(tag) =	ssettag s2;
	_ =	strace s9  }
0x27: {  	s1 =	sld [smem:$0x3FAF]  }
0x28: {  	s2 =	sld [smem:$0x3FB0]  }
0x29: {  	s4 =	sld [smem:$0x3FB2]  }
0x2a: {  	p0 =	seq.s32 s5, $0x0;
	s5 =	sld [smem:$0x3FB3]  }
0x2b: {  	s6 =	sld [smem:$0x3FB4]  }
0x2c: {  	s7 =	sld [smem:$0x3FB5]  }
0x2d: {  	s3 =	simm.s32 $0x108;
	s8 =	sld [smem:$0x3FB6]  }
0x2e: {  	s3 =	simm.s32 @!p0 $0x1082;
	s9 =	sld [smem:$0x3FB7]  }
0x2f: {  	lr =	sadd.s32 s0, s3;
	s0 =	sld [smem:$0x3FAE]  }
0x30: {  	s3 =	sld [smem:$0x3FB1]  }
0x31: {  	[smem:$0x3FBA] =	sst s10  }
0x32: {  	s10 =	sld [smem:$0x3FB8];
	_ =	sdelay $0x3  }
0x33: {  	p0 =	seq.s32 s10, $0x1;
	s10 =	sld [smem:$0x3FBA];
	_ =	sdelay $0x3  }
0x34: {  	[smem:$0x3FBA] =	sst s10  }
0x35: {  	s10 =	sld [smem:$0x3FB9];
	_ =	sdelay $0x3  }
0x36: {  	p1 =	seq.s32 s10, $0x1;
	s10 =	sld [smem:$0x3FBA];
	_ =	sdelay $0x3  }
0x37: {  	[smem:$0x3FBA] =	sst s10  }
0x38: {  	s10 =	sld [smem:$0x3FBB]  }
0x39: {  	_ = 	snop;
	(pc) =	sbr.ind lr, $3  }
0x3a: {  	_ = 	snop  }
0x3b: {  	_ = 	snop  }
0x3c: {  	p2 =	seq.s32 s10, $0x1;
	s10 =	sld [smem:$0x3FBA]  }
0x3d: {  	_ =	shalt  }
0x3e: {  	_ =	shalt  }
0x3f: {  	_ =	shalt  }
0x40: {  	_ =	shalt  }
0x41: {  	_ =	shalt  }
0x42: {  	_ =	shalt  }
0x43: {  	_ =	shalt  }
0x44: {  	_ =	shalt  }
0x45: {  	_ =	shalt  }
0x46: {  	_ =	shalt  }
0x47: {  	_ =	shalt  }
0x48: {  	_ =	shalt  }
0x49: {  	_ =	shalt  }
0x4a: {  	_ =	shalt  }
0x4b: {  	_ =	shalt  }
0x4c: {  	_ =	shalt  }
0x4d: {  	_ =	shalt  }
0x4e: {  	_ =	shalt  }
0x4f: {  	_ =	shalt  }
0x50: {  	_ =	shalt  }
0x51: {  	_ =	shalt  }
0x52: {  	_ =	shalt  }
0x53: {  	_ =	shalt  }
0x54: {  	_ =	shalt  }
0x55: {  	_ =	shalt  }
0x56: {  	_ =	shalt  }
0x57: {  	_ =	shalt  }
0x58: {  	_ =	shalt  }
0x59: {  	_ =	shalt  }
0x5a: {  	_ =	shalt  }
0x5b: {  	_ =	shalt  }
0x5c: {  	_ =	shalt  }
0x5d: {  	_ =	shalt  }
0x5e: {  	_ =	shalt  }
0x5f: {  	_ =	shalt  }
0x60: {  	_ =	shalt  }
0x61: {  	_ =	shalt  }
0x62: {  	_ =	shalt  }
0x63: {  	_ =	shalt  }
0x64: {  	_ =	shalt  }
0x65: {  	_ =	shalt  }
0x66: {  	_ =	shalt  }
0x67: {  	_ =	shalt  }
0x68: {  	_ =	shalt  }
0x69: {  	_ =	shalt  }
0x6a: {  	_ =	shalt  }
0x6b: {  	_ =	shalt  }
0x6c: {  	_ =	shalt  }
0x6d: {  	_ =	shalt  }
0x6e: {  	_ =	shalt  }
0x6f: {  	_ =	shalt  }
0x70: {  	_ =	shalt  }
0x71: {  	_ =	shalt  }
0x72: {  	_ =	shalt  }
0x73: {  	_ =	shalt  }
0x74: {  	_ =	shalt  }
0x75: {  	_ =	shalt  }
0x76: {  	_ =	shalt  }
0x77: {  	_ =	shalt  }
0x78: {  	_ =	shalt  }
0x79: {  	_ =	shalt  }
0x7a: {  	_ =	shalt  }
0x7b: {  	_ =	shalt  }
0x7c: {  	_ =	shalt  }
0x7d: {  	_ =	shalt  }
0x7e: {  	_ =	shalt  }
0x7f: {  	_ =	shalt  }
0x80: {  	_ =	shalt  }
0x81: {  	_ =	shalt  }
0x82: {  	_ =	shalt  }
0x83: {  	_ =	shalt  }
0x84: {  	_ =	shalt  }
0x85: {  	_ =	shalt  }
0x86: {  	_ =	shalt  }
0x87: {  	_ =	shalt  }
.Lfunc_end0:
.L_simem_size_0:
called_computation_lowered:
.L_overlay_start_0:
0x88: {  	s2 =	sld [smem:$0x3FD9]  }
0x89: {  	s3 =	sld [smem:$0x3FFE];
	_ =	sdelay $0x1  }
0x8a: {  	s1 =	srdreg.scid  }
0x8b: {  	s0 =	sand.u32 $0x1, s1  }
0x8c: {  	s17 =	sshll.u32 s0, $0xA;
	s2 =	sadd.s32 s3, s2  }
0x8d: {  	s2 =	sadd.s32 s2, s17  }
0x8e: {  	[smem:$0x3FC6] =	sst s2  }
0x8f: {  	_ = 	snop  }
0x90: {  	s2 =	sld [smem:$0x3FC8]  }
0x91: {  	s18 =	sld [smem:$0x3FD0];
	(tm) =	ssettm $0x1  }
0x92: {  	s4 =	sld [smem:$0x3FFB];
	_ =	sdelay $0x3  }
0x93: {  	_ =	strace s4  }
0x94: {  	s4 =	sld [smem:$0x3FFC];
	_ =	sdelay $0x3  }
0x95: {  	_ =	strace s4  }
0x96: {  	s4 =	sld [smem:$0x3FFD];
	_ =	sdelay $0x3  }
0x97: {  	_ =	strace s4  }
0x98: {  	_ =	strace $0x8FFFFFFF  }
0x99: {  	s19 =	sld [smem:$0x3FDB];
	_ =	sdelay $0x1  }
0x9a: {  	s5 =	simm.s32 $_scs_section_size  }
0x9b: {  	s6 =	simm.s32 $_size__tile_overlayer_lowered;
	s7 =	simm.s32 $_tile_overlayer_lowered  }
0x9c: {  	s22 =	simm.s32 $0x1BFF;
	s21 =	sshll.u32 s7, $0x1;
	s4 =	sadd.s32 s5, s19  }
0x9d: {  	s8 =	simm.s32 $0x0;
	s20 =	sshll.u32 s6, $0x1;
	s6 =	sadd.s32 s21, s4  }
0x9e: {  	[timem:s8], [sflag:s22] =	dma.local [hbm:s6], s20  }
0x9f: {  	_ =	swait.ge [sflag:s22], s20  }
0xa0: {  	s5 =	ssub.s32 $0x0, s20;
	[sflag:s22] =	ssyncset.done $0x0  }
0xa1: {  	[sflag:s22] =	ssyncadd.s32 s5;
	_ =	sdelay $0x1  }
0xa2: {  	s23 =	simm.s32 $0x1B8B  }
0xa3: {  	_ =	swait.ge [sflag:s23], $0x1  }
0xa4: {  	[sflag:s23] =	ssyncset.done $0x0  }
0xa5: {  	s25 =	simm.s32 $0x1B8E;
	s24 =	sld [smem:$0x3FFE];
	[sflag:s23] =	ssyncadd.s32 $0xFFFFFFFF  }
0xa6: {  	s26 =	simm.s32 $execute0_lowered;
	[smem:$0x3FD2] =	sst s25  }
0xa7: {  	s6 =	sshll.u32 s26, $0x1;
	_ =	strace $0x80000046;
	[dreg:$0x1] =	wrdreg $0xFFFFFFFF  }
0xa8: {  	s28 =	simm.s32 $_size_execute0_lowered;
	s4 =	sadd.s32 s4, s6;
	[dreg:$0x0] =	wrdreg $0x0  }
0xa9: {  	s6 =	sshll.u32 s28, $0x1;
	[dreg:$0x2] =	wrdreg s4  }
0xaa: {  	[dreg:$0x3] =	wrdreg s6  }
0xab: {  	[dreg:$0x4] =	wrdreg $0xC0  }
0xac: {  	_ =	task [dreg:s8], $0x5FFFF  }
0xad: {  	[dreg:$0x1] =	wrdreg $0xFFFFFFFF  }
0xae: {  	[dreg:$0x0] =	wrdreg $0x60  }
0xaf: {  	[dreg:$0x2] =	wrdreg s24  }
0xb0: {  	[dreg:$0x3] =	wrdreg s2  }
0xb1: {  	[dreg:$0x4] =	wrdreg s18  }
0xb2: {  	[dreg:$0x5] =	wrdreg $0x9  }
0xb3: {  	_ =	task.clear_ibuf [dreg:s8], $0x6FFFF;
	_ =	strace $0x90000046  }
0xb4: {  	s29 =	simm.s32 $0x9;
	_ =	strace $0x80000048  }
0xb5: {  	_ =	swait.ge [sflag:s29], $0x1  }
0xb6: {  	[sflag:s29] =	ssyncadd.s32 $0xFFFFFFFF  }
0xb7: {  	_ =	strace $0x90000048  }
0xb8: {  	_ =	sfence  }
0xb9: {  	s30 =	sld [smem:$0x0];
	_ =	sdelay $0x2  }
0xba: {  	s31 =	sshll.u32 s1, $0xD;
	s1 =	sshrl.u32 s1, $0x2  }
0xbb: {  	s3 =	sand.u32 $0x4000, s31;
	s1 =	sadd.s32 s1, s30  }
0xbc: {  	s0 =	sor.u32 s3, s0;
	s1 =	sshll.u32 s1, $0x11  }
0xbd: {  	s0 =	sor.u32 s1, s0  }
0xbe: {  	s0 =	sadd.s32 $0x8F2B, s0  }
0xbf: {  	[sflag:s0] =	ssyncadd.remote.s32 $0x1  }
0xc0: {  	_ =	sfence.sel $0xFFFF  }
0xc1: {  	[dreg:$0x0] =	wrdreg $0xFFFFFFFF;
	(pc) =	sbr.abs _section_cstart, $3  }
0xc2: {  	[dreg:$0x1] =	wrdreg $0xFFFFFFFF  }
0xc3: {  	_ =	task.clear_ibuf [dreg:s8], $0x2FFFF;
	_ =	strace $0x9FFFFFFF  }
0xc4: {  	(tm) =	ssettm $0x7FFFFFFF  }
0xc5: {  	_ =	shalt  }
tec
execute0_lowered:
.L_overlay_start_1:
0x0: {  	(tag) =	ssettag $0x1  }
0x1: {  	s3 =	rddreg [dreg:$0x0]  }
0x2: {  	s1 =	rddreg [dreg:$0x1]  }
0x3: {  	s0 =	rddreg [dreg:$0x2];
	s2 =	simm.s32 $0x0;
	s5 =	srdreg.scid  }
0x4: {  	s6 =	stileid.u32;
	[smem:$0x7FF] =	sst s2  }
0x5: {  	s4 =	sadd.s32 $0x1800, s3;
	s22 =	sand.u32 $0x1, s5;
	s6 =	sshll.u32 s6, $0xA  }
0x6: {  	_ =	strace $0x80000047;
	[dreg:$0x4] =	wrdreg s4;
	s4 =	sshll.u32 s22, $0x9  }
0x7: {  	s7 =	sor.u32 s4, s6  }
0x8: {  	v1 =	vmov s7  }
0x9: {  	s23 =	sor.u32 $0x10, s7;
	v1 =	vshrl.u32 v1, $0x7  }
0xa: {  	[tilespmem:$0x1FDA0] =	vst v1;
	v1 =	vmov s23  }
0xb: {  	s10 =	sor.u32 $0x20, s7;
	v1 =	vshrl.u32 v1, $0x7  }
0xc: {  	[tilespmem:$0x1FDB0] =	vst v1;
	v1 =	vmov s10  }
0xd: {  	s11 =	sor.u32 $0x30, s7;
	v1 =	vshrl.u32 v1, $0x7  }
0xe: {  	[tilespmem:$0x1FDC0] =	vst v1;
	v1 =	vmov s11  }
0xf: {  	s12 =	sor.u32 $0x40, s7;
	v1 =	vshrl.u32 v1, $0x7  }
0x10: {  	[tilespmem:$0x1FDD0] =	vst v1;
	v1 =	vmov s12  }
0x11: {  	s13 =	sor.u32 $0x50, s7;
	v1 =	vshrl.u32 v1, $0x7  }
0x12: {  	[tilespmem:$0x1FDE0] =	vst v1;
	v1 =	vmov s13  }
0x13: {  	s25 =	sor.u32 $0x60, s7;
	v1 =	vshrl.u32 v1, $0x7  }
0x14: {  	[tilespmem:$0x1FDF0] =	vst v1;
	v1 =	vmov s25  }
0x15: {  	s15 =	sor.u32 $0x70, s7;
	v1 =	vshrl.u32 v1, $0x7  }
0x16: {  	[tilespmem:$0x1FE00] =	vst v1;
	v1 =	vmov s15  }
0x17: {  	s26 =	sor.u32 $0x80, s7;
	v1 =	vshrl.u32 v1, $0x7  }
0x18: {  	[tilespmem:$0x1FE10] =	vst v1;
	v1 =	vmov s26  }
0x19: {  	s20 =	sor.u32 $0x90, s7;
	v1 =	vshrl.u32 v1, $0x7  }
0x1a: {  	[tilespmem:$0x1FE30] =	vst v1;
	v1 =	vmov s20  }
0x1b: {  	s5 =	ssub.s32 $0x2, s22;
	s22 =	sor.u32 $0xA0, s7;
	v1 =	vshrl.u32 v1, $0x7  }
0x1c: {  	v0 =	vlaneseq.u32;
	[tilespmem:$0x1FE40] =	vst v1;
	v1 =	vmov s22  }
0x1d: {  	s9 =	sshll.u32 s7, $0x7;
	v8 =	vor.u32 s23, v0;
	s23 =	sor.u32 $0xB0, s7;
	v1 =	vshrl.u32 v1, $0x7  }
0x1e: {  	s9 =	sadd.s32 s0, s9;
	s24 =	sshll.u32 s10, $0x7;
	[tilespmem:$0x1FE50] =	vst v1;
	v1 =	vmov s23  }
0x1f: {  	[dreg:$0x6] =	wrdreg s9;
	s9 =	sadd.s32 s0, s24;
	s24 =	sor.u32 $0xC0, s7;
	v1 =	vshrl.u32 v1, $0x7  }
0x20: {  	[tilespmem:$0x1FE60] =	vst v1;
	v1 =	vmov s24  }
0x21: {  	v12 =	vor.u32 s13, v0;
	s13 =	sor.u32 $0xD0, s7;
	v1 =	vshrl.u32 v1, $0x7  }
0x22: {  	[tilespmem:$0x1FE70] =	vst v1;
	v1 =	vmov s13  }
0x23: {  	s16 =	sshll.u32 s25, $0x7;
	[dreg:$0x7] =	wrdreg s9;
	s9 =	sor.u32 $0xE0, s7;
	v1 =	vshrl.u32 v1, $0x7  }
0x24: {  	s19 =	sadd.s32 s0, s16;
	[tilespmem:$0x1FE80] =	vst v1;
	v1 =	vmov s9  }
0x25: {  	s14 =	sshll.u32 s12, $0x7;
	[dreg:$0x9] =	wrdreg s19;
	s19 =	sor.u32 $0xF0, s7;
	v1 =	vshrl.u32 v1, $0x7  }
0x26: {  	v2 =	vor.u32 s7, v0;
	s21 =	sshll.u32 s26, $0x7;
	s17 =	sshll.u32 s22, $0x7;
	s14 =	sadd.s32 s0, s14;
	[tilespmem:$0x1FE90] =	vst v1;
	v1 =	vmov s19  }
0x27: {  	[tilespmem:$0x1FD90] =	vst v2;
	v2 =	vor.u32 s26, v0;
	[dreg:$0x8] =	wrdreg s14;
	s14 =	sadd.s32 s0, s21;
	s26 =	sor.u32 $0x100, s7;
	v1 =	vshrl.u32 v1, $0x7  }
0x28: {  	[dreg:$0xa] =	wrdreg s14;
	s14 =	sadd.s32 s0, s17;
	s17 =	sshll.u32 s24, $0x7;
	[tilespmem:$0x1FEA0] =	vst v1;
	v1 =	vmov s26  }
0x29: {  	s18 =	sadd.s32 s0, s17;
	s17 =	sor.u32 $0x110, s7;
	v1 =	vshrl.u32 v1, $0x7  }
0x2a: {  	[tilespmem:$0x1FEC0] =	vst v1;
	v1 =	vmov s17  }
0x2b: {  	v9 =	vor.u32 s10, v0;
	s10 =	sor.u32 $0x120, s7;
	v1 =	vshrl.u32 v1, $0x7  }
0x2c: {  	v13 =	vor.u32 s25, v0;
	s21 =	sor.u32 $0x130, s7;
	s25 =	sshll.u32 s9, $0x7;
	[tilespmem:$0x1FED0] =	vst v1;
	v1 =	vmov s10  }
0x2d: {  	v15 =	vor.u32 s20, v0;
	[dreg:$0xb] =	wrdreg s14;
	s14 =	sadd.s32 s0, s25;
	s20 =	sshll.u32 s26, $0x7;
	v1 =	vshrl.u32 v1, $0x7  }
0x2e: {  	vm0 =	vmmov $0xffff;
	[dreg:$0xd] =	wrdreg s14;
	s14 =	sadd.s32 s0, s20;
	[tilespmem:$0x1FEE0] =	vst v1;
	v1 =	vmov s21  }
0x2f: {  	v10 =	vor.u32 s11, v0;
	v11 =	vor.u32 s12, v0;
	[dreg:$0xe] =	wrdreg s14;
	s14 =	sor.u32 $0x140, s7;
	v1 =	vshrl.u32 v1, $0x7  }
0x30: {  	v14 =	vor.u32 s15, v0;
	v16 =	vor.u32 s22, v0;
	[tilespmem:$0x1FEF0] =	vst v1;
	v1 =	vmov s14  }
0x31: {  	v17 =	vor.u32 s23, v0;
	v18 =	vor.u32 s24, v0;
	s23 =	sor.u32 $0x150, s7;
	v1 =	vshrl.u32 v1, $0x7  }
0x32: {  	v20 =	vor.u32 s9, v0;
	v21 =	vor.u32 s19, v0;
	[tilespmem:$0x1FF00] =	vst v1;
	v1 =	vmov s23  }
0x33: {  	v24 =	vor.u32 s21, v0;
	v19 =	vor.u32 s13, v0;
	s13 =	sor.u32 $0x160, s7;
	v1 =	vshrl.u32 v1, $0x7  }
0x34: {  	v23 =	vor.u32 s10, v0;
	[dreg:$0xc] =	wrdreg s18;
	s18 =	sshll.u32 s10, $0x7;
	v22 =	vor.u32 s17, v0;
	s15 =	sor.u32 $0x190, s7;
	[tilespmem:$0x1FF10] =	vst v1;
	v1 =	vmov s13  }
0x35: {  	[tilespmem:$0x1FE20] =	vst v2;
	v29 =	vor.u32 s15, v0;
	v2 =	vor.u32 s26, v0;
	s22 =	sadd.s32 s0, s18;
	s18 =	sor.u32 $0x170, s7;
	s24 =	sshll.u32 s14, $0x7;
	v1 =	vshrl.u32 v1, $0x7  }
0x36: {  	v25 =	vor.u32 s14, v0;
	v28 =	vor.u32 s18, v0;
	s16 =	sadd.s32 s0, s24;
	s24 =	sor.u32 $0x1E0, s7;
	s25 =	sshll.u32 s13, $0x7;
	[tilespmem:$0x1FF20] =	vst v1;
	v1 =	vmov s18  }
0x37: {  	[tilespmem:$0x1FEB0] =	vst v2;
	v26 =	vor.u32 s23, v0;
	[dreg:$0x10] =	wrdreg s16;
	v6 =	vmov s24;
	s9 =	sor.u32 $0x180, s7;
	s16 =	sadd.s32 s0, s25;
	v1 =	vshrl.u32 v1, $0x7  }
0x38: {  	v56 =	vor.u32 s24, v0;
	s25 =	sor.u32 $0x1F0, s7;
	[dreg:$0x11] =	wrdreg s16;
	v2 =	vor.u32 s9, v0;
	s19 =	sshll.u32 s9, $0x7;
	[tilespmem:$0x1FF30] =	vst v1;
	v1 =	vmov s9  }
0x39: {  	v27 =	vor.u32 s13, v0;
	s16 =	sor.u32 $0x1A0, s7;
	v7 =	vmov s25;
	[tilespmem:$0x1FF40] =	vst v2;
	s26 =	sadd.s32 s0, s19;
	s19 =	sor.u32 $0x1C0, s7;
	v1 =	vshrl.u32 v1, $0x7  }
0x3a: {  	v57 =	vor.u32 s25, v0;
	v2 =	vmov s16;
	s20 =	sshll.u32 s19, $0x7;
	[tilespmem:$0x1FF50] =	vst v1;
	v1 =	vmov s15  }
0x3b: {  	v30 =	vor.u32 s16, v0;
	v4 =	vmov s19;
	s21 =	sadd.s32 s0, s20;
	s20 =	sor.u32 $0x1B0, s7;
	v1 =	vshrl.u32 v1, $0x7  }
0x3c: {  	v44 =	vmovc v8;
	v35 =	vmovc v9;
	v32 =	vor.u32 s19, v0;
	[dreg:$0x14] =	wrdreg s21;
	s21 =	sor.u32 $0x1D0, s7;
	v3 =	vmov s20;
	[tilespmem:$0x1FF60] =	vst v1;
	v1 =	vshrl.u32 v2, $0x7  }
0x3d: {  	v46 =	vmovc v10;
	v48 =	vmovc v11;
	v31 =	vor.u32 s20, v0;
	v5 =	vmov s21;
	[tilespmem:$0x1FF70] =	vst v1;
	v1 =	vshrl.u32 v3, $0x7  }
0x3e: {  	v39 =	vmovc v12;
	v49 =	vmovc v13;
	v33 =	vor.u32 s21, v0;
	v3 =	vand.u32 $0x7F, v14;
	[tilespmem:$0x1FF80] =	vst v1;
	v1 =	vshrl.u32 v4, $0x7  }
0x3f: {  	s28 =	simm.s32 $0x1;
	s30 =	simm.s32 $0x2;
	v50 =	vmovc v14;
	v41 =	vmovc v15;
	v14 =	vand.u32 $0x1F, v15;
	v15 =	vand.u32 $0x6F, v27;
	[tilespmem:$0x1FF90] =	vst v1;
	v1 =	vshrl.u32 v5, $0x7  }
0x40: {  	s31 =	simm.s32 $0x4;
	s29 =	simm.s32 $0x8280;
	s3 =	sadd.s32 $0x1600, s3;
	v43 =	vmovc v16;
	v45 =	vmovc v17;
	v5 =	vand.u32 $0x2F, v16;
	v16 =	vand.u32 $0x3F, v17;
	v17 =	vand.u32 $0x4F, v18  }
0x41: {  	[dreg:$0x5] =	wrdreg s3;
	s8 =	sshrl.u32 s5, $0x1;
	s4 =	sadd.s32 $0x100, s1;
	v47 =	vmovc v18;
	v51 =	vmovc v20;
	v18 =	vand.u32 $0x6F, v20;
	v20 =	vand.u32 $0x1F, v22;
	[tilespmem:$0x1FFA0] =	vst v1;
	v1 =	vshrl.u32 v6, $0x7  }
0x42: {  	s6 =	sadd.s32 $0x300, s1;
	s3 =	ssub.s32 s5, s8;
	v61 =	vmovc v24;
	v60 =	vmovc v22;
	[dreg:$0xf] =	wrdreg s22;
	v22 =	vand.u32 $0x3F, v24;
	v24 =	vand.u32 $0x5F, v26;
	[tilespmem:$0x1FFB0] =	vst v1;
	v1 =	vshrl.u32 v7, $0x7  }
0x43: {  	v54 =	vmovc v28;
	v63 =	vmovc v26;
	[dreg:$0x12] =	wrdreg s26;
	s26 =	simm.s32 $0x200;
	s17 =	sshll.u32 s16, $0x7;
	v26 =	vand.u32 $0x7F, v28;
	v28 =	vand.u32 $0x1F, v29;
	[tilespmem:$0x1FFC0] =	vst v1;
	v1 =	vand.u32 $0x1F, v8  }
0x44: {  	v59 =	vmovc v21;
	v58 =	vmovc v19;
	s22 =	sshll.u32 s24, $0x7;
	[dreg:$0x17] =	wrdreg s26;
	s8 =	sadd.s32 s0, s17;
	v7 =	vand.u32 $0x5F, v19;
	v19 =	vand.u32 $0x2F, v30;
	[tilespmem:$0x1FFD0] =	vst v1;
	v1 =	vand.u32 $0x2F, v9  }
0x45: {  	s5 =	sadd.s32 $0x200, s1;
	v52 =	vmovc v23;
	[dreg:$0x13] =	wrdreg s8;
	s0 =	sadd.s32 s0, s22;
	v2 =	vmovc v30;
	v30 =	vand.u32 $0x3F, v31;
	v8 =	vand.u32 $0x4F, v11;
	[tilespmem:$0x1FFE0] =	vst v1;
	v1 =	vand.u32 $0x3F, v10  }
0x46: {  	v62 =	vmovc v25;
	v53 =	vmovc v27;
	s26 =	simm.s32 $0x6;
	s17 =	simm.s32 $0x280;
	[dreg:$0x15] =	wrdreg s0;
	v11 =	vand.u32 $0x2F, v23;
	v23 =	vand.u32 $0x7F, v57;
	v9 =	vand.u32 $0x7F, v21  }
0x47: {  	s7 =	smax.u32 s3, $0x1;
	s0 =	simm.s32 $0x3;
	s23 =	simm.s32 $0x180;
	v4 =	vmovc v32;
	v6 =	vmovc v33;
	v21 =	vand.u32 $0x4F, v32;
	v32 =	vand.u32 $0x5F, v33;
	v33 =	vand.u32 $0x6F, v56  }
0x48: {  	s3 =	simm.s32 $0x5;
	v55 =	vmovc v31;
	[dreg:$0x16] =	wrdreg s23;
	s9 =	simm.s32 $0x10280;
	v10 =	vand.u32 $0x5F, v12;
	v12 =	vand.u32 $0x6F, v13;
	v13 =	vand.u32 $0x4F, v25;
	[tilespmem:$0x1FFF0] =	vst v1;
	v1 =	vmovc v29  }
.LBB2_1:
0x49: {  	s8 =	rddreg [dreg:$0x4]  }
0x4a: {  	s10 =	rddreg [dreg:$0x16];
	s11 =	simm.s32 $0x7  }
0x4b: {  	[tilespmem:s10], [sflag:$0x7] =	stream.linear.gather [hbm4b:s8+s2], $0x80, $0x38;
	[tilespmem:$0x18280] =	vst v63  }
0x4c: {  	_ =	swait.ge [sflag:s11], $0x80  }
0x4d: {  	s24 =	rddreg [dreg:$0x5];
	[sflag:s11] =	ssyncset.done $0x0  }
0x4e: {  	s25 =	rddreg [dreg:$0x17];
	[sflag:s11] =	ssyncadd.s32 $0xFFFFFF80  }
0x4f: {  	[tilespmem:s25], [sflag:$0x7] =	stream.linear.gather [hbm4b:s24+s2], $0x80, $0x38;
	[tilespmem:$0x18280] =	vst v63  }
0x50: {  	_ =	swait.ge [sflag:s11], $0x80  }
0x51: {  	[sflag:s11] =	ssyncset.done $0x0  }
0x52: {  	v25 =	vld [tilespmem:$0x1FDA0];
	[sflag:s11] =	ssyncadd.s32 $0xFFFFFF80  }
0x53: {  	v27 =	vld [tilespmem:$0x180];
	_ =	sdelay $0x2  }
0x54: {  	v38 =	vld [tilespmem:$0x200];
	_ =	sdelay $0x1  }
0x55: {  	vm2 =	vlt.s32 v25, v27;
	v25 =	vld [tilespmem:$0x1FD90];
	_ =	sdelay $0x1  }
0x56: {  	v31 =	vld [tilespmem:$0x1FDB0]  }
0x57: {  	vm1 =	vgt.s32 v38, v0  }
0x58: {  	vm2 =	vmand vm2, vm1  }
0x59: {  	v36 =	vnsel vm2, $0x0, v25  }
0x5a: {  	v25 =	vshll.u32 v36, $0x3  }
0x5b: {  	vm2 =	vlt.s32 v31, v27;
	v31 =	vld [tilespmem:$0x1FFD0];
	v34 =	vand.u32 $0x7, v36;
	v25 =	vand.u32 $0x7FFFFFC0, v25  }
0x5c: {  	v37 =	vshrl.u32 v0, $0x3;
	v29 =	vor.u32 v34, v25;
	v25 =	vand.u32 $0x7, v0  }
0x5d: {  	v34 =	vmul.u32 $0x8, v37;
	v40 =	vperm.xlane v29, v25;
	_ =	sdelay $0x1  }
0x5e: {  	v40 =	vadd.s32 v34, v40  }
0x5f: {  	vm3 =	vlt.s32 v31, v38  }
0x60: {  	vm2 =	vmand vm2, vm3  }
0x61: {  	[tilespmem:$0x0] =	vst v36;
	v42 =	vnsel vm2, $0x0, v44  }
0x62: {  	[tilespmem:$0x10] =	vst v42  }
0x63: {  	v36 =	vor.u32 $0x8, v0;
	[tilespmem:s17], [sflag:$0x1] =	stream.indirect_vreg.gather [hbm4b:s1+s2], $0x80, v40, vm0, $0xb8;
	[tilespmem:$0x18280] =	vst v63  }
0x64: {  	s12 =	simm.s32 $0xA80;
	v29 =	vperm.xlane v29, v36  }
0x65: {  	[tilespmem:s12], [sflag:$0x1] =	stream.indirect_vreg.gather [hbm4b:s4+s2], $0x80, v40, vm0, $0xb8;
	[tilespmem:$0x18280] =	vst v63  }
0x66: {  	s13 =	simm.s32 $0x1280;
	v29 =	vadd.s32 v34, v29  }
0x67: {  	[tilespmem:s13], [sflag:$0x1] =	stream.indirect_vreg.gather [hbm4b:s5+s2], $0x80, v40, vm0, $0xb8;
	[tilespmem:$0x18280] =	vst v63  }
0x68: {  	s14 =	simm.s32 $0x1A80  }
0x69: {  	[tilespmem:s14], [sflag:$0x1] =	stream.indirect_vreg.gather [hbm4b:s6+s2], $0x80, v40, vm0, $0xb8;
	[tilespmem:$0x18280] =	vst v63  }
0x6a: {  	s15 =	simm.s32 $0x2280  }
0x6b: {  	[tilespmem:s15], [sflag:$0x1] =	stream.indirect_vreg.gather [hbm4b:s1+s2], $0x80, v29, vm0, $0xb8;
	[tilespmem:$0x18280] =	vst v63  }
0x6c: {  	s16 =	simm.s32 $0x2A80  }
0x6d: {  	[tilespmem:s16], [sflag:$0x1] =	stream.indirect_vreg.gather [hbm4b:s4+s2], $0x80, v29, vm0, $0xb8;
	[tilespmem:$0x18280] =	vst v63  }
0x6e: {  	s18 =	simm.s32 $0x3280  }
0x6f: {  	[tilespmem:s18], [sflag:$0x1] =	stream.indirect_vreg.gather [hbm4b:s5+s2], $0x80, v29, vm0, $0xb8;
	[tilespmem:$0x18280] =	vst v63  }
0x70: {  	s19 =	simm.s32 $0x3A80  }
0x71: {  	[tilespmem:s19], [sflag:$0x1] =	stream.indirect_vreg.gather [hbm4b:s6+s2], $0x80, v29, vm0, $0xb8;
	[tilespmem:$0x18280] =	vst v63  }
0x72: {  	v29 =	vld [tilespmem:$0x10];
	_ =	sdelay $0x4  }
0x73: {  	v37 =	vshll.u32 v29, $0x3  }
0x74: {  	v29 =	vand.u32 $0x7, v29;
	v40 =	vand.u32 $0xFFFFFFC0, v37  }
0x75: {  	v29 =	vor.u32 v29, v40  }
0x76: {  	v40 =	vperm.xlane v29, v25  }
0x77: {  	v31 =	vld [tilespmem:$0x1FDC0]  }
0x78: {  	v40 =	vadd.s32 v34, v40;
	_ =	sdelay $0x3  }
0x79: {  	s20 =	simm.s32 $0x4280;
	vm2 =	vlt.s32 v31, v27;
	v31 =	vld [tilespmem:$0x1FFE0]  }
0x7a: {  	[tilespmem:s20], [sflag:$0x1] =	stream.indirect_vreg.gather [hbm4b:s1+s2], $0x80, v40, vm0, $0xb8;
	[tilespmem:$0x18280] =	vst v63  }
0x7b: {  	s21 =	simm.s32 $0x4A80;
	v29 =	vperm.xlane v29, v36  }
0x7c: {  	[tilespmem:s21], [sflag:$0x1] =	stream.indirect_vreg.gather [hbm4b:s4+s2], $0x80, v40, vm0, $0xb8;
	[tilespmem:$0x18280] =	vst v63  }
0x7d: {  	s22 =	simm.s32 $0x5280;
	v37 =	vld [tilespmem:$0x1FDD0];
	v29 =	vadd.s32 v34, v29  }
0x7e: {  	vm3 =	vlt.s32 v31, v38;
	[tilespmem:s22], [sflag:$0x1] =	stream.indirect_vreg.gather [hbm4b:s5+s2], $0x80, v40, vm0, $0xb8;
	[tilespmem:$0x18280] =	vst v63  }
0x7f: {  	s23 =	simm.s32 $0x5A80;
	vm2 =	vmand vm2, vm3  }
0x80: {  	[tilespmem:s23], [sflag:$0x1] =	stream.indirect_vreg.gather [hbm4b:s6+s2], $0x80, v40, vm0, $0xb8;
	v40 =	vnsel vm2, $0x0, v35;
	[tilespmem:$0x18280] =	vst v63  }
0x81: {  	s24 =	simm.s32 $0x6280;
	v31 =	vshll.u32 v40, $0x3  }
0x82: {  	vm2 =	vlt.s32 v37, v27;
	v37 =	vld [tilespmem:$0x1FFF0];
	v42 =	vand.u32 $0x7, v40;
	[tilespmem:s24], [sflag:$0x1] =	stream.indirect_vreg.gather [hbm4b:s1+s2], $0x80, v29, vm0, $0xb8;
	v31 =	vand.u32 $0xFFFFFFC0, v31  }
0x83: {  	s16 =	simm.s32 $0x6A80;
	v31 =	vor.u32 v42, v31  }
0x84: {  	[tilespmem:s16], [sflag:$0x1] =	stream.indirect_vreg.gather [hbm4b:s4+s2], $0x80, v29, vm0, $0xb8;
	v42 =	vperm.xlane v31, v25;
	[tilespmem:$0x18280] =	vst v63  }
0x85: {  	s18 =	simm.s32 $0x7280  }
0x86: {  	[tilespmem:s18], [sflag:$0x1] =	stream.indirect_vreg.gather [hbm4b:s5+s2], $0x80, v29, vm0, $0xb8;
	v42 =	vadd.s32 v34, v42;
	[tilespmem:$0x18280] =	vst v63  }
0x87: {  	s16 =	simm.s32 $0x7A80;
	vm3 =	vlt.s32 v37, v38  }
0x88: {  	vm2 =	vmand vm2, vm3;
	[tilespmem:s16], [sflag:$0x1] =	stream.indirect_vreg.gather [hbm4b:s6+s2], $0x80, v29, vm0, $0xb8;
	[tilespmem:$0x18280] =	vst v63  }
0x89: {  	v29 =	vnsel vm2, $0x0, v46;
	[tilespmem:$0x80] =	vst v40  }
0x8a: {  	[tilespmem:$0x90] =	vst v29  }
0x8b: {  	[tilespmem:s29], [sflag:$0x2] =	stream.indirect_vreg.gather [hbm4b:s1+s2], $0x80, v42, vm0, $0xb8;
	[tilespmem:$0x18280] =	vst v63  }
0x8c: {  	s8 =	simm.s32 $0x8A80;
	v29 =	vperm.xlane v31, v36  }
0x8d: {  	[tilespmem:s8], [sflag:$0x2] =	stream.indirect_vreg.gather [hbm4b:s4+s2], $0x80, v42, vm0, $0xb8;
	[tilespmem:$0x18280] =	vst v63  }
0x8e: {  	v29 =	vadd.s32 v34, v29;
	s8 =	simm.s32 $0x9280  }
0x8f: {  	[tilespmem:s8], [sflag:$0x2] =	stream.indirect_vreg.gather [hbm4b:s5+s2], $0x80, v42, vm0, $0xb8;
	[tilespmem:$0x18280] =	vst v63  }
0x90: {  	s8 =	simm.s32 $0x9A80  }
0x91: {  	[tilespmem:s8], [sflag:$0x2] =	stream.indirect_vreg.gather [hbm4b:s6+s2], $0x80, v42, vm0, $0xb8;
	[tilespmem:$0x18280] =	vst v63  }
0x92: {  	s8 =	simm.s32 $0xA280  }
0x93: {  	[tilespmem:s8], [sflag:$0x2] =	stream.indirect_vreg.gather [hbm4b:s1+s2], $0x80, v29, vm0, $0xb8;
	[tilespmem:$0x18280] =	vst v63  }
0x94: {  	s8 =	simm.s32 $0xAA80  }
0x95: {  	[tilespmem:s8], [sflag:$0x2] =	stream.indirect_vreg.gather [hbm4b:s4+s2], $0x80, v29, vm0, $0xb8;
	[tilespmem:$0x18280] =	vst v63  }
0x96: {  	s8 =	simm.s32 $0xB280  }
0x97: {  	[tilespmem:s8], [sflag:$0x2] =	stream.indirect_vreg.gather [hbm4b:s5+s2], $0x80, v29, vm0, $0xb8;
	[tilespmem:$0x18280] =	vst v63  }
0x98: {  	s8 =	simm.s32 $0xBA80  }
0x99: {  	[tilespmem:s8], [sflag:$0x2] =	stream.indirect_vreg.gather [hbm4b:s6+s2], $0x80, v29, vm0, $0xb8;
	[tilespmem:$0x18280] =	vst v63  }
0x9a: {  	v29 =	vld [tilespmem:$0x90];
	_ =	sdelay $0x4  }
0x9b: {  	v31 =	vshll.u32 v29, $0x3  }
0x9c: {  	v29 =	vand.u32 $0x7, v29;
	v31 =	vand.u32 $0xFFFFFFC0, v31  }
0x9d: {  	v29 =	vor.u32 v29, v31  }
0x9e: {  	v31 =	vperm.xlane v29, v25;
	_ =	sdelay $0x1  }
0x9f: {  	v31 =	vadd.s32 v34, v31;
	_ =	sdelay $0x3  }
0xa0: {  	s8 =	simm.s32 $0xC280  }
0xa1: {  	[tilespmem:s8], [sflag:$0x2] =	stream.indirect_vreg.gather [hbm4b:s1+s2], $0x80, v31, vm0, $0xb8;
	[tilespmem:$0x18280] =	vst v63  }
0xa2: {  	v29 =	vperm.xlane v29, v36;
	s8 =	simm.s32 $0xCA80  }
0xa3: {  	[tilespmem:s8], [sflag:$0x2] =	stream.indirect_vreg.gather [hbm4b:s4+s2], $0x80, v31, vm0, $0xb8;
	[tilespmem:$0x18280] =	vst v63  }
0xa4: {  	v29 =	vadd.s32 v34, v29;
	s8 =	simm.s32 $0xD280  }
0xa5: {  	[tilespmem:s8], [sflag:$0x2] =	stream.indirect_vreg.gather [hbm4b:s5+s2], $0x80, v31, vm0, $0xb8;
	[tilespmem:$0x18280] =	vst v63  }
0xa6: {  	s8 =	simm.s32 $0xDA80  }
0xa7: {  	[tilespmem:s8], [sflag:$0x2] =	stream.indirect_vreg.gather [hbm4b:s6+s2], $0x80, v31, vm0, $0xb8;
	[tilespmem:$0x18280] =	vst v63  }
0xa8: {  	s8 =	simm.s32 $0xE280;
	v31 =	vld [tilespmem:$0x1FDE0]  }
0xa9: {  	[tilespmem:s8], [sflag:$0x2] =	stream.indirect_vreg.gather [hbm4b:s1+s2], $0x80, v29, vm0, $0xb8;
	[tilespmem:$0x18280] =	vst v63  }
0xaa: {  	s8 =	simm.s32 $0xEA80  }
0xab: {  	[tilespmem:s8], [sflag:$0x2] =	stream.indirect_vreg.gather [hbm4b:s4+s2], $0x80, v29, vm0, $0xb8;
	[tilespmem:$0x18280] =	vst v63  }
0xac: {  	s8 =	simm.s32 $0xF280  }
0xad: {  	vm3 =	vlt.s32 v8, v38;
	vm2 =	vlt.s32 v31, v27;
	[tilespmem:s8], [sflag:$0x2] =	stream.indirect_vreg.gather [hbm4b:s5+s2], $0x80, v29, vm0, $0xb8;
	[tilespmem:$0x18280] =	vst v63  }
0xae: {  	vm2 =	vmand vm2, vm3;
	s8 =	simm.s32 $0xFA80  }
0xaf: {  	v31 =	vnsel vm2, $0x0, v48;
	[tilespmem:s8], [sflag:$0x2] =	stream.indirect_vreg.gather [hbm4b:s6+s2], $0x80, v29, vm0, $0xb8;
	[tilespmem:$0x18280] =	vst v63  }
0xb0: {  	v40 =	vshll.u32 v31, $0x3;
	_ =	swait.ge [sflag:s28], $0x8000  }
0xb1: {  	v37 =	vand.u32 $0x7, v31;
	v40 =	vand.u32 $0xFFFFFFC0, v40;
	v42 =	vld [tilespmem:$0x1FDF0]  }
0xb2: {  	v29 =	vor.u32 v37, v40  }
0xb3: {  	v40 =	vperm.xlane v29, v25;
	_ =	sdelay $0x1  }
0xb4: {  	[sflag:s28] =	ssyncset.done $0x0;
	v40 =	vadd.s32 v34, v40  }
0xb5: {  	vm3 =	vlt.s32 v10, v38;
	s8 =	rddreg [dreg:$0x6];
	[sflag:s28] =	ssyncadd.s32 $0xFFFF8000;
	vm2 =	vlt.s32 v42, v27  }
0xb6: {  	[hbm4b:s8+s2] =	stream.linear.scatter [tilespmem:s17], [sflag:$0x4], $0x8000, $0x38;
	vm2 =	vmand vm2, vm3;
	[tilespmem:$0x18280] =	vst v63  }
0xb7: {  	[tilespmem:$0x100] =	vst v31;
	v31 =	vnsel vm2, $0x0, v39  }
0xb8: {  	[tilespmem:$0x110] =	vst v31  }
0xb9: {  	[tilespmem:s9], [sflag:$0x3] =	stream.indirect_vreg.gather [hbm4b:s1+s2], $0x80, v40, vm0, $0xb8;
	[tilespmem:$0x18280] =	vst v63  }
0xba: {  	v29 =	vperm.xlane v29, v36;
	s8 =	simm.s32 $0x10A80  }
0xbb: {  	[tilespmem:s8], [sflag:$0x3] =	stream.indirect_vreg.gather [hbm4b:s4+s2], $0x80, v40, vm0, $0xb8;
	[tilespmem:$0x18280] =	vst v63  }
0xbc: {  	v29 =	vadd.s32 v34, v29;
	s8 =	simm.s32 $0x11280  }
0xbd: {  	[tilespmem:s8], [sflag:$0x3] =	stream.indirect_vreg.gather [hbm4b:s5+s2], $0x80, v40, vm0, $0xb8;
	[tilespmem:$0x18280] =	vst v63  }
0xbe: {  	s8 =	simm.s32 $0x11A80  }
0xbf: {  	[tilespmem:s8], [sflag:$0x3] =	stream.indirect_vreg.gather [hbm4b:s6+s2], $0x80, v40, vm0, $0xb8;
	[tilespmem:$0x18280] =	vst v63  }
0xc0: {  	s8 =	simm.s32 $0x12280  }
0xc1: {  	[tilespmem:s8], [sflag:$0x3] =	stream.indirect_vreg.gather [hbm4b:s1+s2], $0x80, v29, vm0, $0xb8;
	[tilespmem:$0x18280] =	vst v63  }
0xc2: {  	s8 =	simm.s32 $0x12A80  }
0xc3: {  	[tilespmem:s8], [sflag:$0x3] =	stream.indirect_vreg.gather [hbm4b:s4+s2], $0x80, v29, vm0, $0xb8;
	[tilespmem:$0x18280] =	vst v63  }
0xc4: {  	s8 =	simm.s32 $0x13280  }
0xc5: {  	[tilespmem:s8], [sflag:$0x3] =	stream.indirect_vreg.gather [hbm4b:s5+s2], $0x80, v29, vm0, $0xb8;
	[tilespmem:$0x18280] =	vst v63  }
0xc6: {  	s8 =	simm.s32 $0x13A80  }
0xc7: {  	[tilespmem:s8], [sflag:$0x3] =	stream.indirect_vreg.gather [hbm4b:s6+s2], $0x80, v29, vm0, $0xb8;
	[tilespmem:$0x18280] =	vst v63  }
0xc8: {  	v29 =	vld [tilespmem:$0x110];
	_ =	sdelay $0x4  }
0xc9: {  	v31 =	vshll.u32 v29, $0x3  }
0xca: {  	v29 =	vand.u32 $0x7, v29;
	v31 =	vand.u32 $0xFFFFFFC0, v31  }
0xcb: {  	v29 =	vor.u32 v29, v31  }
0xcc: {  	v31 =	vperm.xlane v29, v25;
	_ =	sdelay $0x1  }
0xcd: {  	v31 =	vadd.s32 v34, v31;
	_ =	sdelay $0x3  }
0xce: {  	s8 =	simm.s32 $0x14280  }
0xcf: {  	[tilespmem:s8], [sflag:$0x3] =	stream.indirect_vreg.gather [hbm4b:s1+s2], $0x80, v31, vm0, $0xb8;
	[tilespmem:$0x18280] =	vst v63  }
0xd0: {  	v29 =	vperm.xlane v29, v36;
	s8 =	simm.s32 $0x14A80  }
0xd1: {  	[tilespmem:s8], [sflag:$0x3] =	stream.indirect_vreg.gather [hbm4b:s4+s2], $0x80, v31, vm0, $0xb8;
	[tilespmem:$0x18280] =	vst v63  }
0xd2: {  	v29 =	vadd.s32 v34, v29;
	s8 =	simm.s32 $0x15280  }
0xd3: {  	[tilespmem:s8], [sflag:$0x3] =	stream.indirect_vreg.gather [hbm4b:s5+s2], $0x80, v31, vm0, $0xb8;
	[tilespmem:$0x18280] =	vst v63  }
0xd4: {  	s8 =	simm.s32 $0x15A80  }
0xd5: {  	[tilespmem:s8], [sflag:$0x3] =	stream.indirect_vreg.gather [hbm4b:s6+s2], $0x80, v31, vm0, $0xb8;
	[tilespmem:$0x18280] =	vst v63  }
0xd6: {  	s8 =	simm.s32 $0x16280  }
0xd7: {  	[tilespmem:s8], [sflag:$0x3] =	stream.indirect_vreg.gather [hbm4b:s1+s2], $0x80, v29, vm0, $0xb8;
	[tilespmem:$0x18280] =	vst v63  }
0xd8: {  	s8 =	simm.s32 $0x16A80  }
0xd9: {  	[tilespmem:s8], [sflag:$0x3] =	stream.indirect_vreg.gather [hbm4b:s4+s2], $0x80, v29, vm0, $0xb8;
	[tilespmem:$0x18280] =	vst v63  }
0xda: {  	v31 =	vld [tilespmem:$0x1FE00];
	s8 =	simm.s32 $0x17280  }
0xdb: {  	[tilespmem:s8], [sflag:$0x3] =	stream.indirect_vreg.gather [hbm4b:s5+s2], $0x80, v29, vm0, $0xb8;
	[tilespmem:$0x18280] =	vst v63  }
0xdc: {  	s8 =	simm.s32 $0x17A80  }
0xdd: {  	[tilespmem:s8], [sflag:$0x3] =	stream.indirect_vreg.gather [hbm4b:s6+s2], $0x80, v29, vm0, $0xb8;
	[tilespmem:$0x18280] =	vst v63  }
0xde: {  	_ =	swait.ge [sflag:s30], $0x8000  }
0xdf: {  	vm3 =	vlt.s32 v12, v38;
	vm2 =	vlt.s32 v31, v27;
	[sflag:s30] =	ssyncset.done $0x0  }
0xe0: {  	vm2 =	vmand vm2, vm3;
	s8 =	rddreg [dreg:$0x7];
	[sflag:s30] =	ssyncadd.s32 $0xFFFF8000  }
0xe1: {  	v29 =	vnsel vm2, $0x0, v49;
	[hbm4b:s8+s2] =	stream.linear.scatter [tilespmem:s29], [sflag:$0x5], $0x8000, $0x38;
	[tilespmem:$0x18280] =	vst v63  }
0xe2: {  	v31 =	vshll.u32 v29, $0x3;
	_ =	swait.ge [sflag:s31], $0x8000  }
0xe3: {  	v37 =	vand.u32 $0x7, v29;
	v31 =	vand.u32 $0xFFFFFFC0, v31;
	v42 =	vld [tilespmem:$0x1FE10]  }
0xe4: {  	v31 =	vor.u32 v37, v31  }
0xe5: {  	v40 =	vperm.xlane v31, v25;
	_ =	sdelay $0x1  }
0xe6: {  	v40 =	vadd.s32 v34, v40  }
0xe7: {  	vm3 =	vlt.s32 v3, v38;
	[sflag:s31] =	ssyncset.done $0x0;
	vm2 =	vlt.s32 v42, v27  }
0xe8: {  	[sflag:s31] =	ssyncadd.s32 $0xFFFF8000;
	vm2 =	vmand vm2, vm3  }
0xe9: {  	[tilespmem:$0x0] =	vst v29;
	v29 =	vnsel vm2, $0x0, v50  }
0xea: {  	[tilespmem:$0x10] =	vst v29  }
0xeb: {  	[tilespmem:s17], [sflag:$0x1] =	stream.indirect_vreg.gather [hbm4b:s1+s2], $0x80, v40, vm0, $0xb8;
	[tilespmem:$0x18280] =	vst v63  }
0xec: {  	s25 =	simm.s32 $0xA80;
	v29 =	vperm.xlane v31, v36  }
0xed: {  	[tilespmem:s25], [sflag:$0x1] =	stream.indirect_vreg.gather [hbm4b:s4+s2], $0x80, v40, vm0, $0xb8;
	[tilespmem:$0x18280] =	vst v63  }
0xee: {  	s10 =	simm.s32 $0x1280;
	v29 =	vadd.s32 v34, v29  }
0xef: {  	[tilespmem:s10], [sflag:$0x1] =	stream.indirect_vreg.gather [hbm4b:s5+s2], $0x80, v40, vm0, $0xb8;
	[tilespmem:$0x18280] =	vst v63  }
0xf0: {  	s11 =	simm.s32 $0x1A80  }
0xf1: {  	[tilespmem:s11], [sflag:$0x1] =	stream.indirect_vreg.gather [hbm4b:s6+s2], $0x80, v40, vm0, $0xb8;
	[tilespmem:$0x18280] =	vst v63  }
0xf2: {  	s12 =	simm.s32 $0x2280  }
0xf3: {  	[tilespmem:s12], [sflag:$0x1] =	stream.indirect_vreg.gather [hbm4b:s1+s2], $0x80, v29, vm0, $0xb8;
	[tilespmem:$0x18280] =	vst v63  }
0xf4: {  	s13 =	simm.s32 $0x2A80  }
0xf5: {  	[tilespmem:s13], [sflag:$0x1] =	stream.indirect_vreg.gather [hbm4b:s4+s2], $0x80, v29, vm0, $0xb8;
	[tilespmem:$0x18280] =	vst v63  }
0xf6: {  	s14 =	simm.s32 $0x3280  }
0xf7: {  	[tilespmem:s14], [sflag:$0x1] =	stream.indirect_vreg.gather [hbm4b:s5+s2], $0x80, v29, vm0, $0xb8;
	[tilespmem:$0x18280] =	vst v63  }
0xf8: {  	s19 =	simm.s32 $0x3A80  }
0xf9: {  	[tilespmem:s19], [sflag:$0x1] =	stream.indirect_vreg.gather [hbm4b:s6+s2], $0x80, v29, vm0, $0xb8;
	[tilespmem:$0x18280] =	vst v63  }
0xfa: {  	v29 =	vld [tilespmem:$0x10];
	_ =	sdelay $0x4  }
0xfb: {  	v31 =	vshll.u32 v29, $0x3  }
0xfc: {  	v29 =	vand.u32 $0x7, v29;
	v31 =	vand.u32 $0xFFFFFFC0, v31  }
0xfd: {  	v29 =	vor.u32 v29, v31  }
0xfe: {  	v31 =	vperm.xlane v29, v25;
	_ =	sdelay $0x1  }
0xff: {  	v31 =	vadd.s32 v34, v31;
	_ =	sdelay $0x3  }
0x100: {  	s20 =	simm.s32 $0x4280  }
0x101: {  	[tilespmem:s20], [sflag:$0x1] =	stream.indirect_vreg.gather [hbm4b:s1+s2], $0x80, v31, vm0, $0xb8;
	[tilespmem:$0x18280] =	vst v63  }
0x102: {  	s21 =	simm.s32 $0x4A80;
	v29 =	vperm.xlane v29, v36  }
0x103: {  	[tilespmem:s21], [sflag:$0x1] =	stream.indirect_vreg.gather [hbm4b:s4+s2], $0x80, v31, vm0, $0xb8;
	[tilespmem:$0x18280] =	vst v63  }
0x104: {  	s15 =	simm.s32 $0x5280;
	v29 =	vadd.s32 v34, v29  }
0x105: {  	[tilespmem:s15], [sflag:$0x1] =	stream.indirect_vreg.gather [hbm4b:s5+s2], $0x80, v31, vm0, $0xb8;
	[tilespmem:$0x18280] =	vst v63  }
0x106: {  	s22 =	simm.s32 $0x5A80  }
0x107: {  	[tilespmem:s22], [sflag:$0x1] =	stream.indirect_vreg.gather [hbm4b:s6+s2], $0x80, v31, vm0, $0xb8;
	[tilespmem:$0x18280] =	vst v63  }
0x108: {  	s23 =	simm.s32 $0x6280  }
0x109: {  	[tilespmem:s23], [sflag:$0x1] =	stream.indirect_vreg.gather [hbm4b:s1+s2], $0x80, v29, vm0, $0xb8;
	[tilespmem:$0x18280] =	vst v63  }
0x10a: {  	s24 =	simm.s32 $0x6A80  }
0x10b: {  	[tilespmem:s24], [sflag:$0x1] =	stream.indirect_vreg.gather [hbm4b:s4+s2], $0x80, v29, vm0, $0xb8;
	[tilespmem:$0x18280] =	vst v63  }
0x10c: {  	s18 =	simm.s32 $0x7280  }
0x10d: {  	v31 =	vld [tilespmem:$0x1FE30];
	[tilespmem:s18], [sflag:$0x1] =	stream.indirect_vreg.gather [hbm4b:s5+s2], $0x80, v29, vm0, $0xb8  }
0x10e: {  	s16 =	simm.s32 $0x7A80  }
0x10f: {  	[tilespmem:s16], [sflag:$0x1] =	stream.indirect_vreg.gather [hbm4b:s6+s2], $0x80, v29, vm0, $0xb8;
	v29 =	vld [tilespmem:$0x1FE20]  }
0x110: {  	_ = 	snop  }
0x111: {  	_ =	swait.ge [sflag:s0], $0x8000  }
0x112: {  	vm2 =	vlt.s32 v31, v27;
	[sflag:s0] =	ssyncset.done $0x0  }
0x113: {  	vm2 =	vmand vm2, vm1;
	s16 =	rddreg [dreg:$0x8];
	[sflag:s0] =	ssyncadd.s32 $0xFFFF8000  }
0x114: {  	[hbm4b:s16+s2] =	stream.linear.scatter [tilespmem:s9], [sflag:$0x6], $0x8000, $0x38;
	v29 =	vnsel vm2, $0x0, v29;
	[tilespmem:$0x18280] =	vst v63  }
0x115: {  	_ =	swait.ge [sflag:s3], $0x8000;
	v31 =	vshll.u32 v29, $0x3  }
0x116: {  	v37 =	vand.u32 $0x7, v29;
	v42 =	vld [tilespmem:$0x1FE40];
	v31 =	vand.u32 $0xFFFFFFC0, v31  }
0x117: {  	v31 =	vor.u32 v37, v31  }
0x118: {  	v40 =	vperm.xlane v31, v25;
	_ =	sdelay $0x1  }
0x119: {  	v40 =	vadd.s32 v34, v40  }
0x11a: {  	vm3 =	vlt.s32 v14, v38;
	[sflag:s3] =	ssyncset.done $0x0;
	vm2 =	vlt.s32 v42, v27  }
0x11b: {  	[sflag:s3] =	ssyncadd.s32 $0xFFFF8000;
	vm2 =	vmand vm2, vm3  }
0x11c: {  	[tilespmem:$0x80] =	vst v29;
	v29 =	vnsel vm2, $0x0, v41  }
0x11d: {  	[tilespmem:$0x90] =	vst v29  }
0x11e: {  	[tilespmem:s29], [sflag:$0x2] =	stream.indirect_vreg.gather [hbm4b:s1+s2], $0x80, v40, vm0, $0xb8;
	[tilespmem:$0x18280] =	vst v63  }
0x11f: {  	s18 =	simm.s32 $0x8A80;
	v29 =	vperm.xlane v31, v36  }
0x120: {  	[tilespmem:s18], [sflag:$0x2] =	stream.indirect_vreg.gather [hbm4b:s4+s2], $0x80, v40, vm0, $0xb8;
	[tilespmem:$0x18280] =	vst v63  }
0x121: {  	s16 =	simm.s32 $0x9280;
	v29 =	vadd.s32 v34, v29  }
0x122: {  	[tilespmem:s16], [sflag:$0x2] =	stream.indirect_vreg.gather [hbm4b:s5+s2], $0x80, v40, vm0, $0xb8;
	[tilespmem:$0x18280] =	vst v63  }
0x123: {  	s18 =	simm.s32 $0x9A80  }
0x124: {  	[tilespmem:s18], [sflag:$0x2] =	stream.indirect_vreg.gather [hbm4b:s6+s2], $0x80, v40, vm0, $0xb8;
	[tilespmem:$0x18280] =	vst v63  }
0x125: {  	s16 =	simm.s32 $0xA280  }
0x126: {  	[tilespmem:s16], [sflag:$0x2] =	stream.indirect_vreg.gather [hbm4b:s1+s2], $0x80, v29, vm0, $0xb8;
	[tilespmem:$0x18280] =	vst v63  }
0x127: {  	s18 =	simm.s32 $0xAA80  }
0x128: {  	[tilespmem:s18], [sflag:$0x2] =	stream.indirect_vreg.gather [hbm4b:s4+s2], $0x80, v29, vm0, $0xb8;
	[tilespmem:$0x18280] =	vst v63  }
0x129: {  	s16 =	simm.s32 $0xB280  }
0x12a: {  	[tilespmem:s16], [sflag:$0x2] =	stream.indirect_vreg.gather [hbm4b:s5+s2], $0x80, v29, vm0, $0xb8;
	[tilespmem:$0x18280] =	vst v63  }
0x12b: {  	s18 =	simm.s32 $0xBA80  }
0x12c: {  	[tilespmem:s18], [sflag:$0x2] =	stream.indirect_vreg.gather [hbm4b:s6+s2], $0x80, v29, vm0, $0xb8;
	[tilespmem:$0x18280] =	vst v63  }
0x12d: {  	v29 =	vld [tilespmem:$0x90];
	_ =	sdelay $0x4  }
0x12e: {  	v31 =	vshll.u32 v29, $0x3  }
0x12f: {  	v29 =	vand.u32 $0x7, v29;
	v31 =	vand.u32 $0xFFFFFFC0, v31  }
0x130: {  	v29 =	vor.u32 v29, v31  }
0x131: {  	v31 =	vperm.xlane v29, v25;
	_ =	sdelay $0x1  }
0x132: {  	v31 =	vadd.s32 v34, v31;
	_ =	sdelay $0x3  }
0x133: {  	s16 =	simm.s32 $0xC280  }
0x134: {  	[tilespmem:s16], [sflag:$0x2] =	stream.indirect_vreg.gather [hbm4b:s1+s2], $0x80, v31, vm0, $0xb8;
	[tilespmem:$0x18280] =	vst v63  }
0x135: {  	s18 =	simm.s32 $0xCA80;
	v29 =	vperm.xlane v29, v36  }
0x136: {  	[tilespmem:s18], [sflag:$0x2] =	stream.indirect_vreg.gather [hbm4b:s4+s2], $0x80, v31, vm0, $0xb8;
	[tilespmem:$0x18280] =	vst v63  }
0x137: {  	v29 =	vadd.s32 v34, v29;
	s16 =	simm.s32 $0xD280  }
0x138: {  	[tilespmem:s16], [sflag:$0x2] =	stream.indirect_vreg.gather [hbm4b:s5+s2], $0x80, v31, vm0, $0xb8;
	[tilespmem:$0x18280] =	vst v63  }
0x139: {  	s18 =	simm.s32 $0xDA80  }
0x13a: {  	[tilespmem:s18], [sflag:$0x2] =	stream.indirect_vreg.gather [hbm4b:s6+s2], $0x80, v31, vm0, $0xb8;
	[tilespmem:$0x18280] =	vst v63  }
0x13b: {  	s16 =	simm.s32 $0xE280  }
0x13c: {  	[tilespmem:s16], [sflag:$0x2] =	stream.indirect_vreg.gather [hbm4b:s1+s2], $0x80, v29, vm0, $0xb8;
	[tilespmem:$0x18280] =	vst v63  }
0x13d: {  	s18 =	simm.s32 $0xEA80  }
0x13e: {  	[tilespmem:s18], [sflag:$0x2] =	stream.indirect_vreg.gather [hbm4b:s4+s2], $0x80, v29, vm0, $0xb8;
	[tilespmem:$0x18280] =	vst v63  }
0x13f: {  	v31 =	vld [tilespmem:$0x1FE50];
	s16 =	simm.s32 $0xF280  }
0x140: {  	[tilespmem:s16], [sflag:$0x2] =	stream.indirect_vreg.gather [hbm4b:s5+s2], $0x80, v29, vm0, $0xb8;
	[tilespmem:$0x18280] =	vst v63  }
0x141: {  	s18 =	simm.s32 $0xFA80  }
0x142: {  	[tilespmem:s18], [sflag:$0x2] =	stream.indirect_vreg.gather [hbm4b:s6+s2], $0x80, v29, vm0, $0xb8;
	[tilespmem:$0x18280] =	vst v63  }
0x143: {  	_ =	swait.ge [sflag:s28], $0x8000  }
0x144: {  	vm3 =	vlt.s32 v5, v38;
	vm2 =	vlt.s32 v31, v27;
	[sflag:s28] =	ssyncset.done $0x0  }
0x145: {  	vm2 =	vmand vm2, vm3;
	s16 =	rddreg [dreg:$0x9];
	[sflag:s28] =	ssyncadd.s32 $0xFFFF8000  }
0x146: {  	v29 =	vnsel vm2, $0x0, v43;
	[hbm4b:s16+s2] =	stream.linear.scatter [tilespmem:s17], [sflag:$0x4], $0x8000, $0x38;
	[tilespmem:$0x18280] =	vst v63  }
0x147: {  	v31 =	vshll.u32 v29, $0x3;
	_ =	swait.ge [sflag:s26], $0x8000  }
0x148: {  	v37 =	vand.u32 $0x7, v29;
	v31 =	vand.u32 $0xFFFFFFC0, v31;
	v42 =	vld [tilespmem:$0x1FE60]  }
0x149: {  	v31 =	vor.u32 v37, v31  }
0x14a: {  	v40 =	vperm.xlane v31, v25;
	_ =	sdelay $0x1  }
0x14b: {  	v40 =	vadd.s32 v34, v40  }
0x14c: {  	vm3 =	vlt.s32 v16, v38;
	[sflag:s26] =	ssyncset.done $0x0;
	vm2 =	vlt.s32 v42, v27  }
0x14d: {  	[sflag:s26] =	ssyncadd.s32 $0xFFFF8000;
	vm2 =	vmand vm2, vm3  }
0x14e: {  	[tilespmem:$0x100] =	vst v29;
	v29 =	vnsel vm2, $0x0, v45  }
0x14f: {  	[tilespmem:$0x110] =	vst v29  }
0x150: {  	[tilespmem:s9], [sflag:$0x3] =	stream.indirect_vreg.gather [hbm4b:s1+s2], $0x80, v40, vm0, $0xb8;
	[tilespmem:$0x18280] =	vst v63  }
0x151: {  	s18 =	simm.s32 $0x10A80;
	v29 =	vperm.xlane v31, v36  }
0x152: {  	[tilespmem:s18], [sflag:$0x3] =	stream.indirect_vreg.gather [hbm4b:s4+s2], $0x80, v40, vm0, $0xb8;
	[tilespmem:$0x18280] =	vst v63  }
0x153: {  	s16 =	simm.s32 $0x11280;
	v29 =	vadd.s32 v34, v29  }
0x154: {  	[tilespmem:s16], [sflag:$0x3] =	stream.indirect_vreg.gather [hbm4b:s5+s2], $0x80, v40, vm0, $0xb8;
	[tilespmem:$0x18280] =	vst v63  }
0x155: {  	s18 =	simm.s32 $0x11A80  }
0x156: {  	[tilespmem:s18], [sflag:$0x3] =	stream.indirect_vreg.gather [hbm4b:s6+s2], $0x80, v40, vm0, $0xb8;
	[tilespmem:$0x18280] =	vst v63  }
0x157: {  	s8 =	simm.s32 $0x12280  }
0x158: {  	[tilespmem:s8], [sflag:$0x3] =	stream.indirect_vreg.gather [hbm4b:s1+s2], $0x80, v29, vm0, $0xb8;
	[tilespmem:$0x18280] =	vst v63  }
0x159: {  	s8 =	simm.s32 $0x12A80  }
0x15a: {  	[tilespmem:s8], [sflag:$0x3] =	stream.indirect_vreg.gather [hbm4b:s4+s2], $0x80, v29, vm0, $0xb8;
	[tilespmem:$0x18280] =	vst v63  }
0x15b: {  	s8 =	simm.s32 $0x13280  }
0x15c: {  	[tilespmem:s8], [sflag:$0x3] =	stream.indirect_vreg.gather [hbm4b:s5+s2], $0x80, v29, vm0, $0xb8;
	[tilespmem:$0x18280] =	vst v63  }
0x15d: {  	s8 =	simm.s32 $0x13A80  }
0x15e: {  	[tilespmem:s8], [sflag:$0x3] =	stream.indirect_vreg.gather [hbm4b:s6+s2], $0x80, v29, vm0, $0xb8;
	[tilespmem:$0x18280] =	vst v63  }
0x15f: {  	v29 =	vld [tilespmem:$0x110];
	_ =	sdelay $0x4  }
0x160: {  	v31 =	vshll.u32 v29, $0x3  }
0x161: {  	v29 =	vand.u32 $0x7, v29;
	v31 =	vand.u32 $0xFFFFFFC0, v31  }
0x162: {  	v29 =	vor.u32 v29, v31  }
0x163: {  	v31 =	vperm.xlane v29, v25;
	_ =	sdelay $0x1  }
0x164: {  	v31 =	vadd.s32 v34, v31;
	_ =	sdelay $0x3  }
0x165: {  	s8 =	simm.s32 $0x14280  }
0x166: {  	[tilespmem:s8], [sflag:$0x3] =	stream.indirect_vreg.gather [hbm4b:s1+s2], $0x80, v31, vm0, $0xb8;
	[tilespmem:$0x18280] =	vst v63  }
0x167: {  	v29 =	vperm.xlane v29, v36;
	s8 =	simm.s32 $0x14A80  }
0x168: {  	[tilespmem:s8], [sflag:$0x3] =	stream.indirect_vreg.gather [hbm4b:s4+s2], $0x80, v31, vm0, $0xb8;
	[tilespmem:$0x18280] =	vst v63  }
0x169: {  	v29 =	vadd.s32 v34, v29;
	s8 =	simm.s32 $0x15280  }
0x16a: {  	[tilespmem:s8], [sflag:$0x3] =	stream.indirect_vreg.gather [hbm4b:s5+s2], $0x80, v31, vm0, $0xb8;
	[tilespmem:$0x18280] =	vst v63  }
0x16b: {  	s8 =	simm.s32 $0x15A80  }
0x16c: {  	[tilespmem:s8], [sflag:$0x3] =	stream.indirect_vreg.gather [hbm4b:s6+s2], $0x80, v31, vm0, $0xb8;
	[tilespmem:$0x18280] =	vst v63  }
0x16d: {  	s8 =	simm.s32 $0x16280  }
0x16e: {  	[tilespmem:s8], [sflag:$0x3] =	stream.indirect_vreg.gather [hbm4b:s1+s2], $0x80, v29, vm0, $0xb8;
	[tilespmem:$0x18280] =	vst v63  }
0x16f: {  	s8 =	simm.s32 $0x16A80  }
0x170: {  	[tilespmem:s8], [sflag:$0x3] =	stream.indirect_vreg.gather [hbm4b:s4+s2], $0x80, v29, vm0, $0xb8;
	[tilespmem:$0x18280] =	vst v63  }
0x171: {  	v31 =	vld [tilespmem:$0x1FE70];
	s8 =	simm.s32 $0x17280  }
0x172: {  	[tilespmem:s8], [sflag:$0x3] =	stream.indirect_vreg.gather [hbm4b:s5+s2], $0x80, v29, vm0, $0xb8;
	[tilespmem:$0x18280] =	vst v63  }
0x173: {  	s8 =	simm.s32 $0x17A80  }
0x174: {  	[tilespmem:s8], [sflag:$0x3] =	stream.indirect_vreg.gather [hbm4b:s6+s2], $0x80, v29, vm0, $0xb8;
	[tilespmem:$0x18280] =	vst v63  }
0x175: {  	_ =	swait.ge [sflag:s30], $0x8000  }
0x176: {  	vm3 =	vlt.s32 v17, v38;
	vm2 =	vlt.s32 v31, v27;
	[sflag:s30] =	ssyncset.done $0x0  }
0x177: {  	vm2 =	vmand vm2, vm3;
	s8 =	rddreg [dreg:$0xa];
	[sflag:s30] =	ssyncadd.s32 $0xFFFF8000  }
0x178: {  	v29 =	vnsel vm2, $0x0, v47;
	[hbm4b:s8+s2] =	stream.linear.scatter [tilespmem:s29], [sflag:$0x5], $0x8000, $0x38;
	[tilespmem:$0x18280] =	vst v63  }
0x179: {  	v31 =	vshll.u32 v29, $0x3;
	_ =	swait.ge [sflag:s31], $0x8000  }
0x17a: {  	v37 =	vand.u32 $0x7, v29;
	v31 =	vand.u32 $0xFFFFFFC0, v31;
	v42 =	vld [tilespmem:$0x1FE80]  }
0x17b: {  	v31 =	vor.u32 v37, v31  }
0x17c: {  	v40 =	vperm.xlane v31, v25;
	_ =	sdelay $0x1  }
0x17d: {  	v40 =	vadd.s32 v34, v40  }
0x17e: {  	vm3 =	vlt.s32 v7, v38;
	[sflag:s31] =	ssyncset.done $0x0;
	vm2 =	vlt.s32 v42, v27  }
0x17f: {  	[sflag:s31] =	ssyncadd.s32 $0xFFFF8000;
	vm2 =	vmand vm2, vm3  }
0x180: {  	[tilespmem:$0x0] =	vst v29;
	v29 =	vnsel vm2, $0x0, v58  }
0x181: {  	[tilespmem:$0x10] =	vst v29  }
0x182: {  	[tilespmem:s17], [sflag:$0x1] =	stream.indirect_vreg.gather [hbm4b:s1+s2], $0x80, v40, vm0, $0xb8;
	[tilespmem:$0x18280] =	vst v63  }
0x183: {  	s25 =	simm.s32 $0xA80;
	v29 =	vperm.xlane v31, v36  }
0x184: {  	[tilespmem:s25], [sflag:$0x1] =	stream.indirect_vreg.gather [hbm4b:s4+s2], $0x80, v40, vm0, $0xb8;
	[tilespmem:$0x18280] =	vst v63  }
0x185: {  	s10 =	simm.s32 $0x1280;
	v29 =	vadd.s32 v34, v29  }
0x186: {  	[tilespmem:s10], [sflag:$0x1] =	stream.indirect_vreg.gather [hbm4b:s5+s2], $0x80, v40, vm0, $0xb8;
	[tilespmem:$0x18280] =	vst v63  }
0x187: {  	s11 =	simm.s32 $0x1A80  }
0x188: {  	[tilespmem:s11], [sflag:$0x1] =	stream.indirect_vreg.gather [hbm4b:s6+s2], $0x80, v40, vm0, $0xb8;
	[tilespmem:$0x18280] =	vst v63  }
0x189: {  	s12 =	simm.s32 $0x2280  }
0x18a: {  	[tilespmem:s12], [sflag:$0x1] =	stream.indirect_vreg.gather [hbm4b:s1+s2], $0x80, v29, vm0, $0xb8;
	[tilespmem:$0x18280] =	vst v63  }
0x18b: {  	s13 =	simm.s32 $0x2A80  }
0x18c: {  	[tilespmem:s13], [sflag:$0x1] =	stream.indirect_vreg.gather [hbm4b:s4+s2], $0x80, v29, vm0, $0xb8;
	[tilespmem:$0x18280] =	vst v63  }
0x18d: {  	s14 =	simm.s32 $0x3280  }
0x18e: {  	[tilespmem:s14], [sflag:$0x1] =	stream.indirect_vreg.gather [hbm4b:s5+s2], $0x80, v29, vm0, $0xb8;
	[tilespmem:$0x18280] =	vst v63  }
0x18f: {  	s19 =	simm.s32 $0x3A80  }
0x190: {  	[tilespmem:s19], [sflag:$0x1] =	stream.indirect_vreg.gather [hbm4b:s6+s2], $0x80, v29, vm0, $0xb8;
	[tilespmem:$0x18280] =	vst v63  }
0x191: {  	v29 =	vld [tilespmem:$0x10];
	_ =	sdelay $0x4  }
0x192: {  	v31 =	vshll.u32 v29, $0x3  }
0x193: {  	v29 =	vand.u32 $0x7, v29;
	v31 =	vand.u32 $0xFFFFFFC0, v31  }
0x194: {  	v29 =	vor.u32 v29, v31  }
0x195: {  	v31 =	vperm.xlane v29, v25;
	_ =	sdelay $0x1  }
0x196: {  	v31 =	vadd.s32 v34, v31;
	_ =	sdelay $0x3  }
0x197: {  	s20 =	simm.s32 $0x4280  }
0x198: {  	[tilespmem:s20], [sflag:$0x1] =	stream.indirect_vreg.gather [hbm4b:s1+s2], $0x80, v31, vm0, $0xb8;
	[tilespmem:$0x18280] =	vst v63  }
0x199: {  	s21 =	simm.s32 $0x4A80;
	v29 =	vperm.xlane v29, v36  }
0x19a: {  	[tilespmem:s21], [sflag:$0x1] =	stream.indirect_vreg.gather [hbm4b:s4+s2], $0x80, v31, vm0, $0xb8;
	[tilespmem:$0x18280] =	vst v63  }
0x19b: {  	s15 =	simm.s32 $0x5280;
	v29 =	vadd.s32 v34, v29  }
0x19c: {  	[tilespmem:s15], [sflag:$0x1] =	stream.indirect_vreg.gather [hbm4b:s5+s2], $0x80, v31, vm0, $0xb8;
	[tilespmem:$0x18280] =	vst v63  }
0x19d: {  	s22 =	simm.s32 $0x5A80  }
0x19e: {  	[tilespmem:s22], [sflag:$0x1] =	stream.indirect_vreg.gather [hbm4b:s6+s2], $0x80, v31, vm0, $0xb8;
	[tilespmem:$0x18280] =	vst v63  }
0x19f: {  	s23 =	simm.s32 $0x6280  }
0x1a0: {  	[tilespmem:s23], [sflag:$0x1] =	stream.indirect_vreg.gather [hbm4b:s1+s2], $0x80, v29, vm0, $0xb8;
	[tilespmem:$0x18280] =	vst v63  }
0x1a1: {  	s24 =	simm.s32 $0x6A80  }
0x1a2: {  	[tilespmem:s24], [sflag:$0x1] =	stream.indirect_vreg.gather [hbm4b:s4+s2], $0x80, v29, vm0, $0xb8;
	[tilespmem:$0x18280] =	vst v63  }
0x1a3: {  	s8 =	simm.s32 $0x7280;
	v31 =	vld [tilespmem:$0x1FE90]  }
0x1a4: {  	[tilespmem:s8], [sflag:$0x1] =	stream.indirect_vreg.gather [hbm4b:s5+s2], $0x80, v29, vm0, $0xb8;
	[tilespmem:$0x18280] =	vst v63  }
0x1a5: {  	s8 =	simm.s32 $0x7A80  }
0x1a6: {  	[tilespmem:s8], [sflag:$0x1] =	stream.indirect_vreg.gather [hbm4b:s6+s2], $0x80, v29, vm0, $0xb8;
	[tilespmem:$0x18280] =	vst v63  }
0x1a7: {  	_ =	swait.ge [sflag:s0], $0x8000  }
0x1a8: {  	vm3 =	vlt.s32 v18, v38;
	vm2 =	vlt.s32 v31, v27;
	[sflag:s0] =	ssyncset.done $0x0  }
0x1a9: {  	vm2 =	vmand vm2, vm3;
	s8 =	rddreg [dreg:$0xb];
	[sflag:s0] =	ssyncadd.s32 $0xFFFF8000  }
0x1aa: {  	v29 =	vnsel vm2, $0x0, v51;
	[hbm4b:s8+s2] =	stream.linear.scatter [tilespmem:s9], [sflag:$0x6], $0x8000, $0x38;
	[tilespmem:$0x18280] =	vst v63  }
0x1ab: {  	v31 =	vshll.u32 v29, $0x3;
	_ =	swait.ge [sflag:s3], $0x8000  }
0x1ac: {  	v37 =	vand.u32 $0x7, v29;
	v31 =	vand.u32 $0xFFFFFFC0, v31;
	v42 =	vld [tilespmem:$0x1FEA0]  }
0x1ad: {  	v31 =	vor.u32 v37, v31  }
0x1ae: {  	v40 =	vperm.xlane v31, v25;
	_ =	sdelay $0x1  }
0x1af: {  	v40 =	vadd.s32 v34, v40  }
0x1b0: {  	vm3 =	vlt.s32 v9, v38;
	[sflag:s3] =	ssyncset.done $0x0;
	vm2 =	vlt.s32 v42, v27  }
0x1b1: {  	[sflag:s3] =	ssyncadd.s32 $0xFFFF8000;
	vm2 =	vmand vm2, vm3  }
0x1b2: {  	[tilespmem:$0x80] =	vst v29;
	v29 =	vnsel vm2, $0x0, v59  }
0x1b3: {  	[tilespmem:$0x90] =	vst v29  }
0x1b4: {  	[tilespmem:s29], [sflag:$0x2] =	stream.indirect_vreg.gather [hbm4b:s1+s2], $0x80, v40, vm0, $0xb8;
	[tilespmem:$0x18280] =	vst v63  }
0x1b5: {  	s8 =	simm.s32 $0x8A80;
	v29 =	vperm.xlane v31, v36  }
0x1b6: {  	[tilespmem:s8], [sflag:$0x2] =	stream.indirect_vreg.gather [hbm4b:s4+s2], $0x80, v40, vm0, $0xb8;
	[tilespmem:$0x18280] =	vst v63  }
0x1b7: {  	v29 =	vadd.s32 v34, v29;
	s8 =	simm.s32 $0x9280  }
0x1b8: {  	[tilespmem:s8], [sflag:$0x2] =	stream.indirect_vreg.gather [hbm4b:s5+s2], $0x80, v40, vm0, $0xb8;
	[tilespmem:$0x18280] =	vst v63  }
0x1b9: {  	s8 =	simm.s32 $0x9A80  }
0x1ba: {  	[tilespmem:s8], [sflag:$0x2] =	stream.indirect_vreg.gather [hbm4b:s6+s2], $0x80, v40, vm0, $0xb8;
	[tilespmem:$0x18280] =	vst v63  }
0x1bb: {  	s8 =	simm.s32 $0xA280  }
0x1bc: {  	[tilespmem:s8], [sflag:$0x2] =	stream.indirect_vreg.gather [hbm4b:s1+s2], $0x80, v29, vm0, $0xb8;
	[tilespmem:$0x18280] =	vst v63  }
0x1bd: {  	s8 =	simm.s32 $0xAA80  }
0x1be: {  	[tilespmem:s8], [sflag:$0x2] =	stream.indirect_vreg.gather [hbm4b:s4+s2], $0x80, v29, vm0, $0xb8;
	[tilespmem:$0x18280] =	vst v63  }
0x1bf: {  	s8 =	simm.s32 $0xB280  }
0x1c0: {  	[tilespmem:s8], [sflag:$0x2] =	stream.indirect_vreg.gather [hbm4b:s5+s2], $0x80, v29, vm0, $0xb8;
	[tilespmem:$0x18280] =	vst v63  }
0x1c1: {  	s8 =	simm.s32 $0xBA80  }
0x1c2: {  	[tilespmem:s8], [sflag:$0x2] =	stream.indirect_vreg.gather [hbm4b:s6+s2], $0x80, v29, vm0, $0xb8;
	[tilespmem:$0x18280] =	vst v63  }
0x1c3: {  	v29 =	vld [tilespmem:$0x90];
	_ =	sdelay $0x4  }
0x1c4: {  	v31 =	vshll.u32 v29, $0x3  }
0x1c5: {  	v29 =	vand.u32 $0x7, v29;
	v31 =	vand.u32 $0xFFFFFFC0, v31  }
0x1c6: {  	v29 =	vor.u32 v29, v31  }
0x1c7: {  	v31 =	vperm.xlane v29, v25;
	_ =	sdelay $0x1  }
0x1c8: {  	v31 =	vadd.s32 v34, v31;
	_ =	sdelay $0x3  }
0x1c9: {  	s8 =	simm.s32 $0xC280  }
0x1ca: {  	[tilespmem:s8], [sflag:$0x2] =	stream.indirect_vreg.gather [hbm4b:s1+s2], $0x80, v31, vm0, $0xb8;
	[tilespmem:$0x18280] =	vst v63  }
0x1cb: {  	v29 =	vperm.xlane v29, v36;
	s8 =	simm.s32 $0xCA80  }
0x1cc: {  	[tilespmem:s8], [sflag:$0x2] =	stream.indirect_vreg.gather [hbm4b:s4+s2], $0x80, v31, vm0, $0xb8;
	[tilespmem:$0x18280] =	vst v63  }
0x1cd: {  	v29 =	vadd.s32 v34, v29;
	s8 =	simm.s32 $0xD280  }
0x1ce: {  	[tilespmem:s8], [sflag:$0x2] =	stream.indirect_vreg.gather [hbm4b:s5+s2], $0x80, v31, vm0, $0xb8;
	[tilespmem:$0x18280] =	vst v63  }
0x1cf: {  	s8 =	simm.s32 $0xDA80  }
0x1d0: {  	[tilespmem:s8], [sflag:$0x2] =	stream.indirect_vreg.gather [hbm4b:s6+s2], $0x80, v31, vm0, $0xb8;
	[tilespmem:$0x18280] =	vst v63  }
0x1d1: {  	s8 =	simm.s32 $0xE280  }
0x1d2: {  	[tilespmem:s8], [sflag:$0x2] =	stream.indirect_vreg.gather [hbm4b:s1+s2], $0x80, v29, vm0, $0xb8;
	[tilespmem:$0x18280] =	vst v63  }
0x1d3: {  	s8 =	simm.s32 $0xEA80  }
0x1d4: {  	[tilespmem:s8], [sflag:$0x2] =	stream.indirect_vreg.gather [hbm4b:s4+s2], $0x80, v29, vm0, $0xb8;
	[tilespmem:$0x18280] =	vst v63  }
0x1d5: {  	s8 =	simm.s32 $0xF280  }
0x1d6: {  	v31 =	vld [tilespmem:$0x1FEC0];
	[tilespmem:s8], [sflag:$0x2] =	stream.indirect_vreg.gather [hbm4b:s5+s2], $0x80, v29, vm0, $0xb8  }
0x1d7: {  	s8 =	simm.s32 $0xFA80  }
0x1d8: {  	[tilespmem:s8], [sflag:$0x2] =	stream.indirect_vreg.gather [hbm4b:s6+s2], $0x80, v29, vm0, $0xb8;
	v29 =	vld [tilespmem:$0x1FEB0]  }
0x1d9: {  	_ = 	snop  }
0x1da: {  	_ =	swait.ge [sflag:s28], $0x8000  }
0x1db: {  	vm2 =	vlt.s32 v31, v27;
	[sflag:s28] =	ssyncset.done $0x0  }
0x1dc: {  	vm2 =	vmand vm2, vm1;
	s8 =	rddreg [dreg:$0xc];
	[sflag:s28] =	ssyncadd.s32 $0xFFFF8000  }
0x1dd: {  	[hbm4b:s8+s2] =	stream.linear.scatter [tilespmem:s17], [sflag:$0x4], $0x8000, $0x38;
	v29 =	vnsel vm2, $0x0, v29;
	[tilespmem:$0x18280] =	vst v63  }
0x1de: {  	_ =	swait.ge [sflag:s26], $0x8000;
	v31 =	vshll.u32 v29, $0x3  }
0x1df: {  	v37 =	vand.u32 $0x7, v29;
	v42 =	vld [tilespmem:$0x1FED0];
	v31 =	vand.u32 $0xFFFFFFC0, v31  }
0x1e0: {  	v31 =	vor.u32 v37, v31  }
0x1e1: {  	v40 =	vperm.xlane v31, v25;
	_ =	sdelay $0x1  }
0x1e2: {  	v40 =	vadd.s32 v34, v40  }
0x1e3: {  	vm3 =	vlt.s32 v20, v38;
	[sflag:s26] =	ssyncset.done $0x0;
	vm2 =	vlt.s32 v42, v27  }
0x1e4: {  	[sflag:s26] =	ssyncadd.s32 $0xFFFF8000;
	vm2 =	vmand vm2, vm3  }
0x1e5: {  	[tilespmem:$0x100] =	vst v29;
	v29 =	vnsel vm2, $0x0, v60  }
0x1e6: {  	[tilespmem:$0x110] =	vst v29  }
0x1e7: {  	[tilespmem:s9], [sflag:$0x3] =	stream.indirect_vreg.gather [hbm4b:s1+s2], $0x80, v40, vm0, $0xb8;
	[tilespmem:$0x18280] =	vst v63  }
0x1e8: {  	s8 =	simm.s32 $0x10A80;
	v29 =	vperm.xlane v31, v36  }
0x1e9: {  	[tilespmem:s8], [sflag:$0x3] =	stream.indirect_vreg.gather [hbm4b:s4+s2], $0x80, v40, vm0, $0xb8;
	[tilespmem:$0x18280] =	vst v63  }
0x1ea: {  	s16 =	simm.s32 $0x11280;
	v29 =	vadd.s32 v34, v29  }
0x1eb: {  	[tilespmem:s16], [sflag:$0x3] =	stream.indirect_vreg.gather [hbm4b:s5+s2], $0x80, v40, vm0, $0xb8;
	[tilespmem:$0x18280] =	vst v63  }
0x1ec: {  	s18 =	simm.s32 $0x11A80  }
0x1ed: {  	[tilespmem:s18], [sflag:$0x3] =	stream.indirect_vreg.gather [hbm4b:s6+s2], $0x80, v40, vm0, $0xb8;
	[tilespmem:$0x18280] =	vst v63  }
0x1ee: {  	s8 =	simm.s32 $0x12280  }
0x1ef: {  	[tilespmem:s8], [sflag:$0x3] =	stream.indirect_vreg.gather [hbm4b:s1+s2], $0x80, v29, vm0, $0xb8;
	[tilespmem:$0x18280] =	vst v63  }
0x1f0: {  	s8 =	simm.s32 $0x12A80  }
0x1f1: {  	[tilespmem:s8], [sflag:$0x3] =	stream.indirect_vreg.gather [hbm4b:s4+s2], $0x80, v29, vm0, $0xb8;
	[tilespmem:$0x18280] =	vst v63  }
0x1f2: {  	s8 =	simm.s32 $0x13280  }
0x1f3: {  	[tilespmem:s8], [sflag:$0x3] =	stream.indirect_vreg.gather [hbm4b:s5+s2], $0x80, v29, vm0, $0xb8;
	[tilespmem:$0x18280] =	vst v63  }
0x1f4: {  	s8 =	simm.s32 $0x13A80  }
0x1f5: {  	[tilespmem:s8], [sflag:$0x3] =	stream.indirect_vreg.gather [hbm4b:s6+s2], $0x80, v29, vm0, $0xb8;
	[tilespmem:$0x18280] =	vst v63  }
0x1f6: {  	v29 =	vld [tilespmem:$0x110];
	_ =	sdelay $0x4  }
0x1f7: {  	v31 =	vshll.u32 v29, $0x3  }
0x1f8: {  	v29 =	vand.u32 $0x7, v29;
	v31 =	vand.u32 $0xFFFFFFC0, v31  }
0x1f9: {  	v29 =	vor.u32 v29, v31  }
0x1fa: {  	v31 =	vperm.xlane v29, v25;
	_ =	sdelay $0x1  }
0x1fb: {  	v31 =	vadd.s32 v34, v31;
	_ =	sdelay $0x3  }
0x1fc: {  	s8 =	simm.s32 $0x14280  }
0x1fd: {  	[tilespmem:s8], [sflag:$0x3] =	stream.indirect_vreg.gather [hbm4b:s1+s2], $0x80, v31, vm0, $0xb8;
	[tilespmem:$0x18280] =	vst v63  }
0x1fe: {  	v29 =	vperm.xlane v29, v36;
	s8 =	simm.s32 $0x14A80  }
0x1ff: {  	[tilespmem:s8], [sflag:$0x3] =	stream.indirect_vreg.gather [hbm4b:s4+s2], $0x80, v31, vm0, $0xb8;
	[tilespmem:$0x18280] =	vst v63  }
0x200: {  	v29 =	vadd.s32 v34, v29;
	s8 =	simm.s32 $0x15280  }
0x201: {  	[tilespmem:s8], [sflag:$0x3] =	stream.indirect_vreg.gather [hbm4b:s5+s2], $0x80, v31, vm0, $0xb8;
	[tilespmem:$0x18280] =	vst v63  }
0x202: {  	s8 =	simm.s32 $0x15A80  }
0x203: {  	[tilespmem:s8], [sflag:$0x3] =	stream.indirect_vreg.gather [hbm4b:s6+s2], $0x80, v31, vm0, $0xb8;
	[tilespmem:$0x18280] =	vst v63  }
0x204: {  	s8 =	simm.s32 $0x16280  }
0x205: {  	[tilespmem:s8], [sflag:$0x3] =	stream.indirect_vreg.gather [hbm4b:s1+s2], $0x80, v29, vm0, $0xb8;
	[tilespmem:$0x18280] =	vst v63  }
0x206: {  	s8 =	simm.s32 $0x16A80  }
0x207: {  	[tilespmem:s8], [sflag:$0x3] =	stream.indirect_vreg.gather [hbm4b:s4+s2], $0x80, v29, vm0, $0xb8;
	[tilespmem:$0x18280] =	vst v63  }
0x208: {  	v31 =	vld [tilespmem:$0x1FEE0];
	s8 =	simm.s32 $0x17280  }
0x209: {  	[tilespmem:s8], [sflag:$0x3] =	stream.indirect_vreg.gather [hbm4b:s5+s2], $0x80, v29, vm0, $0xb8;
	[tilespmem:$0x18280] =	vst v63  }
0x20a: {  	s8 =	simm.s32 $0x17A80  }
0x20b: {  	[tilespmem:s8], [sflag:$0x3] =	stream.indirect_vreg.gather [hbm4b:s6+s2], $0x80, v29, vm0, $0xb8;
	[tilespmem:$0x18280] =	vst v63  }
0x20c: {  	_ =	swait.ge [sflag:s30], $0x8000  }
0x20d: {  	vm3 =	vlt.s32 v11, v38;
	vm2 =	vlt.s32 v31, v27;
	[sflag:s30] =	ssyncset.done $0x0  }
0x20e: {  	vm2 =	vmand vm2, vm3;
	s8 =	rddreg [dreg:$0xd];
	[sflag:s30] =	ssyncadd.s32 $0xFFFF8000  }
0x20f: {  	v29 =	vnsel vm2, $0x0, v52;
	[hbm4b:s8+s2] =	stream.linear.scatter [tilespmem:s29], [sflag:$0x5], $0x8000, $0x38;
	[tilespmem:$0x18280] =	vst v63  }
0x210: {  	v31 =	vshll.u32 v29, $0x3;
	_ =	swait.ge [sflag:s31], $0x8000  }
0x211: {  	v37 =	vand.u32 $0x7, v29;
	v31 =	vand.u32 $0xFFFFFFC0, v31;
	v42 =	vld [tilespmem:$0x1FEF0]  }
0x212: {  	v31 =	vor.u32 v37, v31  }
0x213: {  	v40 =	vperm.xlane v31, v25;
	_ =	sdelay $0x1  }
0x214: {  	v40 =	vadd.s32 v34, v40  }
0x215: {  	vm3 =	vlt.s32 v22, v38;
	[sflag:s31] =	ssyncset.done $0x0;
	vm2 =	vlt.s32 v42, v27  }
0x216: {  	[sflag:s31] =	ssyncadd.s32 $0xFFFF8000;
	vm2 =	vmand vm2, vm3  }
0x217: {  	[tilespmem:$0x0] =	vst v29;
	v29 =	vnsel vm2, $0x0, v61  }
0x218: {  	[tilespmem:$0x10] =	vst v29  }
0x219: {  	[tilespmem:s17], [sflag:$0x1] =	stream.indirect_vreg.gather [hbm4b:s1+s2], $0x80, v40, vm0, $0xb8;
	[tilespmem:$0x18280] =	vst v63  }
0x21a: {  	s25 =	simm.s32 $0xA80;
	v29 =	vperm.xlane v31, v36  }
0x21b: {  	[tilespmem:s25], [sflag:$0x1] =	stream.indirect_vreg.gather [hbm4b:s4+s2], $0x80, v40, vm0, $0xb8;
	[tilespmem:$0x18280] =	vst v63  }
0x21c: {  	s10 =	simm.s32 $0x1280;
	v29 =	vadd.s32 v34, v29  }
0x21d: {  	[tilespmem:s10], [sflag:$0x1] =	stream.indirect_vreg.gather [hbm4b:s5+s2], $0x80, v40, vm0, $0xb8;
	[tilespmem:$0x18280] =	vst v63  }
0x21e: {  	s11 =	simm.s32 $0x1A80  }
0x21f: {  	[tilespmem:s11], [sflag:$0x1] =	stream.indirect_vreg.gather [hbm4b:s6+s2], $0x80, v40, vm0, $0xb8;
	[tilespmem:$0x18280] =	vst v63  }
0x220: {  	s12 =	simm.s32 $0x2280  }
0x221: {  	[tilespmem:s12], [sflag:$0x1] =	stream.indirect_vreg.gather [hbm4b:s1+s2], $0x80, v29, vm0, $0xb8;
	[tilespmem:$0x18280] =	vst v63  }
0x222: {  	s13 =	simm.s32 $0x2A80  }
0x223: {  	[tilespmem:s13], [sflag:$0x1] =	stream.indirect_vreg.gather [hbm4b:s4+s2], $0x80, v29, vm0, $0xb8;
	[tilespmem:$0x18280] =	vst v63  }
0x224: {  	s14 =	simm.s32 $0x3280  }
0x225: {  	[tilespmem:s14], [sflag:$0x1] =	stream.indirect_vreg.gather [hbm4b:s5+s2], $0x80, v29, vm0, $0xb8;
	[tilespmem:$0x18280] =	vst v63  }
0x226: {  	s19 =	simm.s32 $0x3A80  }
0x227: {  	[tilespmem:s19], [sflag:$0x1] =	stream.indirect_vreg.gather [hbm4b:s6+s2], $0x80, v29, vm0, $0xb8;
	[tilespmem:$0x18280] =	vst v63  }
0x228: {  	v29 =	vld [tilespmem:$0x10];
	_ =	sdelay $0x4  }
0x229: {  	v31 =	vshll.u32 v29, $0x3  }
0x22a: {  	v29 =	vand.u32 $0x7, v29;
	v31 =	vand.u32 $0xFFFFFFC0, v31  }
0x22b: {  	v29 =	vor.u32 v29, v31  }
0x22c: {  	v31 =	vperm.xlane v29, v25;
	_ =	sdelay $0x1  }
0x22d: {  	v31 =	vadd.s32 v34, v31;
	_ =	sdelay $0x3  }
0x22e: {  	s20 =	simm.s32 $0x4280  }
0x22f: {  	[tilespmem:s20], [sflag:$0x1] =	stream.indirect_vreg.gather [hbm4b:s1+s2], $0x80, v31, vm0, $0xb8;
	[tilespmem:$0x18280] =	vst v63  }
0x230: {  	s21 =	simm.s32 $0x4A80;
	v29 =	vperm.xlane v29, v36  }
0x231: {  	[tilespmem:s21], [sflag:$0x1] =	stream.indirect_vreg.gather [hbm4b:s4+s2], $0x80, v31, vm0, $0xb8;
	[tilespmem:$0x18280] =	vst v63  }
0x232: {  	s15 =	simm.s32 $0x5280;
	v29 =	vadd.s32 v34, v29  }
0x233: {  	[tilespmem:s15], [sflag:$0x1] =	stream.indirect_vreg.gather [hbm4b:s5+s2], $0x80, v31, vm0, $0xb8;
	[tilespmem:$0x18280] =	vst v63  }
0x234: {  	s22 =	simm.s32 $0x5A80  }
0x235: {  	[tilespmem:s22], [sflag:$0x1] =	stream.indirect_vreg.gather [hbm4b:s6+s2], $0x80, v31, vm0, $0xb8;
	[tilespmem:$0x18280] =	vst v63  }
0x236: {  	s23 =	simm.s32 $0x6280  }
0x237: {  	[tilespmem:s23], [sflag:$0x1] =	stream.indirect_vreg.gather [hbm4b:s1+s2], $0x80, v29, vm0, $0xb8;
	[tilespmem:$0x18280] =	vst v63  }
0x238: {  	s24 =	simm.s32 $0x6A80  }
0x239: {  	[tilespmem:s24], [sflag:$0x1] =	stream.indirect_vreg.gather [hbm4b:s4+s2], $0x80, v29, vm0, $0xb8;
	[tilespmem:$0x18280] =	vst v63  }
0x23a: {  	s12 =	simm.s32 $0x7280;
	v31 =	vld [tilespmem:$0x1FF00]  }
0x23b: {  	[tilespmem:s12], [sflag:$0x1] =	stream.indirect_vreg.gather [hbm4b:s5+s2], $0x80, v29, vm0, $0xb8;
	[tilespmem:$0x18280] =	vst v63  }
0x23c: {  	s13 =	simm.s32 $0x7A80  }
0x23d: {  	[tilespmem:s13], [sflag:$0x1] =	stream.indirect_vreg.gather [hbm4b:s6+s2], $0x80, v29, vm0, $0xb8;
	[tilespmem:$0x18280] =	vst v63  }
0x23e: {  	_ =	swait.ge [sflag:s0], $0x8000  }
0x23f: {  	vm3 =	vlt.s32 v13, v38;
	vm2 =	vlt.s32 v31, v27;
	[sflag:s0] =	ssyncset.done $0x0  }
0x240: {  	vm2 =	vmand vm2, vm3;
	s14 =	rddreg [dreg:$0xe];
	[sflag:s0] =	ssyncadd.s32 $0xFFFF8000  }
0x241: {  	v29 =	vnsel vm2, $0x0, v62;
	[hbm4b:s14+s2] =	stream.linear.scatter [tilespmem:s9], [sflag:$0x6], $0x8000, $0x38;
	[tilespmem:$0x18280] =	vst v63  }
0x242: {  	v31 =	vshll.u32 v29, $0x3;
	_ =	swait.ge [sflag:s3], $0x8000  }
0x243: {  	v37 =	vand.u32 $0x7, v29;
	v31 =	vand.u32 $0xFFFFFFC0, v31;
	v42 =	vld [tilespmem:$0x1FF10]  }
0x244: {  	v31 =	vor.u32 v37, v31  }
0x245: {  	v40 =	vperm.xlane v31, v25;
	_ =	sdelay $0x1  }
0x246: {  	v40 =	vadd.s32 v34, v40  }
0x247: {  	vm3 =	vlt.s32 v24, v38;
	[sflag:s3] =	ssyncset.done $0x0;
	vm2 =	vlt.s32 v42, v27  }
0x248: {  	[sflag:s3] =	ssyncadd.s32 $0xFFFF8000;
	vm2 =	vmand vm2, vm3  }
0x249: {  	[tilespmem:$0x80] =	vst v29;
	v29 =	vnsel vm2, $0x0, v63  }
0x24a: {  	[tilespmem:$0x90] =	vst v29  }
0x24b: {  	[tilespmem:s29], [sflag:$0x2] =	stream.indirect_vreg.gather [hbm4b:s1+s2], $0x80, v40, vm0, $0xb8;
	[tilespmem:$0x18280] =	vst v63  }
0x24c: {  	s15 =	simm.s32 $0x8A80;
	v29 =	vperm.xlane v31, v36  }
0x24d: {  	[tilespmem:s15], [sflag:$0x2] =	stream.indirect_vreg.gather [hbm4b:s4+s2], $0x80, v40, vm0, $0xb8;
	[tilespmem:$0x18280] =	vst v63  }
0x24e: {  	s19 =	simm.s32 $0x9280;
	v29 =	vadd.s32 v34, v29  }
0x24f: {  	[tilespmem:s19], [sflag:$0x2] =	stream.indirect_vreg.gather [hbm4b:s5+s2], $0x80, v40, vm0, $0xb8;
	[tilespmem:$0x18280] =	vst v63  }
0x250: {  	s10 =	simm.s32 $0x9A80  }
0x251: {  	[tilespmem:s10], [sflag:$0x2] =	stream.indirect_vreg.gather [hbm4b:s6+s2], $0x80, v40, vm0, $0xb8;
	[tilespmem:$0x18280] =	vst v63  }
0x252: {  	s11 =	simm.s32 $0xA280  }
0x253: {  	[tilespmem:s11], [sflag:$0x2] =	stream.indirect_vreg.gather [hbm4b:s1+s2], $0x80, v29, vm0, $0xb8;
	[tilespmem:$0x18280] =	vst v63  }
0x254: {  	s12 =	simm.s32 $0xAA80  }
0x255: {  	[tilespmem:s12], [sflag:$0x2] =	stream.indirect_vreg.gather [hbm4b:s4+s2], $0x80, v29, vm0, $0xb8;
	[tilespmem:$0x18280] =	vst v63  }
0x256: {  	s13 =	simm.s32 $0xB280  }
0x257: {  	[tilespmem:s13], [sflag:$0x2] =	stream.indirect_vreg.gather [hbm4b:s5+s2], $0x80, v29, vm0, $0xb8;
	[tilespmem:$0x18280] =	vst v63  }
0x258: {  	s14 =	simm.s32 $0xBA80  }
0x259: {  	[tilespmem:s14], [sflag:$0x2] =	stream.indirect_vreg.gather [hbm4b:s6+s2], $0x80, v29, vm0, $0xb8;
	[tilespmem:$0x18280] =	vst v63  }
0x25a: {  	v29 =	vld [tilespmem:$0x90];
	_ =	sdelay $0x4  }
0x25b: {  	v31 =	vshll.u32 v29, $0x3  }
0x25c: {  	v29 =	vand.u32 $0x7, v29;
	v31 =	vand.u32 $0xFFFFFFC0, v31  }
0x25d: {  	v29 =	vor.u32 v29, v31  }
0x25e: {  	v31 =	vperm.xlane v29, v25;
	_ =	sdelay $0x1  }
0x25f: {  	v31 =	vadd.s32 v34, v31;
	_ =	sdelay $0x3  }
0x260: {  	s15 =	simm.s32 $0xC280  }
0x261: {  	[tilespmem:s15], [sflag:$0x2] =	stream.indirect_vreg.gather [hbm4b:s1+s2], $0x80, v31, vm0, $0xb8;
	[tilespmem:$0x18280] =	vst v63  }
0x262: {  	s19 =	simm.s32 $0xCA80;
	v29 =	vperm.xlane v29, v36  }
0x263: {  	[tilespmem:s19], [sflag:$0x2] =	stream.indirect_vreg.gather [hbm4b:s4+s2], $0x80, v31, vm0, $0xb8;
	[tilespmem:$0x18280] =	vst v63  }
0x264: {  	s10 =	simm.s32 $0xD280;
	v29 =	vadd.s32 v34, v29  }
0x265: {  	[tilespmem:s10], [sflag:$0x2] =	stream.indirect_vreg.gather [hbm4b:s5+s2], $0x80, v31, vm0, $0xb8;
	[tilespmem:$0x18280] =	vst v63  }
0x266: {  	s11 =	simm.s32 $0xDA80  }
0x267: {  	[tilespmem:s11], [sflag:$0x2] =	stream.indirect_vreg.gather [hbm4b:s6+s2], $0x80, v31, vm0, $0xb8;
	[tilespmem:$0x18280] =	vst v63  }
0x268: {  	s12 =	simm.s32 $0xE280  }
0x269: {  	[tilespmem:s12], [sflag:$0x2] =	stream.indirect_vreg.gather [hbm4b:s1+s2], $0x80, v29, vm0, $0xb8;
	[tilespmem:$0x18280] =	vst v63  }
0x26a: {  	s13 =	simm.s32 $0xEA80  }
0x26b: {  	[tilespmem:s13], [sflag:$0x2] =	stream.indirect_vreg.gather [hbm4b:s4+s2], $0x80, v29, vm0, $0xb8;
	[tilespmem:$0x18280] =	vst v63  }
0x26c: {  	s14 =	simm.s32 $0xF280;
	v31 =	vld [tilespmem:$0x1FF20]  }
0x26d: {  	[tilespmem:s14], [sflag:$0x2] =	stream.indirect_vreg.gather [hbm4b:s5+s2], $0x80, v29, vm0, $0xb8;
	[tilespmem:$0x18280] =	vst v63  }
0x26e: {  	s15 =	simm.s32 $0xFA80  }
0x26f: {  	[tilespmem:s15], [sflag:$0x2] =	stream.indirect_vreg.gather [hbm4b:s6+s2], $0x80, v29, vm0, $0xb8;
	[tilespmem:$0x18280] =	vst v63  }
0x270: {  	_ =	swait.ge [sflag:s28], $0x8000  }
0x271: {  	vm3 =	vlt.s32 v15, v38;
	vm2 =	vlt.s32 v31, v27;
	[sflag:s28] =	ssyncset.done $0x0  }
0x272: {  	vm2 =	vmand vm2, vm3;
	s19 =	rddreg [dreg:$0xf];
	[sflag:s28] =	ssyncadd.s32 $0xFFFF8000  }
0x273: {  	v29 =	vnsel vm2, $0x0, v53;
	[hbm4b:s19+s2] =	stream.linear.scatter [tilespmem:s17], [sflag:$0x4], $0x8000, $0x38;
	[tilespmem:$0x18280] =	vst v63  }
0x274: {  	v31 =	vshll.u32 v29, $0x3;
	_ =	swait.ge [sflag:s26], $0x8000  }
0x275: {  	v37 =	vand.u32 $0x7, v29;
	v31 =	vand.u32 $0xFFFFFFC0, v31;
	v42 =	vld [tilespmem:$0x1FF30]  }
0x276: {  	v31 =	vor.u32 v37, v31  }
0x277: {  	v40 =	vperm.xlane v31, v25;
	_ =	sdelay $0x1  }
0x278: {  	v40 =	vadd.s32 v34, v40  }
0x279: {  	vm3 =	vlt.s32 v26, v38;
	[sflag:s26] =	ssyncset.done $0x0;
	vm2 =	vlt.s32 v42, v27  }
0x27a: {  	[sflag:s26] =	ssyncadd.s32 $0xFFFF8000;
	vm2 =	vmand vm2, vm3  }
0x27b: {  	[tilespmem:$0x100] =	vst v29;
	v29 =	vnsel vm2, $0x0, v54  }
0x27c: {  	[tilespmem:$0x110] =	vst v29  }
0x27d: {  	[tilespmem:s9], [sflag:$0x3] =	stream.indirect_vreg.gather [hbm4b:s1+s2], $0x80, v40, vm0, $0xb8;
	[tilespmem:$0x18280] =	vst v63  }
0x27e: {  	s11 =	simm.s32 $0x10A80;
	v29 =	vperm.xlane v31, v36  }
0x27f: {  	[tilespmem:s11], [sflag:$0x3] =	stream.indirect_vreg.gather [hbm4b:s4+s2], $0x80, v40, vm0, $0xb8;
	[tilespmem:$0x18280] =	vst v63  }
0x280: {  	s16 =	simm.s32 $0x11280;
	v29 =	vadd.s32 v34, v29  }
0x281: {  	[tilespmem:s16], [sflag:$0x3] =	stream.indirect_vreg.gather [hbm4b:s5+s2], $0x80, v40, vm0, $0xb8;
	[tilespmem:$0x18280] =	vst v63  }
0x282: {  	s18 =	simm.s32 $0x11A80  }
0x283: {  	[tilespmem:s18], [sflag:$0x3] =	stream.indirect_vreg.gather [hbm4b:s6+s2], $0x80, v40, vm0, $0xb8;
	[tilespmem:$0x18280] =	vst v63  }
0x284: {  	s12 =	simm.s32 $0x12280  }
0x285: {  	[tilespmem:s12], [sflag:$0x3] =	stream.indirect_vreg.gather [hbm4b:s1+s2], $0x80, v29, vm0, $0xb8;
	[tilespmem:$0x18280] =	vst v63  }
0x286: {  	s13 =	simm.s32 $0x12A80  }
0x287: {  	[tilespmem:s13], [sflag:$0x3] =	stream.indirect_vreg.gather [hbm4b:s4+s2], $0x80, v29, vm0, $0xb8;
	[tilespmem:$0x18280] =	vst v63  }
0x288: {  	s14 =	simm.s32 $0x13280  }
0x289: {  	[tilespmem:s14], [sflag:$0x3] =	stream.indirect_vreg.gather [hbm4b:s5+s2], $0x80, v29, vm0, $0xb8;
	[tilespmem:$0x18280] =	vst v63  }
0x28a: {  	s15 =	simm.s32 $0x13A80  }
0x28b: {  	[tilespmem:s15], [sflag:$0x3] =	stream.indirect_vreg.gather [hbm4b:s6+s2], $0x80, v29, vm0, $0xb8;
	[tilespmem:$0x18280] =	vst v63  }
0x28c: {  	v29 =	vld [tilespmem:$0x110];
	_ =	sdelay $0x4  }
0x28d: {  	v31 =	vshll.u32 v29, $0x3  }
0x28e: {  	v29 =	vand.u32 $0x7, v29;
	v31 =	vand.u32 $0xFFFFFFC0, v31  }
0x28f: {  	v29 =	vor.u32 v29, v31  }
0x290: {  	v31 =	vperm.xlane v29, v25;
	_ =	sdelay $0x1  }
0x291: {  	v31 =	vadd.s32 v34, v31;
	_ =	sdelay $0x3  }
0x292: {  	s16 =	simm.s32 $0x14280  }
0x293: {  	[tilespmem:s16], [sflag:$0x3] =	stream.indirect_vreg.gather [hbm4b:s1+s2], $0x80, v31, vm0, $0xb8;
	[tilespmem:$0x18280] =	vst v63  }
0x294: {  	s19 =	simm.s32 $0x14A80;
	v29 =	vperm.xlane v29, v36  }
0x295: {  	[tilespmem:s19], [sflag:$0x3] =	stream.indirect_vreg.gather [hbm4b:s4+s2], $0x80, v31, vm0, $0xb8;
	[tilespmem:$0x18280] =	vst v63  }
0x296: {  	s15 =	simm.s32 $0x15280;
	v29 =	vadd.s32 v34, v29  }
0x297: {  	[tilespmem:s15], [sflag:$0x3] =	stream.indirect_vreg.gather [hbm4b:s5+s2], $0x80, v31, vm0, $0xb8;
	[tilespmem:$0x18280] =	vst v63  }
0x298: {  	s16 =	simm.s32 $0x15A80  }
0x299: {  	[tilespmem:s16], [sflag:$0x3] =	stream.indirect_vreg.gather [hbm4b:s6+s2], $0x80, v31, vm0, $0xb8;
	[tilespmem:$0x18280] =	vst v63  }
0x29a: {  	s19 =	simm.s32 $0x16280  }
0x29b: {  	[tilespmem:s19], [sflag:$0x3] =	stream.indirect_vreg.gather [hbm4b:s1+s2], $0x80, v29, vm0, $0xb8;
	[tilespmem:$0x18280] =	vst v63  }
0x29c: {  	s8 =	simm.s32 $0x16A80  }
0x29d: {  	[tilespmem:s8], [sflag:$0x3] =	stream.indirect_vreg.gather [hbm4b:s4+s2], $0x80, v29, vm0, $0xb8;
	[tilespmem:$0x18280] =	vst v63  }
0x29e: {  	s8 =	simm.s32 $0x17280  }
0x29f: {  	v31 =	vld [tilespmem:$0x1FF50];
	[tilespmem:s8], [sflag:$0x3] =	stream.indirect_vreg.gather [hbm4b:s5+s2], $0x80, v29, vm0, $0xb8  }
0x2a0: {  	s8 =	simm.s32 $0x17A80  }
0x2a1: {  	[tilespmem:s8], [sflag:$0x3] =	stream.indirect_vreg.gather [hbm4b:s6+s2], $0x80, v29, vm0, $0xb8;
	v29 =	vld [tilespmem:$0x1FF40]  }
0x2a2: {  	_ = 	snop  }
0x2a3: {  	_ =	swait.ge [sflag:s30], $0x8000  }
0x2a4: {  	vm2 =	vlt.s32 v31, v27;
	[sflag:s30] =	ssyncset.done $0x0  }
0x2a5: {  	vm1 =	vmand vm2, vm1;
	s8 =	rddreg [dreg:$0x10];
	[sflag:s30] =	ssyncadd.s32 $0xFFFF8000  }
0x2a6: {  	[hbm4b:s8+s2] =	stream.linear.scatter [tilespmem:s29], [sflag:$0x5], $0x8000, $0x38;
	v29 =	vnsel vm1, $0x0, v29;
	[tilespmem:$0x18280] =	vst v63  }
0x2a7: {  	_ =	swait.ge [sflag:s31], $0x8000;
	v31 =	vshll.u32 v29, $0x3  }
0x2a8: {  	v37 =	vand.u32 $0x7, v29;
	v42 =	vld [tilespmem:$0x1FF60];
	v31 =	vand.u32 $0xFFFFFFC0, v31  }
0x2a9: {  	v31 =	vor.u32 v37, v31  }
0x2aa: {  	v40 =	vperm.xlane v31, v25;
	_ =	sdelay $0x1  }
0x2ab: {  	v40 =	vadd.s32 v34, v40  }
0x2ac: {  	vm2 =	vlt.s32 v28, v38;
	[sflag:s31] =	ssyncset.done $0x0;
	vm1 =	vlt.s32 v42, v27  }
0x2ad: {  	[sflag:s31] =	ssyncadd.s32 $0xFFFF8000;
	vm1 =	vmand vm1, vm2  }
0x2ae: {  	[tilespmem:$0x0] =	vst v29;
	v29 =	vnsel vm1, $0x0, v1  }
0x2af: {  	[tilespmem:$0x10] =	vst v29  }
0x2b0: {  	[tilespmem:s17], [sflag:$0x1] =	stream.indirect_vreg.gather [hbm4b:s1+s2], $0x80, v40, vm0, $0xb8;
	[tilespmem:$0x18280] =	vst v63  }
0x2b1: {  	s8 =	simm.s32 $0xA80;
	v29 =	vperm.xlane v31, v36  }
0x2b2: {  	[tilespmem:s8], [sflag:$0x1] =	stream.indirect_vreg.gather [hbm4b:s4+s2], $0x80, v40, vm0, $0xb8;
	[tilespmem:$0x18280] =	vst v63  }
0x2b3: {  	s25 =	simm.s32 $0x1280;
	v29 =	vadd.s32 v34, v29  }
0x2b4: {  	[tilespmem:s25], [sflag:$0x1] =	stream.indirect_vreg.gather [hbm4b:s5+s2], $0x80, v40, vm0, $0xb8;
	[tilespmem:$0x18280] =	vst v63  }
0x2b5: {  	s25 =	simm.s32 $0x1A80  }
0x2b6: {  	[tilespmem:s25], [sflag:$0x1] =	stream.indirect_vreg.gather [hbm4b:s6+s2], $0x80, v40, vm0, $0xb8;
	[tilespmem:$0x18280] =	vst v63  }
0x2b7: {  	s8 =	simm.s32 $0x2280  }
0x2b8: {  	[tilespmem:s8], [sflag:$0x1] =	stream.indirect_vreg.gather [hbm4b:s1+s2], $0x80, v29, vm0, $0xb8;
	[tilespmem:$0x18280] =	vst v63  }
0x2b9: {  	s8 =	simm.s32 $0x2A80  }
0x2ba: {  	[tilespmem:s8], [sflag:$0x1] =	stream.indirect_vreg.gather [hbm4b:s4+s2], $0x80, v29, vm0, $0xb8;
	[tilespmem:$0x18280] =	vst v63  }
0x2bb: {  	s8 =	simm.s32 $0x3280  }
0x2bc: {  	[tilespmem:s8], [sflag:$0x1] =	stream.indirect_vreg.gather [hbm4b:s5+s2], $0x80, v29, vm0, $0xb8;
	[tilespmem:$0x18280] =	vst v63  }
0x2bd: {  	s8 =	simm.s32 $0x3A80  }
0x2be: {  	[tilespmem:s8], [sflag:$0x1] =	stream.indirect_vreg.gather [hbm4b:s6+s2], $0x80, v29, vm0, $0xb8;
	[tilespmem:$0x18280] =	vst v63  }
0x2bf: {  	v29 =	vld [tilespmem:$0x10];
	_ =	sdelay $0x4  }
0x2c0: {  	v31 =	vshll.u32 v29, $0x3  }
0x2c1: {  	v29 =	vand.u32 $0x7, v29;
	v31 =	vand.u32 $0xFFFFFFC0, v31  }
0x2c2: {  	v29 =	vor.u32 v29, v31  }
0x2c3: {  	v31 =	vperm.xlane v29, v25;
	_ =	sdelay $0x1  }
0x2c4: {  	v31 =	vadd.s32 v34, v31;
	_ =	sdelay $0x3  }
0x2c5: {  	s8 =	simm.s32 $0x4280  }
0x2c6: {  	[tilespmem:s8], [sflag:$0x1] =	stream.indirect_vreg.gather [hbm4b:s1+s2], $0x80, v31, vm0, $0xb8;
	[tilespmem:$0x18280] =	vst v63  }
0x2c7: {  	s21 =	simm.s32 $0x4A80;
	v29 =	vperm.xlane v29, v36  }
0x2c8: {  	[tilespmem:s21], [sflag:$0x1] =	stream.indirect_vreg.gather [hbm4b:s4+s2], $0x80, v31, vm0, $0xb8;
	[tilespmem:$0x18280] =	vst v63  }
0x2c9: {  	s20 =	simm.s32 $0x5280;
	v29 =	vadd.s32 v34, v29  }
0x2ca: {  	[tilespmem:s20], [sflag:$0x1] =	stream.indirect_vreg.gather [hbm4b:s5+s2], $0x80, v31, vm0, $0xb8;
	[tilespmem:$0x18280] =	vst v63  }
0x2cb: {  	s22 =	simm.s32 $0x5A80  }
0x2cc: {  	[tilespmem:s22], [sflag:$0x1] =	stream.indirect_vreg.gather [hbm4b:s6+s2], $0x80, v31, vm0, $0xb8;
	[tilespmem:$0x18280] =	vst v63  }
0x2cd: {  	s23 =	simm.s32 $0x6280  }
0x2ce: {  	[tilespmem:s23], [sflag:$0x1] =	stream.indirect_vreg.gather [hbm4b:s1+s2], $0x80, v29, vm0, $0xb8;
	[tilespmem:$0x18280] =	vst v63  }
0x2cf: {  	s24 =	simm.s32 $0x6A80  }
0x2d0: {  	[tilespmem:s24], [sflag:$0x1] =	stream.indirect_vreg.gather [hbm4b:s4+s2], $0x80, v29, vm0, $0xb8;
	[tilespmem:$0x18280] =	vst v63  }
0x2d1: {  	s21 =	simm.s32 $0x7280;
	v31 =	vld [tilespmem:$0x1FF70]  }
0x2d2: {  	[tilespmem:s21], [sflag:$0x1] =	stream.indirect_vreg.gather [hbm4b:s5+s2], $0x80, v29, vm0, $0xb8;
	[tilespmem:$0x18280] =	vst v63  }
0x2d3: {  	s24 =	simm.s32 $0x7A80  }
0x2d4: {  	[tilespmem:s24], [sflag:$0x1] =	stream.indirect_vreg.gather [hbm4b:s6+s2], $0x80, v29, vm0, $0xb8;
	[tilespmem:$0x18280] =	vst v63  }
0x2d5: {  	_ =	swait.ge [sflag:s0], $0x8000  }
0x2d6: {  	vm2 =	vlt.s32 v19, v38;
	vm1 =	vlt.s32 v31, v27;
	[sflag:s0] =	ssyncset.done $0x0  }
0x2d7: {  	vm1 =	vmand vm1, vm2;
	s8 =	rddreg [dreg:$0x11];
	[sflag:s0] =	ssyncadd.s32 $0xFFFF8000  }
0x2d8: {  	v29 =	vnsel vm1, $0x0, v2;
	[hbm4b:s8+s2] =	stream.linear.scatter [tilespmem:s9], [sflag:$0x6], $0x8000, $0x38;
	[tilespmem:$0x18280] =	vst v63  }
0x2d9: {  	v31 =	vshll.u32 v29, $0x3;
	_ =	swait.ge [sflag:s3], $0x8000  }
0x2da: {  	v37 =	vand.u32 $0x7, v29;
	v31 =	vand.u32 $0xFFFFFFC0, v31;
	v42 =	vld [tilespmem:$0x1FF80]  }
0x2db: {  	v31 =	vor.u32 v37, v31  }
0x2dc: {  	v40 =	vperm.xlane v31, v25;
	_ =	sdelay $0x1  }
0x2dd: {  	v40 =	vadd.s32 v34, v40  }
0x2de: {  	vm2 =	vlt.s32 v30, v38;
	[sflag:s3] =	ssyncset.done $0x0;
	vm1 =	vlt.s32 v42, v27  }
0x2df: {  	[sflag:s3] =	ssyncadd.s32 $0xFFFF8000;
	vm1 =	vmand vm1, vm2  }
0x2e0: {  	[tilespmem:$0x80] =	vst v29;
	v29 =	vnsel vm1, $0x0, v55  }
0x2e1: {  	[tilespmem:$0x90] =	vst v29  }
0x2e2: {  	[tilespmem:s29], [sflag:$0x2] =	stream.indirect_vreg.gather [hbm4b:s1+s2], $0x80, v40, vm0, $0xb8;
	[tilespmem:$0x18280] =	vst v63  }
0x2e3: {  	s8 =	simm.s32 $0x8A80;
	v29 =	vperm.xlane v31, v36  }
0x2e4: {  	[tilespmem:s8], [sflag:$0x2] =	stream.indirect_vreg.gather [hbm4b:s4+s2], $0x80, v40, vm0, $0xb8;
	[tilespmem:$0x18280] =	vst v63  }
0x2e5: {  	v29 =	vadd.s32 v34, v29;
	s8 =	simm.s32 $0x9280  }
0x2e6: {  	[tilespmem:s8], [sflag:$0x2] =	stream.indirect_vreg.gather [hbm4b:s5+s2], $0x80, v40, vm0, $0xb8;
	[tilespmem:$0x18280] =	vst v63  }
0x2e7: {  	s8 =	simm.s32 $0x9A80  }
0x2e8: {  	[tilespmem:s8], [sflag:$0x2] =	stream.indirect_vreg.gather [hbm4b:s6+s2], $0x80, v40, vm0, $0xb8;
	[tilespmem:$0x18280] =	vst v63  }
0x2e9: {  	s8 =	simm.s32 $0xA280  }
0x2ea: {  	[tilespmem:s8], [sflag:$0x2] =	stream.indirect_vreg.gather [hbm4b:s1+s2], $0x80, v29, vm0, $0xb8;
	[tilespmem:$0x18280] =	vst v63  }
0x2eb: {  	s8 =	simm.s32 $0xAA80  }
0x2ec: {  	[tilespmem:s8], [sflag:$0x2] =	stream.indirect_vreg.gather [hbm4b:s4+s2], $0x80, v29, vm0, $0xb8;
	[tilespmem:$0x18280] =	vst v63  }
0x2ed: {  	s8 =	simm.s32 $0xB280  }
0x2ee: {  	[tilespmem:s8], [sflag:$0x2] =	stream.indirect_vreg.gather [hbm4b:s5+s2], $0x80, v29, vm0, $0xb8;
	[tilespmem:$0x18280] =	vst v63  }
0x2ef: {  	s8 =	simm.s32 $0xBA80  }
0x2f0: {  	[tilespmem:s8], [sflag:$0x2] =	stream.indirect_vreg.gather [hbm4b:s6+s2], $0x80, v29, vm0, $0xb8;
	[tilespmem:$0x18280] =	vst v63  }
0x2f1: {  	v29 =	vld [tilespmem:$0x90];
	_ =	sdelay $0x4  }
0x2f2: {  	v31 =	vshll.u32 v29, $0x3  }
0x2f3: {  	v29 =	vand.u32 $0x7, v29;
	v31 =	vand.u32 $0xFFFFFFC0, v31  }
0x2f4: {  	v29 =	vor.u32 v29, v31  }
0x2f5: {  	v31 =	vperm.xlane v29, v25;
	_ =	sdelay $0x1  }
0x2f6: {  	v31 =	vadd.s32 v34, v31;
	_ =	sdelay $0x3  }
0x2f7: {  	s8 =	simm.s32 $0xC280  }
0x2f8: {  	[tilespmem:s8], [sflag:$0x2] =	stream.indirect_vreg.gather [hbm4b:s1+s2], $0x80, v31, vm0, $0xb8;
	[tilespmem:$0x18280] =	vst v63  }
0x2f9: {  	v29 =	vperm.xlane v29, v36;
	s8 =	simm.s32 $0xCA80  }
0x2fa: {  	[tilespmem:s8], [sflag:$0x2] =	stream.indirect_vreg.gather [hbm4b:s4+s2], $0x80, v31, vm0, $0xb8;
	[tilespmem:$0x18280] =	vst v63  }
0x2fb: {  	v29 =	vadd.s32 v34, v29;
	s8 =	simm.s32 $0xD280  }
0x2fc: {  	[tilespmem:s8], [sflag:$0x2] =	stream.indirect_vreg.gather [hbm4b:s5+s2], $0x80, v31, vm0, $0xb8;
	[tilespmem:$0x18280] =	vst v63  }
0x2fd: {  	s8 =	simm.s32 $0xDA80  }
0x2fe: {  	[tilespmem:s8], [sflag:$0x2] =	stream.indirect_vreg.gather [hbm4b:s6+s2], $0x80, v31, vm0, $0xb8;
	[tilespmem:$0x18280] =	vst v63  }
0x2ff: {  	s8 =	simm.s32 $0xE280  }
0x300: {  	[tilespmem:s8], [sflag:$0x2] =	stream.indirect_vreg.gather [hbm4b:s1+s2], $0x80, v29, vm0, $0xb8;
	[tilespmem:$0x18280] =	vst v63  }
0x301: {  	s8 =	simm.s32 $0xEA80  }
0x302: {  	[tilespmem:s8], [sflag:$0x2] =	stream.indirect_vreg.gather [hbm4b:s4+s2], $0x80, v29, vm0, $0xb8;
	[tilespmem:$0x18280] =	vst v63  }
0x303: {  	v31 =	vld [tilespmem:$0x1FF90];
	s8 =	simm.s32 $0xF280  }
0x304: {  	[tilespmem:s8], [sflag:$0x2] =	stream.indirect_vreg.gather [hbm4b:s5+s2], $0x80, v29, vm0, $0xb8;
	[tilespmem:$0x18280] =	vst v63  }
0x305: {  	s10 =	simm.s32 $0xFA80  }
0x306: {  	[tilespmem:s10], [sflag:$0x2] =	stream.indirect_vreg.gather [hbm4b:s6+s2], $0x80, v29, vm0, $0xb8;
	[tilespmem:$0x18280] =	vst v63  }
0x307: {  	_ =	swait.ge [sflag:s28], $0x8000  }
0x308: {  	vm2 =	vlt.s32 v21, v38;
	vm1 =	vlt.s32 v31, v27;
	[sflag:s28] =	ssyncset.done $0x0  }
0x309: {  	vm1 =	vmand vm1, vm2;
	s10 =	rddreg [dreg:$0x12];
	[sflag:s28] =	ssyncadd.s32 $0xFFFF8000  }
0x30a: {  	v29 =	vnsel vm1, $0x0, v4;
	[hbm4b:s10+s2] =	stream.linear.scatter [tilespmem:s17], [sflag:$0x4], $0x8000, $0x38;
	[tilespmem:$0x18280] =	vst v63  }
0x30b: {  	v31 =	vshll.u32 v29, $0x3;
	_ =	swait.ge [sflag:s26], $0x8000  }
0x30c: {  	v37 =	vand.u32 $0x7, v29;
	v31 =	vand.u32 $0xFFFFFFC0, v31;
	v42 =	vld [tilespmem:$0x1FFA0]  }
0x30d: {  	v31 =	vor.u32 v37, v31  }
0x30e: {  	v40 =	vperm.xlane v31, v25;
	_ =	sdelay $0x1  }
0x30f: {  	v40 =	vadd.s32 v34, v40  }
0x310: {  	vm2 =	vlt.s32 v32, v38;
	[sflag:s26] =	ssyncset.done $0x0;
	vm1 =	vlt.s32 v42, v27  }
0x311: {  	[sflag:s26] =	ssyncadd.s32 $0xFFFF8000;
	vm1 =	vmand vm1, vm2  }
0x312: {  	[tilespmem:$0x100] =	vst v29;
	v29 =	vnsel vm1, $0x0, v6  }
0x313: {  	[tilespmem:$0x110] =	vst v29  }
0x314: {  	[tilespmem:s9], [sflag:$0x3] =	stream.indirect_vreg.gather [hbm4b:s1+s2], $0x80, v40, vm0, $0xb8;
	[tilespmem:$0x18280] =	vst v63  }
0x315: {  	s10 =	simm.s32 $0x10A80;
	v29 =	vperm.xlane v31, v36  }
0x316: {  	[tilespmem:s10], [sflag:$0x3] =	stream.indirect_vreg.gather [hbm4b:s4+s2], $0x80, v40, vm0, $0xb8;
	[tilespmem:$0x18280] =	vst v63  }
0x317: {  	s11 =	simm.s32 $0x11280;
	v29 =	vadd.s32 v34, v29  }
0x318: {  	[tilespmem:s11], [sflag:$0x3] =	stream.indirect_vreg.gather [hbm4b:s5+s2], $0x80, v40, vm0, $0xb8;
	[tilespmem:$0x18280] =	vst v63  }
0x319: {  	s18 =	simm.s32 $0x11A80  }
0x31a: {  	[tilespmem:s18], [sflag:$0x3] =	stream.indirect_vreg.gather [hbm4b:s6+s2], $0x80, v40, vm0, $0xb8;
	[tilespmem:$0x18280] =	vst v63  }
0x31b: {  	s12 =	simm.s32 $0x12280  }
0x31c: {  	[tilespmem:s12], [sflag:$0x3] =	stream.indirect_vreg.gather [hbm4b:s1+s2], $0x80, v29, vm0, $0xb8;
	[tilespmem:$0x18280] =	vst v63  }
0x31d: {  	s13 =	simm.s32 $0x12A80  }
0x31e: {  	[tilespmem:s13], [sflag:$0x3] =	stream.indirect_vreg.gather [hbm4b:s4+s2], $0x80, v29, vm0, $0xb8;
	[tilespmem:$0x18280] =	vst v63  }
0x31f: {  	s14 =	simm.s32 $0x13280  }
0x320: {  	[tilespmem:s14], [sflag:$0x3] =	stream.indirect_vreg.gather [hbm4b:s5+s2], $0x80, v29, vm0, $0xb8;
	[tilespmem:$0x18280] =	vst v63  }
0x321: {  	s12 =	simm.s32 $0x13A80  }
0x322: {  	[tilespmem:s12], [sflag:$0x3] =	stream.indirect_vreg.gather [hbm4b:s6+s2], $0x80, v29, vm0, $0xb8;
	[tilespmem:$0x18280] =	vst v63  }
0x323: {  	v29 =	vld [tilespmem:$0x110];
	_ =	sdelay $0x4  }
0x324: {  	v31 =	vshll.u32 v29, $0x3  }
0x325: {  	v29 =	vand.u32 $0x7, v29;
	v31 =	vand.u32 $0xFFFFFFC0, v31  }
0x326: {  	v29 =	vor.u32 v29, v31  }
0x327: {  	v31 =	vperm.xlane v29, v25;
	_ =	sdelay $0x1  }
0x328: {  	v31 =	vadd.s32 v34, v31;
	_ =	sdelay $0x3  }
0x329: {  	s13 =	simm.s32 $0x14280  }
0x32a: {  	[tilespmem:s13], [sflag:$0x3] =	stream.indirect_vreg.gather [hbm4b:s1+s2], $0x80, v31, vm0, $0xb8;
	[tilespmem:$0x18280] =	vst v63  }
0x32b: {  	s14 =	simm.s32 $0x14A80;
	v29 =	vperm.xlane v29, v36  }
0x32c: {  	[tilespmem:s14], [sflag:$0x3] =	stream.indirect_vreg.gather [hbm4b:s4+s2], $0x80, v31, vm0, $0xb8;
	[tilespmem:$0x18280] =	vst v63  }
0x32d: {  	s15 =	simm.s32 $0x15280;
	v29 =	vadd.s32 v34, v29  }
0x32e: {  	[tilespmem:s15], [sflag:$0x3] =	stream.indirect_vreg.gather [hbm4b:s5+s2], $0x80, v31, vm0, $0xb8;
	[tilespmem:$0x18280] =	vst v63  }
0x32f: {  	s16 =	simm.s32 $0x15A80  }
0x330: {  	[tilespmem:s16], [sflag:$0x3] =	stream.indirect_vreg.gather [hbm4b:s6+s2], $0x80, v31, vm0, $0xb8;
	[tilespmem:$0x18280] =	vst v63  }
0x331: {  	s19 =	simm.s32 $0x16280  }
0x332: {  	[tilespmem:s19], [sflag:$0x3] =	stream.indirect_vreg.gather [hbm4b:s1+s2], $0x80, v29, vm0, $0xb8;
	[tilespmem:$0x18280] =	vst v63  }
0x333: {  	s15 =	simm.s32 $0x16A80  }
0x334: {  	[tilespmem:s15], [sflag:$0x3] =	stream.indirect_vreg.gather [hbm4b:s4+s2], $0x80, v29, vm0, $0xb8;
	[tilespmem:$0x18280] =	vst v63  }
0x335: {  	s16 =	simm.s32 $0x17280;
	v31 =	vld [tilespmem:$0x1FFB0]  }
0x336: {  	[tilespmem:s16], [sflag:$0x3] =	stream.indirect_vreg.gather [hbm4b:s5+s2], $0x80, v29, vm0, $0xb8;
	[tilespmem:$0x18280] =	vst v63  }
0x337: {  	s18 =	simm.s32 $0x17A80  }
0x338: {  	[tilespmem:s18], [sflag:$0x3] =	stream.indirect_vreg.gather [hbm4b:s6+s2], $0x80, v29, vm0, $0xb8;
	[tilespmem:$0x18280] =	vst v63  }
0x339: {  	_ =	swait.ge [sflag:s30], $0x8000  }
0x33a: {  	vm2 =	vlt.s32 v33, v38;
	vm1 =	vlt.s32 v31, v27;
	[sflag:s30] =	ssyncset.done $0x0  }
0x33b: {  	vm1 =	vmand vm1, vm2;
	s19 =	rddreg [dreg:$0x13];
	[sflag:s30] =	ssyncadd.s32 $0xFFFF8000  }
0x33c: {  	v29 =	vnsel vm1, $0x0, v56;
	[hbm4b:s19+s2] =	stream.linear.scatter [tilespmem:s29], [sflag:$0x5], $0x8000, $0x38;
	[tilespmem:$0x18280] =	vst v63  }
0x33d: {  	v31 =	vshll.u32 v29, $0x3;
	_ =	swait.ge [sflag:s31], $0x8000  }
0x33e: {  	v37 =	vand.u32 $0x7, v29;
	v31 =	vand.u32 $0xFFFFFFC0, v31;
	v42 =	vld [tilespmem:$0x1FFC0]  }
0x33f: {  	v31 =	vor.u32 v37, v31  }
0x340: {  	v40 =	vperm.xlane v31, v25;
	_ =	sdelay $0x1  }
0x341: {  	v40 =	vadd.s32 v34, v40  }
0x342: {  	vm2 =	vlt.s32 v23, v38;
	[sflag:s31] =	ssyncset.done $0x0;
	vm1 =	vlt.s32 v42, v27  }
0x343: {  	[sflag:s31] =	ssyncadd.s32 $0xFFFF8000;
	vm1 =	vmand vm1, vm2  }
0x344: {  	[tilespmem:$0x0] =	vst v29;
	v27 =	vnsel vm1, $0x0, v57  }
0x345: {  	[tilespmem:$0x10] =	vst v27  }
0x346: {  	[tilespmem:s17], [sflag:$0x1] =	stream.indirect_vreg.gather [hbm4b:s1+s2], $0x80, v40, vm0, $0xb8;
	[tilespmem:$0x18280] =	vst v63  }
0x347: {  	s10 =	simm.s32 $0xA80;
	v27 =	vperm.xlane v31, v36  }
0x348: {  	[tilespmem:s10], [sflag:$0x1] =	stream.indirect_vreg.gather [hbm4b:s4+s2], $0x80, v40, vm0, $0xb8;
	[tilespmem:$0x18280] =	vst v63  }
0x349: {  	s11 =	simm.s32 $0x1280;
	v27 =	vadd.s32 v34, v27  }
0x34a: {  	[tilespmem:s11], [sflag:$0x1] =	stream.indirect_vreg.gather [hbm4b:s5+s2], $0x80, v40, vm0, $0xb8;
	[tilespmem:$0x18280] =	vst v63  }
0x34b: {  	s25 =	simm.s32 $0x1A80  }
0x34c: {  	[tilespmem:s25], [sflag:$0x1] =	stream.indirect_vreg.gather [hbm4b:s6+s2], $0x80, v40, vm0, $0xb8;
	[tilespmem:$0x18280] =	vst v63  }
0x34d: {  	s12 =	simm.s32 $0x2280  }
0x34e: {  	[tilespmem:s12], [sflag:$0x1] =	stream.indirect_vreg.gather [hbm4b:s1+s2], $0x80, v27, vm0, $0xb8;
	[tilespmem:$0x18280] =	vst v63  }
0x34f: {  	s13 =	simm.s32 $0x2A80  }
0x350: {  	[tilespmem:s13], [sflag:$0x1] =	stream.indirect_vreg.gather [hbm4b:s4+s2], $0x80, v27, vm0, $0xb8;
	[tilespmem:$0x18280] =	vst v63  }
0x351: {  	s14 =	simm.s32 $0x3280  }
0x352: {  	[tilespmem:s14], [sflag:$0x1] =	stream.indirect_vreg.gather [hbm4b:s5+s2], $0x80, v27, vm0, $0xb8;
	[tilespmem:$0x18280] =	vst v63  }
0x353: {  	s15 =	simm.s32 $0x3A80  }
0x354: {  	[tilespmem:s15], [sflag:$0x1] =	stream.indirect_vreg.gather [hbm4b:s6+s2], $0x80, v27, vm0, $0xb8;
	[tilespmem:$0x18280] =	vst v63  }
0x355: {  	v27 =	vld [tilespmem:$0x10];
	_ =	sdelay $0x4  }
0x356: {  	v29 =	vshll.u32 v27, $0x3  }
0x357: {  	v27 =	vand.u32 $0x7, v27;
	v29 =	vand.u32 $0xFFFFFFC0, v29  }
0x358: {  	v27 =	vor.u32 v27, v29  }
0x359: {  	v25 =	vperm.xlane v27, v25;
	_ =	sdelay $0x1  }
0x35a: {  	v25 =	vadd.s32 v34, v25;
	_ =	sdelay $0x3  }
0x35b: {  	s16 =	simm.s32 $0x4280  }
0x35c: {  	[tilespmem:s16], [sflag:$0x1] =	stream.indirect_vreg.gather [hbm4b:s1+s2], $0x80, v25, vm0, $0xb8;
	[tilespmem:$0x18280] =	vst v63  }
0x35d: {  	s18 =	simm.s32 $0x4A80;
	v27 =	vperm.xlane v27, v36  }
0x35e: {  	[tilespmem:s18], [sflag:$0x1] =	stream.indirect_vreg.gather [hbm4b:s4+s2], $0x80, v25, vm0, $0xb8;
	[tilespmem:$0x18280] =	vst v63  }
0x35f: {  	s19 =	simm.s32 $0x5280;
	v27 =	vadd.s32 v34, v27  }
0x360: {  	[tilespmem:s19], [sflag:$0x1] =	stream.indirect_vreg.gather [hbm4b:s5+s2], $0x80, v25, vm0, $0xb8;
	[tilespmem:$0x18280] =	vst v63  }
0x361: {  	s20 =	simm.s32 $0x5A80  }
0x362: {  	[tilespmem:s20], [sflag:$0x1] =	stream.indirect_vreg.gather [hbm4b:s6+s2], $0x80, v25, vm0, $0xb8;
	[tilespmem:$0x18280] =	vst v63  }
0x363: {  	s22 =	simm.s32 $0x6280  }
0x364: {  	[tilespmem:s22], [sflag:$0x1] =	stream.indirect_vreg.gather [hbm4b:s1+s2], $0x80, v27, vm0, $0xb8;
	[tilespmem:$0x18280] =	vst v63  }
0x365: {  	s23 =	simm.s32 $0x6A80  }
0x366: {  	[tilespmem:s23], [sflag:$0x1] =	stream.indirect_vreg.gather [hbm4b:s4+s2], $0x80, v27, vm0, $0xb8;
	[tilespmem:$0x18280] =	vst v63  }
0x367: {  	s21 =	simm.s32 $0x7280  }
0x368: {  	[tilespmem:s21], [sflag:$0x1] =	stream.indirect_vreg.gather [hbm4b:s5+s2], $0x80, v27, vm0, $0xb8;
	[tilespmem:$0x18280] =	vst v63  }
0x369: {  	s24 =	simm.s32 $0x7A80  }
0x36a: {  	[tilespmem:s24], [sflag:$0x1] =	stream.indirect_vreg.gather [hbm4b:s6+s2], $0x80, v27, vm0, $0xb8;
	[tilespmem:$0x18280] =	vst v63  }
0x36b: {  	_ =	swait.ge [sflag:s0], $0x8000  }
0x36c: {  	[sflag:s0] =	ssyncset.done $0x0  }
0x36d: {  	s24 =	rddreg [dreg:$0x14];
	[sflag:s0] =	ssyncadd.s32 $0xFFFF8000  }
0x36e: {  	[hbm4b:s24+s2] =	stream.linear.scatter [tilespmem:s9], [sflag:$0x6], $0x8000, $0x38;
	[tilespmem:$0x18280] =	vst v63  }
0x36f: {  	_ =	swait.ge [sflag:s28], $0x8000  }
0x370: {  	[sflag:s28] =	ssyncset.done $0x0  }
0x371: {  	s25 =	rddreg [dreg:$0x15];
	[sflag:s28] =	ssyncadd.s32 $0xFFFF8000  }
0x372: {  	[hbm4b:s25+s2] =	stream.linear.scatter [tilespmem:s17], [sflag:$0x4], $0x8000, $0x38;
	[tilespmem:$0x18280] =	vst v63  }
0x373: {  	_ =	swait.ge [sflag:s31], $0x8000  }
0x374: {  	[sflag:s31] =	ssyncset.done $0x0  }
0x375: {  	[sflag:s31] =	ssyncadd.s32 $0xFFFF8000  }
0x376: {  	p0 =	sne.s32 s7, $0x1;
	_ =	swait.ge [sflag:s3], $0x8000  }
.Ltmp0:
0x377: {  	[sflag:s3] =	ssyncset.done $0x0;
	(pc) =	sbr.rel @p0 .LBB2_1-.Ltmp0, $4  }
0x378: {  	[sflag:s3] =	ssyncadd.s32 $0xFFFF8000  }
0x379: {  	_ =	swait.ge [sflag:s26], $0x8000  }
0x37a: {  	[sflag:s26] =	ssyncset.done $0x0  }
0x37b: {  	s7 =	sadd.s32 $0xFFFFFFFF, s7;
	[sflag:s26] =	ssyncadd.s32 $0xFFFF8000  }
0x37c: {  	_ =	sfence.sel $0x180000  }
0x37d: {  	[bflag:$0x0] =	sbarrier.arrive $0xFFFF  }
0x37e: {  	_ =	strace $0x90000047  }
0x37f: {  	s0 =	stileid.u32;
	[bflag:$0x2] =	sbarrier.arrive $0xFFFF  }
0x380: {  	p0 =	sne.s32 s0, $0x0;
	s0 =	rddreg [dreg:$0x3]  }
0x381: {  	s0 =	sadd.s32 @!p0 $0x100000, s0  }
0x382: {  	[sflag:s0] =	ssyncadd.tile.s32 @!p0 $0x1;
	_ =	shalt  }
.Lfunc_end2:
_tile_overlayer_lowered:
.L_overlay_start_2:
0x383: {  	(tag) =	ssettag $0x2  }
0x384: {  	s0 =	rddreg [dreg:$0x0];
	s2 =	stileid.u32  }
0x385: {  	s1 =	rddreg [dreg:$0x1];
	p0 =	sne.s32 s2, $0x0  }
0x386: {  	s3 =	rddreg [dreg:$0x2];
	[bflag:$0x3] =	sbarrier.arrive $0xFFFF;
	s2 =	simm.s32 @!p0 $0x1C07  }
0x387: {  	[timem:s3], [sflag:s2] =	dma.local @!p0 [hbm:s0], s1  }
0x388: {  	s0 =	simm.s32 @!p0 $0x7  }
0x389: {  	_ =	swait.ge @!p0 [sflag:s0], s1  }
0x38a: {  	s1 =	ssub.s32 @!p0 $0x0, s1;
	[sflag:s0] =	ssyncset.done @!p0 $0x0  }
0x38b: {  	[sflag:s0] =	ssyncadd.s32 @!p0 s1  }
0x38c: {  	[bflag:$0x3] =	sbarrier.arrive $0xFFFF  }
0x38d: {  	_ =	shalt  }

// kernel: branch_1_fun.3.cloned.1.call-start
scs
__scs_entry_jumppad:
0x0: {  	(pc) =	sbr.rel $0x88, $3  }
0x1: {  	(tag) =	ssettag $0x0;
	lr =	simm.s32 $0x1  }
0x2: {  	[smem:$0x3F9F] =	sst lr;
	_ =	strace $0xD0000000  }
0x3: {  	_ = 	snop  }
0x4: {  	_ = 	snop  }
0x5: {  	_ = 	snop  }
0x6: {  	_ = 	snop  }
0x7: {  	_ = 	snop  }
__scs_overlays_trampoline_lowered:
0x8: {  	[smem:$0x3FAE] =	sst s0  }
0x9: {  	[smem:$0x3FAF] =	sst s1  }
0xa: {  	[smem:$0x3FB0] =	sst s2  }
0xb: {  	[smem:$0x3FB1] =	sst s3  }
0xc: {  	[smem:$0x3FB2] =	sst s4  }
0xd: {  	[smem:$0x3FB3] =	sst s5  }
0xe: {  	[smem:$0x3FB4] =	sst s6  }
0xf: {  	[smem:$0x3FB5] =	sst s7  }
0x10: {  	[smem:$0x3FB6] =	sst s8  }
0x11: {  	[smem:$0x3FB7] =	sst s9;
	s0 =	simm.s32 @!p0 $0x0  }
0x12: {  	s1 =	sld [smem:$0x3F9D];
	s0 =	simm.s32 @p0 $0x1  }
0x13: {  	[smem:$0x3FB8] =	sst s0;
	s0 =	simm.s32 @!p1 $0x0  }
0x14: {  	s2 =	sld [smem:$0x3F9C];
	s0 =	simm.s32 @p1 $0x1  }
0x15: {  	[smem:$0x3FB9] =	sst s0;
	s0 =	simm.s32 @!p2 $0x0  }
0x16: {  	s3 =	sld [smem:$0x3FDB];
	s0 =	simm.s32 @p2 $0x1  }
0x17: {  	s4 =	simm.s32 $0x1BF5;
	[smem:$0x3FBB] =	sst s0  }
0x18: {  	s0 =	sld [smem:$0x3F9E];
	_ =	swait.ge [sflag:s4], $0x0  }
0x19: {  	s7 =	sld [smem:$0x3F9F]  }
0x1a: {  	s8 =	sadd.s32 $0xFFFFE003, lr  }
0x1b: {  	s9 =	sadd.s32 $0xFFFFFEF7, lr;
	s5 =	simm.s32 $0xFFFFFFFF;
	p2 =	slt.u32 s8, $0xFFFFF086  }
0x1c: {  	p1 =	slt.u32 s9, $0xF7A;
	s5 =	simm.s32 @!p2 $0x0  }
0x1d: {  	s5 =	simm.s32 @p1 $0x1;
	p0 =	seq.s32 s7, s2  }
0x1e: {  	s7 =	smul.u32 @!p0 $0xF7A, s2;
	p2 =	seq.s32 @!p0 s5, $0x0  }
0x1f: {  	s9 =	smul.u32 $0xF7A, s1;
	s8 =	simm.s32 @!p0 $0x1BF5;
	p2 =	por !p2, p0  }
0x20: {  	[sflag:s8] =	ssyncset.s32 @!p0 $0xFFFFF086;
	s6 =	sadd.s32 @!p0 s3, s7;
	s7 =	simm.s32 @!p0 $0x108  }
0x21: {  	s3 =	sadd.s32 s3, s9;
	s6 =	sadd.s32 @!p0 $0x88, s6;
	s7 =	simm.s32 @p2 $0x1082  }
0x22: {  	[simem:s7], [sflag:s8] =	dma.local @!p0 [hbm:s6], $0xF7A  }
0x23: {  	s9 =	sor.u32 $0xD0000000, s2;
	s6 =	simm.s32 $0x108;
	_ =	swait.ge @!p0 [sflag:s8], $0x0  }
0x24: {  	s3 =	sadd.s32 $0x88, s3;
	s6 =	simm.s32 @!p1 $0x1082;
	[sflag:s4] =	ssyncset.s32 $0xFFFFF086  }
0x25: {  	[simem:s6], [sflag:s4] =	dma.local [hbm:s3], $0xF7A  }
0x26: {  	[smem:$0x3F9F] =	sst s1;
	(tag) =	ssettag s2;
	_ =	strace s9  }
0x27: {  	s1 =	sld [smem:$0x3FAF]  }
0x28: {  	s2 =	sld [smem:$0x3FB0]  }
0x29: {  	s4 =	sld [smem:$0x3FB2]  }
0x2a: {  	p0 =	seq.s32 s5, $0x0;
	s5 =	sld [smem:$0x3FB3]  }
0x2b: {  	s6 =	sld [smem:$0x3FB4]  }
0x2c: {  	s7 =	sld [smem:$0x3FB5]  }
0x2d: {  	s3 =	simm.s32 $0x108;
	s8 =	sld [smem:$0x3FB6]  }
0x2e: {  	s3 =	simm.s32 @!p0 $0x1082;
	s9 =	sld [smem:$0x3FB7]  }
0x2f: {  	lr =	sadd.s32 s0, s3;
	s0 =	sld [smem:$0x3FAE]  }
0x30: {  	s3 =	sld [smem:$0x3FB1]  }
0x31: {  	[smem:$0x3FBA] =	sst s10  }
0x32: {  	s10 =	sld [smem:$0x3FB8];
	_ =	sdelay $0x3  }
0x33: {  	p0 =	seq.s32 s10, $0x1;
	s10 =	sld [smem:$0x3FBA];
	_ =	sdelay $0x3  }
0x34: {  	[smem:$0x3FBA] =	sst s10  }
0x35: {  	s10 =	sld [smem:$0x3FB9];
	_ =	sdelay $0x3  }
0x36: {  	p1 =	seq.s32 s10, $0x1;
	s10 =	sld [smem:$0x3FBA];
	_ =	sdelay $0x3  }
0x37: {  	[smem:$0x3FBA] =	sst s10  }
0x38: {  	s10 =	sld [smem:$0x3FBB]  }
0x39: {  	_ = 	snop;
	(pc) =	sbr.ind lr, $3  }
0x3a: {  	_ = 	snop  }
0x3b: {  	_ = 	snop  }
0x3c: {  	p2 =	seq.s32 s10, $0x1;
	s10 =	sld [smem:$0x3FBA]  }
0x3d: {  	_ =	shalt  }
0x3e: {  	_ =	shalt  }
0x3f: {  	_ =	shalt  }
0x40: {  	_ =	shalt  }
0x41: {  	_ =	shalt  }
0x42: {  	_ =	shalt  }
0x43: {  	_ =	shalt  }
0x44: {  	_ =	shalt  }
0x45: {  	_ =	shalt  }
0x46: {  	_ =	shalt  }
0x47: {  	_ =	shalt  }
0x48: {  	_ =	shalt  }
0x49: {  	_ =	shalt  }
0x4a: {  	_ =	shalt  }
0x4b: {  	_ =	shalt  }
0x4c: {  	_ =	shalt  }
0x4d: {  	_ =	shalt  }
0x4e: {  	_ =	shalt  }
0x4f: {  	_ =	shalt  }
0x50: {  	_ =	shalt  }
0x51: {  	_ =	shalt  }
0x52: {  	_ =	shalt  }
0x53: {  	_ =	shalt  }
0x54: {  	_ =	shalt  }
0x55: {  	_ =	shalt  }
0x56: {  	_ =	shalt  }
0x57: {  	_ =	shalt  }
0x58: {  	_ =	shalt  }
0x59: {  	_ =	shalt  }
0x5a: {  	_ =	shalt  }
0x5b: {  	_ =	shalt  }
0x5c: {  	_ =	shalt  }
0x5d: {  	_ =	shalt  }
0x5e: {  	_ =	shalt  }
0x5f: {  	_ =	shalt  }
0x60: {  	_ =	shalt  }
0x61: {  	_ =	shalt  }
0x62: {  	_ =	shalt  }
0x63: {  	_ =	shalt  }
0x64: {  	_ =	shalt  }
0x65: {  	_ =	shalt  }
0x66: {  	_ =	shalt  }
0x67: {  	_ =	shalt  }
0x68: {  	_ =	shalt  }
0x69: {  	_ =	shalt  }
0x6a: {  	_ =	shalt  }
0x6b: {  	_ =	shalt  }
0x6c: {  	_ =	shalt  }
0x6d: {  	_ =	shalt  }
0x6e: {  	_ =	shalt  }
0x6f: {  	_ =	shalt  }
0x70: {  	_ =	shalt  }
0x71: {  	_ =	shalt  }
0x72: {  	_ =	shalt  }
0x73: {  	_ =	shalt  }
0x74: {  	_ =	shalt  }
0x75: {  	_ =	shalt  }
0x76: {  	_ =	shalt  }
0x77: {  	_ =	shalt  }
0x78: {  	_ =	shalt  }
0x79: {  	_ =	shalt  }
0x7a: {  	_ =	shalt  }
0x7b: {  	_ =	shalt  }
0x7c: {  	_ =	shalt  }
0x7d: {  	_ =	shalt  }
0x7e: {  	_ =	shalt  }
0x7f: {  	_ =	shalt  }
0x80: {  	_ =	shalt  }
0x81: {  	_ =	shalt  }
0x82: {  	_ =	shalt  }
0x83: {  	_ =	shalt  }
0x84: {  	_ =	shalt  }
0x85: {  	_ =	shalt  }
0x86: {  	_ =	shalt  }
0x87: {  	_ =	shalt  }
.Lfunc_end0:
.L_simem_size_0:
called_computation.1_lowered:
.L_overlay_start_0:
0x88: {  	s2 =	sld [smem:$0x3FD9]  }
0x89: {  	s3 =	sld [smem:$0x3FFE];
	_ =	sdelay $0x1  }
0x8a: {  	s1 =	srdreg.scid  }
0x8b: {  	s0 =	sand.u32 $0x1, s1  }
0x8c: {  	s18 =	sshll.u32 s0, $0xA;
	s2 =	sadd.s32 s3, s2  }
0x8d: {  	s2 =	sadd.s32 s2, s18  }
0x8e: {  	[smem:$0x3FC6] =	sst s2  }
0x8f: {  	_ = 	snop  }
0x90: {  	s2 =	sld [smem:$0x3FC8]  }
0x91: {  	s19 =	sld [smem:$0x3FD0];
	(tm) =	ssettm $0x1  }
0x92: {  	s4 =	sld [smem:$0x3FFB];
	_ =	sdelay $0x3  }
0x93: {  	_ =	strace s4  }
0x94: {  	s4 =	sld [smem:$0x3FFC];
	_ =	sdelay $0x3  }
0x95: {  	_ =	strace s4  }
0x96: {  	s4 =	sld [smem:$0x3FFD];
	_ =	sdelay $0x3  }
0x97: {  	_ =	strace s4  }
0x98: {  	_ =	strace $0x8FFFFFFF  }
0x99: {  	s20 =	sld [smem:$0x3FDB];
	_ =	sdelay $0x1  }
0x9a: {  	s5 =	simm.s32 $_scs_section_size  }
0x9b: {  	s6 =	simm.s32 $_size__tile_overlayer_lowered;
	s7 =	simm.s32 $_tile_overlayer_lowered  }
0x9c: {  	s23 =	simm.s32 $0x1BFF;
	s22 =	sshll.u32 s7, $0x1;
	s4 =	sadd.s32 s5, s20  }
0x9d: {  	s8 =	simm.s32 $0x0;
	s21 =	sshll.u32 s6, $0x1;
	s6 =	sadd.s32 s22, s4  }
0x9e: {  	[timem:s8], [sflag:s23] =	dma.local [hbm:s6], s21  }
0x9f: {  	_ =	swait.ge [sflag:s23], s21  }
0xa0: {  	s5 =	ssub.s32 $0x0, s21;
	[sflag:s23] =	ssyncset.done $0x0  }
0xa1: {  	[sflag:s23] =	ssyncadd.s32 s5;
	_ =	sdelay $0x1  }
0xa2: {  	s24 =	simm.s32 $0x1B8B  }
0xa3: {  	_ =	swait.ge [sflag:s24], $0x1  }
0xa4: {  	[sflag:s24] =	ssyncset.done $0x0  }
0xa5: {  	s25 =	simm.s32 $0x1B8E;
	[sflag:s24] =	ssyncadd.s32 $0xFFFFFFFF  }
0xa6: {  	s26 =	simm.s32 $execute0_lowered;
	[smem:$0x3FD2] =	sst s25  }
0xa7: {  	s5 =	sshll.u32 s26, $0x1;
	_ =	strace $0x80000049;
	[dreg:$0x1] =	wrdreg $0xFFFFFFFF  }
0xa8: {  	s28 =	simm.s32 $_size_execute0_lowered;
	s4 =	sadd.s32 s4, s5;
	[dreg:$0x0] =	wrdreg $0x0  }
0xa9: {  	s5 =	sshll.u32 s28, $0x1;
	[dreg:$0x2] =	wrdreg s4  }
0xaa: {  	[dreg:$0x3] =	wrdreg s5  }
0xab: {  	[dreg:$0x4] =	wrdreg $0xC0  }
0xac: {  	_ =	task [dreg:s8], $0x5FFFF  }
0xad: {  	[dreg:$0x1] =	wrdreg $0xFFFFFFFF  }
0xae: {  	[dreg:$0x0] =	wrdreg $0x60  }
0xaf: {  	[dreg:$0x2] =	wrdreg s2  }
0xb0: {  	[dreg:$0x3] =	wrdreg s19  }
0xb1: {  	[dreg:$0x4] =	wrdreg $0x0  }
0xb2: {  	[dreg:$0x5] =	wrdreg $0x9  }
0xb3: {  	_ =	task.clear_ibuf [dreg:s8], $0x6FFFF;
	_ =	strace $0x90000049  }
0xb4: {  	s29 =	simm.s32 $0x9;
	_ =	strace $0x8000004B  }
0xb5: {  	_ =	swait.ge [sflag:s29], $0x1  }
0xb6: {  	[sflag:s29] =	ssyncadd.s32 $0xFFFFFFFF  }
0xb7: {  	_ =	strace $0x9000004B  }
0xb8: {  	_ =	sfence  }
0xb9: {  	s30 =	sld [smem:$0x0];
	_ =	sdelay $0x2  }
0xba: {  	s31 =	sshll.u32 s1, $0xD;
	s1 =	sshrl.u32 s1, $0x2  }
0xbb: {  	s3 =	sand.u32 $0x4000, s31;
	s1 =	sadd.s32 s1, s30  }
0xbc: {  	s0 =	sor.u32 s3, s0;
	s1 =	sshll.u32 s1, $0x11  }
0xbd: {  	s0 =	sor.u32 s1, s0  }
0xbe: {  	s0 =	sadd.s32 $0x8F2B, s0  }
0xbf: {  	[sflag:s0] =	ssyncadd.remote.s32 $0x1  }
0xc0: {  	_ =	sfence.sel $0xFFFF  }
0xc1: {  	[dreg:$0x0] =	wrdreg $0xFFFFFFFF;
	(pc) =	sbr.abs _section_cstart, $3  }
0xc2: {  	[dreg:$0x1] =	wrdreg $0xFFFFFFFF  }
0xc3: {  	_ =	task.clear_ibuf [dreg:s8], $0x2FFFF;
	_ =	strace $0x9FFFFFFF  }
0xc4: {  	(tm) =	ssettm $0x7FFFFFFF  }
0xc5: {  	_ =	shalt  }
tec
execute0_lowered:
.L_overlay_start_1:
0x0: {  	(tag) =	ssettag $0x1  }
0x1: {  	s4 =	rddreg [dreg:$0x0]  }
0x2: {  	s3 =	rddreg [dreg:$0x1]  }
0x3: {  	s0 =	rddreg [dreg:$0x2];
	s2 =	srdreg.scid  }
0x4: {  	s30 =	rddreg [dreg:$0x3];
	s1 =	stileid.u32;
	s6 =	sand.u32 $0x1, s2  }
0x5: {  	s2 =	simm.s32 $0x0;
	s5 =	sshll.u32 s1, $0x11;
	s7 =	sshll.u32 s6, $0x10  }
0x6: {  	[smem:$0x7FF] =	sst s2;
	s5 =	sor.u32 s7, s5  }
0x7: {  	p0 =	por $0x0, $0x0;
	_ =	strace $0x8000004A;
	s7 =	sadd.s32 s4, s5  }
0x8: {  	s8 =	sor.u32 $0x1000, s5;
	s25 =	sadd.s32 s3, s5;
	[dreg:$0x4] =	wrdreg s7  }
0x9: {  	s9 =	sor.u32 $0x2000, s5;
	s23 =	sadd.s32 s4, s8;
	[dreg:$0x7] =	wrdreg s25  }
0xa: {  	s10 =	sor.u32 $0x3000, s5;
	s24 =	sadd.s32 s4, s9;
	[dreg:$0x5] =	wrdreg s23  }
0xb: {  	s6 =	ssub.s32 $0x2, s6;
	s26 =	sadd.s32 s4, s10;
	[dreg:$0x6] =	wrdreg s24  }
0xc: {  	s29 =	sor.u32 $0x4000, s5;
	s28 =	sadd.s32 s3, s8;
	[dreg:$0x8] =	wrdreg s26  }
0xd: {  	s13 =	sor.u32 $0x5000, s5;
	s11 =	sadd.s32 s4, s29;
	[dreg:$0x9] =	wrdreg s28  }
0xe: {  	s16 =	sor.u32 $0x6000, s5;
	s12 =	sadd.s32 s3, s9;
	[dreg:$0xa] =	wrdreg s11  }
0xf: {  	s19 =	sor.u32 $0x7000, s5;
	s14 =	sadd.s32 s4, s13;
	[dreg:$0xb] =	wrdreg s12  }
0x10: {  	s22 =	sor.u32 $0x8000, s5;
	s15 =	sadd.s32 s3, s10;
	[dreg:$0xc] =	wrdreg s14  }
0x11: {  	s17 =	sadd.s32 s4, s16;
	s18 =	sadd.s32 s3, s29;
	[dreg:$0xd] =	wrdreg s15  }
0x12: {  	s20 =	sadd.s32 s4, s19;
	s21 =	sadd.s32 s3, s13;
	[dreg:$0xe] =	wrdreg s17  }
0x13: {  	s25 =	sor.u32 $0x9000, s5;
	s8 =	sadd.s32 s3, s19;
	[dreg:$0xf] =	wrdreg s18  }
0x14: {  	s10 =	simm.s32 $0x7;
	s7 =	simm.s32 $0x8;
	[dreg:$0x10] =	wrdreg s20  }
0x15: {  	s11 =	sshrl.u32 s6, $0x1;
	[dreg:$0x11] =	wrdreg s21;
	s23 =	sadd.s32 s4, s22  }
0x16: {  	s24 =	sadd.s32 s3, s16;
	s28 =	sshll.u32 s1, $0x10;
	s29 =	sadd.s32 s4, s25  }
0x17: {  	s12 =	sor.u32 $0xA000, s5;
	[dreg:$0x15] =	wrdreg s8;
	s14 =	sadd.s32 s3, s22  }
0x18: {  	s15 =	sor.u32 $0xB000, s5;
	s26 =	sshll.u32 s1, $0x6;
	[dreg:$0x12] =	wrdreg s23  }
0x19: {  	s17 =	sadd.s32 s3, s25;
	s25 =	sor.u32 $0xD000, s5;
	[dreg:$0x13] =	wrdreg s24  }
0x1a: {  	s8 =	simm.s32 $0x18000;
	s6 =	ssub.s32 s6, s11;
	[dreg:$0x14] =	wrdreg s29  }
0x1b: {  	s0 =	sadd.s32 s28, s0;
	s13 =	sadd.s32 s4, s12;
	[dreg:$0x17] =	wrdreg s14  }
0x1c: {  	s16 =	sadd.s32 s4, s15;
	s20 =	sor.u32 $0x1C01, s26;
	[dreg:$0x19] =	wrdreg s17  }
0x1d: {  	s23 =	sor.u32 $0xC000, s5;
	s22 =	sadd.s32 s3, s12;
	s21 =	sadd.s32 s4, s25  }
0x1e: {  	s19 =	sadd.s32 s3, s15;
	s28 =	sor.u32 $0xE000, s5;
	s5 =	sor.u32 $0xF000, s5  }
0x1f: {  	s9 =	sadd.s32 s3, s25;
	s15 =	simm.s32 $0x4;
	[dreg:$0x16] =	wrdreg s13  }
0x20: {  	[dreg:$0x18] =	wrdreg s16;
	s18 =	sadd.s32 $0x8000, s0;
	s29 =	smax.u32 s6, $0x1  }
0x21: {  	s24 =	sadd.s32 s4, s23;
	s17 =	sadd.s32 s4, s28;
	p1 =	sne.s32 s29, $0x1  }
.Ltmp0:
0x22: {  	s14 =	sadd.s32 s3, s23;
	s12 =	sadd.s32 s4, s5;
	(pc) =	sbr.rel @!p1 .LBB2_5-.Ltmp0, $4  }
0x23: {  	s4 =	sadd.s32 s3, s28;
	s3 =	sadd.s32 s3, s5;
	s13 =	simm.s32 $0x10000  }
0x24: {  	s23 =	simm.s32 $0x1;
	s6 =	simm.s32 $0x5;
	s16 =	simm.s32 $0x3  }
0x25: {  	s5 =	simm.s32 $0x6;
	s25 =	sshrl.u32 s0, $0x3;
	s0 =	rddreg [dreg:$0x4]  }
0x26: {  	s11 =	sshrl.u32 s18, $0x3;
	s18 =	simm.s32 $0x2;
	s31 =	sadd.s32 $0xFFFFFFFF, s29  }
0x27: {  	[spmem:s25], [sflag:s20] =	dma.local [hbm:s0], $0x1000  }
0x28: {  	s0 =	rddreg [dreg:$0x5]  }
0x29: {  	s28 =	sor.u32 $0x1C03, s26;
	s29 =	rddreg [dreg:$0x6]  }
0x2a: {  	[tilespmem:s13], [sflag:$0x2] =	stream.linear.gather [hbm4b:s0+s2], $0x8000, $0x38;
	v63 =	vld [tilespmem:$0x0]  }
0x2b: {  	[spmem:s11], [sflag:s28] =	dma.local [hbm:s29], $0x1000  }
0x2c: {  	_ =	swait.ge [sflag:s23], $0x1000  }
0x2d: {  	[sflag:s23] =	ssyncset.done $0x0  }
0x2e: {  	s29 =	sor.u32 $0x1C05, s26;
	s1 =	rddreg [dreg:$0x7];
	[sflag:s23] =	ssyncadd.s32 $0xFFFFF000  }
0x2f: {  	[hbm:s1], [sflag:s29] =	dma.local [spmem:s25], $0x1000  }
0x30: {  	s0 =	rddreg [dreg:$0x8]  }
0x31: {  	[tilespmem:s8], [sflag:$0x4] =	stream.linear.gather [hbm4b:s0+s2], $0x8000, $0x38;
	v63 =	vld [tilespmem:$0x0]  }
0x32: {  	_ =	swait.ge [sflag:s18], $0x8000  }
0x33: {  	[sflag:s18] =	ssyncset.done $0x0  }
0x34: {  	s1 =	rddreg [dreg:$0x9];
	[sflag:s18] =	ssyncadd.s32 $0xFFFF8000  }
0x35: {  	[hbm4b:s1+s2] =	stream.linear.scatter [tilespmem:s13], [sflag:$0x6], $0x8000, $0x38;
	v63 =	vld [tilespmem:$0x0]  }
0x36: {  	_ =	swait.ge [sflag:s6], $0x1000  }
0x37: {  	[sflag:s6] =	ssyncset.done $0x0  }
0x38: {  	s1 =	rddreg [dreg:$0xa];
	[sflag:s6] =	ssyncadd.s32 $0xFFFFF000  }
0x39: {  	[spmem:s25], [sflag:s20] =	dma.local [hbm:s1], $0x1000  }
0x3a: {  	_ =	swait.ge [sflag:s16], $0x1000  }
0x3b: {  	[sflag:s16] =	ssyncset.done $0x0  }
0x3c: {  	s30 =	sor.u32 $0x1C07, s26;
	s1 =	rddreg [dreg:$0xb];
	[sflag:s16] =	ssyncadd.s32 $0xFFFFF000  }
0x3d: {  	[hbm:s1], [sflag:s30] =	dma.local [spmem:s11], $0x1000  }
0x3e: {  	_ =	swait.ge [sflag:s5], $0x8000  }
0x3f: {  	[sflag:s5] =	ssyncset.done $0x0  }
0x40: {  	s1 =	rddreg [dreg:$0xc];
	[sflag:s5] =	ssyncadd.s32 $0xFFFF8000  }
0x41: {  	[tilespmem:s13], [sflag:$0x2] =	stream.linear.gather [hbm4b:s1+s2], $0x8000, $0x38;
	v63 =	vld [tilespmem:$0x0]  }
0x42: {  	_ =	swait.ge [sflag:s15], $0x8000  }
0x43: {  	[sflag:s15] =	ssyncset.done $0x0  }
0x44: {  	s1 =	rddreg [dreg:$0xd];
	[sflag:s15] =	ssyncadd.s32 $0xFFFF8000  }
0x45: {  	[hbm4b:s1+s2] =	stream.linear.scatter [tilespmem:s8], [sflag:$0x8], $0x8000, $0x38;
	v63 =	vld [tilespmem:$0x0]  }
0x46: {  	_ =	swait.ge [sflag:s10], $0x1000  }
0x47: {  	[sflag:s10] =	ssyncset.done $0x0  }
0x48: {  	s1 =	rddreg [dreg:$0xe];
	[sflag:s10] =	ssyncadd.s32 $0xFFFFF000  }
0x49: {  	[spmem:s11], [sflag:s28] =	dma.local [hbm:s1], $0x1000  }
0x4a: {  	_ =	swait.ge [sflag:s23], $0x1000  }
0x4b: {  	[sflag:s23] =	ssyncset.done $0x0  }
0x4c: {  	s1 =	rddreg [dreg:$0xf];
	[sflag:s23] =	ssyncadd.s32 $0xFFFFF000  }
0x4d: {  	[hbm:s1], [sflag:s29] =	dma.local [spmem:s25], $0x1000  }
0x4e: {  	_ =	swait.ge [sflag:s7], $0x8000  }
0x4f: {  	[sflag:s7] =	ssyncset.done $0x0  }
0x50: {  	s1 =	rddreg [dreg:$0x10];
	[sflag:s7] =	ssyncadd.s32 $0xFFFF8000  }
0x51: {  	[tilespmem:s8], [sflag:$0x4] =	stream.linear.gather [hbm4b:s1+s2], $0x8000, $0x38;
	v63 =	vld [tilespmem:$0x0]  }
0x52: {  	_ =	swait.ge [sflag:s18], $0x8000  }
0x53: {  	[sflag:s18] =	ssyncset.done $0x0  }
0x54: {  	s1 =	rddreg [dreg:$0x11];
	[sflag:s18] =	ssyncadd.s32 $0xFFFF8000  }
0x55: {  	[hbm4b:s1+s2] =	stream.linear.scatter [tilespmem:s13], [sflag:$0x6], $0x8000, $0x38;
	v63 =	vld [tilespmem:$0x0]  }
0x56: {  	_ =	swait.ge [sflag:s6], $0x1000  }
0x57: {  	[sflag:s6] =	ssyncset.done $0x0  }
0x58: {  	s1 =	rddreg [dreg:$0x12];
	[sflag:s6] =	ssyncadd.s32 $0xFFFFF000  }
0x59: {  	[spmem:s25], [sflag:s20] =	dma.local [hbm:s1], $0x1000  }
0x5a: {  	_ =	swait.ge [sflag:s16], $0x1000  }
0x5b: {  	[sflag:s16] =	ssyncset.done $0x0  }
0x5c: {  	s1 =	rddreg [dreg:$0x13];
	[sflag:s16] =	ssyncadd.s32 $0xFFFFF000  }
0x5d: {  	[hbm:s1], [sflag:s30] =	dma.local [spmem:s11], $0x1000  }
0x5e: {  	_ =	swait.ge [sflag:s5], $0x8000  }
0x5f: {  	[sflag:s5] =	ssyncset.done $0x0  }
0x60: {  	s1 =	rddreg [dreg:$0x14];
	[sflag:s5] =	ssyncadd.s32 $0xFFFF8000  }
0x61: {  	[tilespmem:s13], [sflag:$0x2] =	stream.linear.gather [hbm4b:s1+s2], $0x8000, $0x38;
	v63 =	vld [tilespmem:$0x0]  }
0x62: {  	_ =	swait.ge [sflag:s15], $0x8000  }
0x63: {  	[sflag:s15] =	ssyncset.done $0x0  }
0x64: {  	s1 =	rddreg [dreg:$0x15];
	[sflag:s15] =	ssyncadd.s32 $0xFFFF8000  }
0x65: {  	[hbm4b:s1+s2] =	stream.linear.scatter [tilespmem:s8], [sflag:$0x8], $0x8000, $0x38;
	v63 =	vld [tilespmem:$0x0]  }
0x66: {  	_ =	swait.ge [sflag:s10], $0x1000  }
0x67: {  	[sflag:s10] =	ssyncset.done $0x0  }
0x68: {  	s1 =	rddreg [dreg:$0x16];
	[sflag:s10] =	ssyncadd.s32 $0xFFFFF000  }
0x69: {  	[spmem:s11], [sflag:s28] =	dma.local [hbm:s1], $0x1000  }
0x6a: {  	_ =	swait.ge [sflag:s23], $0x1000  }
0x6b: {  	[sflag:s23] =	ssyncset.done $0x0  }
0x6c: {  	s1 =	rddreg [dreg:$0x17];
	[sflag:s23] =	ssyncadd.s32 $0xFFFFF000  }
0x6d: {  	[hbm:s1], [sflag:s29] =	dma.local [spmem:s25], $0x1000  }
0x6e: {  	_ =	swait.ge [sflag:s7], $0x8000  }
0x6f: {  	[sflag:s7] =	ssyncset.done $0x0  }
0x70: {  	s1 =	rddreg [dreg:$0x18];
	[sflag:s7] =	ssyncadd.s32 $0xFFFF8000  }
0x71: {  	[tilespmem:s8], [sflag:$0x4] =	stream.linear.gather [hbm4b:s1+s2], $0x8000, $0x38;
	v63 =	vld [tilespmem:$0x0]  }
0x72: {  	_ =	swait.ge [sflag:s18], $0x8000  }
0x73: {  	[sflag:s18] =	ssyncset.done $0x0  }
0x74: {  	s1 =	rddreg [dreg:$0x19];
	[sflag:s18] =	ssyncadd.s32 $0xFFFF8000  }
0x75: {  	[hbm4b:s1+s2] =	stream.linear.scatter [tilespmem:s13], [sflag:$0x6], $0x8000, $0x38;
	v63 =	vld [tilespmem:$0x0]  }
0x76: {  	_ =	swait.ge [sflag:s6], $0x1000  }
0x77: {  	[sflag:s6] =	ssyncset.done $0x0  }
0x78: {  	[sflag:s6] =	ssyncadd.s32 $0xFFFFF000  }
0x79: {  	[spmem:s25], [sflag:s20] =	dma.local [hbm:s24], $0x1000  }
0x7a: {  	_ =	swait.ge [sflag:s16], $0x1000  }
0x7b: {  	[sflag:s16] =	ssyncset.done $0x0  }
0x7c: {  	[sflag:s16] =	ssyncadd.s32 $0xFFFFF000  }
0x7d: {  	[hbm:s22], [sflag:s30] =	dma.local [spmem:s11], $0x1000  }
0x7e: {  	_ =	swait.ge [sflag:s5], $0x8000  }
0x7f: {  	[sflag:s5] =	ssyncset.done $0x0  }
0x80: {  	[sflag:s5] =	ssyncadd.s32 $0xFFFF8000  }
0x81: {  	[tilespmem:s13], [sflag:$0x2] =	stream.linear.gather [hbm4b:s21+s2], $0x8000, $0x38;
	v63 =	vld [tilespmem:$0x0]  }
0x82: {  	_ =	swait.ge [sflag:s15], $0x8000  }
0x83: {  	[sflag:s15] =	ssyncset.done $0x0  }
0x84: {  	[sflag:s15] =	ssyncadd.s32 $0xFFFF8000  }
0x85: {  	[hbm4b:s19+s2] =	stream.linear.scatter [tilespmem:s8], [sflag:$0x8], $0x8000, $0x38;
	v63 =	vld [tilespmem:$0x0]  }
0x86: {  	_ =	swait.ge [sflag:s10], $0x1000  }
0x87: {  	[sflag:s10] =	ssyncset.done $0x0  }
0x88: {  	[sflag:s10] =	ssyncadd.s32 $0xFFFFF000  }
0x89: {  	[spmem:s11], [sflag:s28] =	dma.local [hbm:s17], $0x1000  }
0x8a: {  	_ =	swait.ge [sflag:s23], $0x1000  }
0x8b: {  	[sflag:s23] =	ssyncset.done $0x0  }
0x8c: {  	[sflag:s23] =	ssyncadd.s32 $0xFFFFF000  }
0x8d: {  	[hbm:s14], [sflag:s29] =	dma.local [spmem:s25], $0x1000  }
0x8e: {  	_ =	swait.ge [sflag:s7], $0x8000  }
0x8f: {  	[sflag:s7] =	ssyncset.done $0x0  }
0x90: {  	[sflag:s7] =	ssyncadd.s32 $0xFFFF8000  }
0x91: {  	[tilespmem:s8], [sflag:$0x4] =	stream.linear.gather [hbm4b:s12+s2], $0x8000, $0x38;
	v63 =	vld [tilespmem:$0x0]  }
0x92: {  	_ =	swait.ge [sflag:s18], $0x8000  }
0x93: {  	[sflag:s18] =	ssyncset.done $0x0  }
0x94: {  	[sflag:s18] =	ssyncadd.s32 $0xFFFF8000  }
0x95: {  	[hbm4b:s9+s2] =	stream.linear.scatter [tilespmem:s13], [sflag:$0x6], $0x8000, $0x38;
	v63 =	vld [tilespmem:$0x0]  }
0x96: {  	_ =	swait.ge [sflag:s16], $0x1000  }
0x97: {  	[sflag:s16] =	ssyncset.done $0x0  }
0x98: {  	[sflag:s16] =	ssyncadd.s32 $0xFFFFF000  }
0x99: {  	[hbm:s4], [sflag:s30] =	dma.local [spmem:s11], $0x1000  }
0x9a: {  	_ =	swait.ge [sflag:s15], $0x8000  }
0x9b: {  	[sflag:s15] =	ssyncset.done $0x0  }
0x9c: {  	[sflag:s15] =	ssyncadd.s32 $0xFFFF8000  }
0x9d: {  	[hbm4b:s3+s2] =	stream.linear.scatter [tilespmem:s8], [sflag:$0x8], $0x8000, $0x38;
	v63 =	vld [tilespmem:$0x0]  }
0x9e: {  	_ =	swait.ge [sflag:s6], $0x1000  }
0x9f: {  	[sflag:s6] =	ssyncset.done $0x0  }
0xa0: {  	[sflag:s6] =	ssyncadd.s32 $0xFFFFF000  }
0xa1: {  	_ =	swait.ge [sflag:s5], $0x8000  }
0xa2: {  	[sflag:s5] =	ssyncset.done $0x0  }
0xa3: {  	p1 =	sne.s32 s31, $0x1;
	[sflag:s5] =	ssyncadd.s32 $0xFFFF8000  }
.Ltmp1:
0xa4: {  	_ =	swait.ge [sflag:s10], $0x1000;
	(pc) =	sbr.rel @!p1 .LBB2_2-.Ltmp1, $4  }
0xa5: {  	[sflag:s10] =	ssyncset.done $0x0  }
0xa6: {  	[sflag:s10] =	ssyncadd.s32 $0xFFFFF000  }
0xa7: {  	s31 =	sadd.s32 $0xFFFFFFFF, s31;
	_ =	swait.ge [sflag:s7], $0x8000  }
0xa8: {  	p0 =	por $0x1, $0x1;
	s0 =	rddreg [dreg:$0x4];
	[sflag:s7] =	ssyncset.done $0x0  }
.LBB2_3:
0xa9: {  	[sflag:s7] =	ssyncadd.s32 $0xFFFF8000  }
0xaa: {  	[spmem:s25], [sflag:s20] =	dma.local [hbm:s0], $0x1000  }
0xab: {  	s0 =	rddreg [dreg:$0x5]  }
0xac: {  	s1 =	rddreg [dreg:$0x6]  }
0xad: {  	[tilespmem:s13], [sflag:$0x2] =	stream.linear.gather [hbm4b:s0+s2], $0x8000, $0x38;
	v63 =	vld [tilespmem:$0x0]  }
0xae: {  	[spmem:s11], [sflag:s28] =	dma.local [hbm:s1], $0x1000  }
0xaf: {  	_ =	swait.ge [sflag:s23], $0x1000  }
0xb0: {  	[sflag:s23] =	ssyncset.done $0x0  }
0xb1: {  	s1 =	rddreg [dreg:$0x7];
	[sflag:s23] =	ssyncadd.s32 $0xFFFFF000  }
0xb2: {  	[hbm:s1], [sflag:s29] =	dma.local [spmem:s25], $0x1000  }
0xb3: {  	s0 =	rddreg [dreg:$0x8]  }
0xb4: {  	[tilespmem:s8], [sflag:$0x4] =	stream.linear.gather [hbm4b:s0+s2], $0x8000, $0x38;
	v63 =	vld [tilespmem:$0x0]  }
0xb5: {  	_ =	swait.ge [sflag:s18], $0x8000  }
0xb6: {  	[sflag:s18] =	ssyncset.done $0x0  }
0xb7: {  	s1 =	rddreg [dreg:$0x9];
	[sflag:s18] =	ssyncadd.s32 $0xFFFF8000  }
0xb8: {  	[hbm4b:s1+s2] =	stream.linear.scatter [tilespmem:s13], [sflag:$0x6], $0x8000, $0x38;
	v63 =	vld [tilespmem:$0x0]  }
0xb9: {  	_ =	swait.ge [sflag:s6], $0x1000  }
0xba: {  	[sflag:s6] =	ssyncset.done $0x0  }
0xbb: {  	s1 =	rddreg [dreg:$0xa];
	[sflag:s6] =	ssyncadd.s32 $0xFFFFF000  }
0xbc: {  	[spmem:s25], [sflag:s20] =	dma.local [hbm:s1], $0x1000  }
0xbd: {  	_ =	swait.ge [sflag:s16], $0x1000  }
0xbe: {  	[sflag:s16] =	ssyncset.done $0x0  }
0xbf: {  	s1 =	rddreg [dreg:$0xb];
	[sflag:s16] =	ssyncadd.s32 $0xFFFFF000  }
0xc0: {  	[hbm:s1], [sflag:s30] =	dma.local [spmem:s11], $0x1000  }
0xc1: {  	_ =	swait.ge [sflag:s5], $0x8000  }
0xc2: {  	[sflag:s5] =	ssyncset.done $0x0  }
0xc3: {  	s1 =	rddreg [dreg:$0xc];
	[sflag:s5] =	ssyncadd.s32 $0xFFFF8000  }
0xc4: {  	[tilespmem:s13], [sflag:$0x2] =	stream.linear.gather [hbm4b:s1+s2], $0x8000, $0x38;
	v63 =	vld [tilespmem:$0x0]  }
0xc5: {  	_ =	swait.ge [sflag:s15], $0x8000  }
0xc6: {  	[sflag:s15] =	ssyncset.done $0x0  }
0xc7: {  	s1 =	rddreg [dreg:$0xd];
	[sflag:s15] =	ssyncadd.s32 $0xFFFF8000  }
0xc8: {  	[hbm4b:s1+s2] =	stream.linear.scatter [tilespmem:s8], [sflag:$0x8], $0x8000, $0x38;
	v63 =	vld [tilespmem:$0x0]  }
0xc9: {  	_ =	swait.ge [sflag:s10], $0x1000  }
0xca: {  	[sflag:s10] =	ssyncset.done $0x0  }
0xcb: {  	s1 =	rddreg [dreg:$0xe];
	[sflag:s10] =	ssyncadd.s32 $0xFFFFF000  }
0xcc: {  	[spmem:s11], [sflag:s28] =	dma.local [hbm:s1], $0x1000  }
0xcd: {  	_ =	swait.ge [sflag:s23], $0x1000  }
0xce: {  	[sflag:s23] =	ssyncset.done $0x0  }
0xcf: {  	s1 =	rddreg [dreg:$0xf];
	[sflag:s23] =	ssyncadd.s32 $0xFFFFF000  }
0xd0: {  	[hbm:s1], [sflag:s29] =	dma.local [spmem:s25], $0x1000  }
0xd1: {  	_ =	swait.ge [sflag:s7], $0x8000  }
0xd2: {  	[sflag:s7] =	ssyncset.done $0x0  }
0xd3: {  	s1 =	rddreg [dreg:$0x10];
	[sflag:s7] =	ssyncadd.s32 $0xFFFF8000  }
0xd4: {  	[tilespmem:s8], [sflag:$0x4] =	stream.linear.gather [hbm4b:s1+s2], $0x8000, $0x38;
	v63 =	vld [tilespmem:$0x0]  }
0xd5: {  	_ =	swait.ge [sflag:s18], $0x8000  }
0xd6: {  	[sflag:s18] =	ssyncset.done $0x0  }
0xd7: {  	s1 =	rddreg [dreg:$0x11];
	[sflag:s18] =	ssyncadd.s32 $0xFFFF8000  }
0xd8: {  	[hbm4b:s1+s2] =	stream.linear.scatter [tilespmem:s13], [sflag:$0x6], $0x8000, $0x38;
	v63 =	vld [tilespmem:$0x0]  }
0xd9: {  	_ =	swait.ge [sflag:s6], $0x1000  }
0xda: {  	[sflag:s6] =	ssyncset.done $0x0  }
0xdb: {  	s1 =	rddreg [dreg:$0x12];
	[sflag:s6] =	ssyncadd.s32 $0xFFFFF000  }
0xdc: {  	[spmem:s25], [sflag:s20] =	dma.local [hbm:s1], $0x1000  }
0xdd: {  	_ =	swait.ge [sflag:s16], $0x1000  }
0xde: {  	[sflag:s16] =	ssyncset.done $0x0  }
0xdf: {  	s1 =	rddreg [dreg:$0x13];
	[sflag:s16] =	ssyncadd.s32 $0xFFFFF000  }
0xe0: {  	[hbm:s1], [sflag:s30] =	dma.local [spmem:s11], $0x1000  }
0xe1: {  	_ =	swait.ge [sflag:s5], $0x8000  }
0xe2: {  	[sflag:s5] =	ssyncset.done $0x0  }
0xe3: {  	s1 =	rddreg [dreg:$0x14];
	[sflag:s5] =	ssyncadd.s32 $0xFFFF8000  }
0xe4: {  	[tilespmem:s13], [sflag:$0x2] =	stream.linear.gather [hbm4b:s1+s2], $0x8000, $0x38;
	v63 =	vld [tilespmem:$0x0]  }
0xe5: {  	_ =	swait.ge [sflag:s15], $0x8000  }
0xe6: {  	[sflag:s15] =	ssyncset.done $0x0  }
0xe7: {  	s1 =	rddreg [dreg:$0x15];
	[sflag:s15] =	ssyncadd.s32 $0xFFFF8000  }
0xe8: {  	[hbm4b:s1+s2] =	stream.linear.scatter [tilespmem:s8], [sflag:$0x8], $0x8000, $0x38;
	v63 =	vld [tilespmem:$0x0]  }
0xe9: {  	_ =	swait.ge [sflag:s10], $0x1000  }
0xea: {  	[sflag:s10] =	ssyncset.done $0x0  }
0xeb: {  	s1 =	rddreg [dreg:$0x16];
	[sflag:s10] =	ssyncadd.s32 $0xFFFFF000  }
0xec: {  	[spmem:s11], [sflag:s28] =	dma.local [hbm:s1], $0x1000  }
0xed: {  	_ =	swait.ge [sflag:s23], $0x1000  }
0xee: {  	[sflag:s23] =	ssyncset.done $0x0  }
0xef: {  	s1 =	rddreg [dreg:$0x17];
	[sflag:s23] =	ssyncadd.s32 $0xFFFFF000  }
0xf0: {  	[hbm:s1], [sflag:s29] =	dma.local [spmem:s25], $0x1000  }
0xf1: {  	_ =	swait.ge [sflag:s7], $0x8000  }
0xf2: {  	[sflag:s7] =	ssyncset.done $0x0  }
0xf3: {  	s1 =	rddreg [dreg:$0x18];
	[sflag:s7] =	ssyncadd.s32 $0xFFFF8000  }
0xf4: {  	[tilespmem:s8], [sflag:$0x4] =	stream.linear.gather [hbm4b:s1+s2], $0x8000, $0x38;
	v63 =	vld [tilespmem:$0x0]  }
0xf5: {  	_ =	swait.ge [sflag:s18], $0x8000  }
0xf6: {  	[sflag:s18] =	ssyncset.done $0x0  }
0xf7: {  	s1 =	rddreg [dreg:$0x19];
	[sflag:s18] =	ssyncadd.s32 $0xFFFF8000  }
0xf8: {  	[hbm4b:s1+s2] =	stream.linear.scatter [tilespmem:s13], [sflag:$0x6], $0x8000, $0x38;
	v63 =	vld [tilespmem:$0x0]  }
0xf9: {  	_ =	swait.ge [sflag:s6], $0x1000  }
0xfa: {  	[sflag:s6] =	ssyncset.done $0x0  }
0xfb: {  	[sflag:s6] =	ssyncadd.s32 $0xFFFFF000  }
0xfc: {  	[spmem:s25], [sflag:s20] =	dma.local [hbm:s24], $0x1000  }
0xfd: {  	_ =	swait.ge [sflag:s16], $0x1000  }
0xfe: {  	[sflag:s16] =	ssyncset.done $0x0  }
0xff: {  	[sflag:s16] =	ssyncadd.s32 $0xFFFFF000  }
0x100: {  	[hbm:s22], [sflag:s30] =	dma.local [spmem:s11], $0x1000  }
0x101: {  	_ =	swait.ge [sflag:s5], $0x8000  }
0x102: {  	[sflag:s5] =	ssyncset.done $0x0  }
0x103: {  	[sflag:s5] =	ssyncadd.s32 $0xFFFF8000  }
0x104: {  	[tilespmem:s13], [sflag:$0x2] =	stream.linear.gather [hbm4b:s21+s2], $0x8000, $0x38;
	v63 =	vld [tilespmem:$0x0]  }
0x105: {  	_ =	swait.ge [sflag:s15], $0x8000  }
0x106: {  	[sflag:s15] =	ssyncset.done $0x0  }
0x107: {  	[sflag:s15] =	ssyncadd.s32 $0xFFFF8000  }
0x108: {  	[hbm4b:s19+s2] =	stream.linear.scatter [tilespmem:s8], [sflag:$0x8], $0x8000, $0x38;
	v63 =	vld [tilespmem:$0x0]  }
0x109: {  	_ =	swait.ge [sflag:s10], $0x1000  }
0x10a: {  	[sflag:s10] =	ssyncset.done $0x0  }
0x10b: {  	[sflag:s10] =	ssyncadd.s32 $0xFFFFF000  }
0x10c: {  	[spmem:s11], [sflag:s28] =	dma.local [hbm:s17], $0x1000  }
0x10d: {  	_ =	swait.ge [sflag:s23], $0x1000  }
0x10e: {  	[sflag:s23] =	ssyncset.done $0x0  }
0x10f: {  	[sflag:s23] =	ssyncadd.s32 $0xFFFFF000  }
0x110: {  	[hbm:s14], [sflag:s29] =	dma.local [spmem:s25], $0x1000  }
0x111: {  	_ =	swait.ge [sflag:s7], $0x8000  }
0x112: {  	[sflag:s7] =	ssyncset.done $0x0  }
0x113: {  	[sflag:s7] =	ssyncadd.s32 $0xFFFF8000  }
0x114: {  	[tilespmem:s8], [sflag:$0x4] =	stream.linear.gather [hbm4b:s12+s2], $0x8000, $0x38;
	v63 =	vld [tilespmem:$0x0]  }
0x115: {  	_ =	swait.ge [sflag:s18], $0x8000  }
0x116: {  	[sflag:s18] =	ssyncset.done $0x0  }
0x117: {  	[sflag:s18] =	ssyncadd.s32 $0xFFFF8000  }
0x118: {  	[hbm4b:s9+s2] =	stream.linear.scatter [tilespmem:s13], [sflag:$0x6], $0x8000, $0x38;
	v63 =	vld [tilespmem:$0x0]  }
0x119: {  	_ =	swait.ge [sflag:s16], $0x1000  }
0x11a: {  	[sflag:s16] =	ssyncset.done $0x0  }
0x11b: {  	[sflag:s16] =	ssyncadd.s32 $0xFFFFF000  }
0x11c: {  	[hbm:s4], [sflag:s30] =	dma.local [spmem:s11], $0x1000  }
0x11d: {  	_ =	swait.ge [sflag:s15], $0x8000  }
0x11e: {  	[sflag:s15] =	ssyncset.done $0x0  }
0x11f: {  	[sflag:s15] =	ssyncadd.s32 $0xFFFF8000  }
0x120: {  	[hbm4b:s3+s2] =	stream.linear.scatter [tilespmem:s8], [sflag:$0x8], $0x8000, $0x38;
	v63 =	vld [tilespmem:$0x0]  }
0x121: {  	_ =	swait.ge [sflag:s6], $0x1000  }
0x122: {  	[sflag:s6] =	ssyncset.done $0x0  }
0x123: {  	[sflag:s6] =	ssyncadd.s32 $0xFFFFF000  }
0x124: {  	_ =	swait.ge [sflag:s5], $0x8000  }
0x125: {  	[sflag:s5] =	ssyncset.done $0x0  }
0x126: {  	p1 =	sne.s32 s31, $0x1;
	[sflag:s5] =	ssyncadd.s32 $0xFFFF8000  }
.Ltmp2:
0x127: {  	_ =	swait.ge [sflag:s10], $0x1000;
	(pc) =	sbr.rel @p1 .LBB2_3-.Ltmp2, $4  }
0x128: {  	[sflag:s10] =	ssyncset.done $0x0  }
0x129: {  	[sflag:s10] =	ssyncadd.s32 $0xFFFFF000  }
0x12a: {  	_ =	swait.ge [sflag:s7], $0x8000  }
0x12b: {  	s31 =	sadd.s32 $0xFFFFFFFF, s31;
	s0 =	rddreg [dreg:$0x4];
	[sflag:s7] =	ssyncset.done $0x0  }
0x12c: {  	s30 =	rddreg [dreg:$0x3]  }
.LBB2_5:
0x12d: {  	[sflag:s7] =	ssyncadd.s32 @p0 $0xFFFF8000  }
0x12e: {  	[spmem:s25], [sflag:s20] =	dma.local [hbm:s0], $0x1000  }
0x12f: {  	s0 =	rddreg [dreg:$0x5]  }
0x130: {  	s28 =	sor.u32 $0x1C03, s26;
	s1 =	rddreg [dreg:$0x6]  }
0x131: {  	[tilespmem:s13], [sflag:$0x2] =	stream.linear.gather [hbm4b:s0+s2], $0x8000, $0x38;
	v63 =	vld [tilespmem:$0x0]  }
0x132: {  	[spmem:s11], [sflag:s28] =	dma.local [hbm:s1], $0x1000  }
0x133: {  	_ =	swait.ge [sflag:s23], $0x1000  }
0x134: {  	[sflag:s23] =	ssyncset.done $0x0  }
0x135: {  	s29 =	sor.u32 $0x1C05, s26;
	s31 =	rddreg [dreg:$0x7];
	[sflag:s23] =	ssyncadd.s32 $0xFFFFF000  }
0x136: {  	[hbm:s31], [sflag:s29] =	dma.local [spmem:s25], $0x1000  }
0x137: {  	s0 =	rddreg [dreg:$0x8]  }
0x138: {  	[tilespmem:s8], [sflag:$0x4] =	stream.linear.gather [hbm4b:s0+s2], $0x8000, $0x38;
	v63 =	vld [tilespmem:$0x0]  }
0x139: {  	_ =	swait.ge [sflag:s18], $0x8000  }
0x13a: {  	[sflag:s18] =	ssyncset.done $0x0  }
0x13b: {  	s1 =	rddreg [dreg:$0x9];
	[sflag:s18] =	ssyncadd.s32 $0xFFFF8000  }
0x13c: {  	[hbm4b:s1+s2] =	stream.linear.scatter [tilespmem:s13], [sflag:$0x6], $0x8000, $0x38;
	v63 =	vld [tilespmem:$0x0]  }
0x13d: {  	_ =	swait.ge [sflag:s6], $0x1000  }
0x13e: {  	[sflag:s6] =	ssyncset.done $0x0  }
0x13f: {  	s31 =	rddreg [dreg:$0xa];
	[sflag:s6] =	ssyncadd.s32 $0xFFFFF000  }
0x140: {  	[spmem:s25], [sflag:s20] =	dma.local [hbm:s31], $0x1000  }
0x141: {  	_ =	swait.ge [sflag:s16], $0x1000  }
0x142: {  	[sflag:s16] =	ssyncset.done $0x0  }
0x143: {  	s26 =	sor.u32 $0x1C07, s26;
	s1 =	rddreg [dreg:$0xb];
	[sflag:s16] =	ssyncadd.s32 $0xFFFFF000  }
0x144: {  	[hbm:s1], [sflag:s26] =	dma.local [spmem:s11], $0x1000  }
0x145: {  	_ =	swait.ge [sflag:s5], $0x8000  }
0x146: {  	[sflag:s5] =	ssyncset.done $0x0  }
0x147: {  	s31 =	rddreg [dreg:$0xc];
	[sflag:s5] =	ssyncadd.s32 $0xFFFF8000  }
0x148: {  	[tilespmem:s13], [sflag:$0x2] =	stream.linear.gather [hbm4b:s31+s2], $0x8000, $0x38;
	v63 =	vld [tilespmem:$0x0]  }
0x149: {  	_ =	swait.ge [sflag:s15], $0x8000  }
0x14a: {  	[sflag:s15] =	ssyncset.done $0x0  }
0x14b: {  	s1 =	rddreg [dreg:$0xd];
	[sflag:s15] =	ssyncadd.s32 $0xFFFF8000  }
0x14c: {  	[hbm4b:s1+s2] =	stream.linear.scatter [tilespmem:s8], [sflag:$0x8], $0x8000, $0x38;
	v63 =	vld [tilespmem:$0x0]  }
0x14d: {  	_ =	swait.ge [sflag:s10], $0x1000  }
0x14e: {  	[sflag:s10] =	ssyncset.done $0x0  }
0x14f: {  	s31 =	rddreg [dreg:$0xe];
	[sflag:s10] =	ssyncadd.s32 $0xFFFFF000  }
0x150: {  	[spmem:s11], [sflag:s28] =	dma.local [hbm:s31], $0x1000  }
0x151: {  	_ =	swait.ge [sflag:s23], $0x1000  }
0x152: {  	[sflag:s23] =	ssyncset.done $0x0  }
0x153: {  	s1 =	rddreg [dreg:$0xf];
	[sflag:s23] =	ssyncadd.s32 $0xFFFFF000  }
0x154: {  	[hbm:s1], [sflag:s29] =	dma.local [spmem:s25], $0x1000  }
0x155: {  	_ =	swait.ge [sflag:s7], $0x8000  }
0x156: {  	[sflag:s7] =	ssyncset.done $0x0  }
0x157: {  	s31 =	rddreg [dreg:$0x10];
	[sflag:s7] =	ssyncadd.s32 $0xFFFF8000  }
0x158: {  	[tilespmem:s8], [sflag:$0x4] =	stream.linear.gather [hbm4b:s31+s2], $0x8000, $0x38;
	v63 =	vld [tilespmem:$0x0]  }
0x159: {  	_ =	swait.ge [sflag:s18], $0x8000  }
0x15a: {  	[sflag:s18] =	ssyncset.done $0x0  }
0x15b: {  	s1 =	rddreg [dreg:$0x11];
	[sflag:s18] =	ssyncadd.s32 $0xFFFF8000  }
0x15c: {  	[hbm4b:s1+s2] =	stream.linear.scatter [tilespmem:s13], [sflag:$0x6], $0x8000, $0x38;
	v63 =	vld [tilespmem:$0x0]  }
0x15d: {  	_ =	swait.ge [sflag:s6], $0x1000  }
0x15e: {  	[sflag:s6] =	ssyncset.done $0x0  }
0x15f: {  	s31 =	rddreg [dreg:$0x12];
	[sflag:s6] =	ssyncadd.s32 $0xFFFFF000  }
0x160: {  	[spmem:s25], [sflag:s20] =	dma.local [hbm:s31], $0x1000  }
0x161: {  	_ =	swait.ge [sflag:s16], $0x1000  }
0x162: {  	[sflag:s16] =	ssyncset.done $0x0  }
0x163: {  	s1 =	rddreg [dreg:$0x13];
	[sflag:s16] =	ssyncadd.s32 $0xFFFFF000  }
0x164: {  	[hbm:s1], [sflag:s26] =	dma.local [spmem:s11], $0x1000  }
0x165: {  	_ =	swait.ge [sflag:s5], $0x8000  }
0x166: {  	[sflag:s5] =	ssyncset.done $0x0  }
0x167: {  	s31 =	rddreg [dreg:$0x14];
	[sflag:s5] =	ssyncadd.s32 $0xFFFF8000  }
0x168: {  	[tilespmem:s13], [sflag:$0x2] =	stream.linear.gather [hbm4b:s31+s2], $0x8000, $0x38;
	v63 =	vld [tilespmem:$0x0]  }
0x169: {  	_ =	swait.ge [sflag:s15], $0x8000  }
0x16a: {  	[sflag:s15] =	ssyncset.done $0x0  }
0x16b: {  	s1 =	rddreg [dreg:$0x15];
	[sflag:s15] =	ssyncadd.s32 $0xFFFF8000  }
0x16c: {  	[hbm4b:s1+s2] =	stream.linear.scatter [tilespmem:s8], [sflag:$0x8], $0x8000, $0x38;
	v63 =	vld [tilespmem:$0x0]  }
0x16d: {  	_ =	swait.ge [sflag:s10], $0x1000  }
0x16e: {  	[sflag:s10] =	ssyncset.done $0x0  }
0x16f: {  	s31 =	rddreg [dreg:$0x16];
	[sflag:s10] =	ssyncadd.s32 $0xFFFFF000  }
0x170: {  	[spmem:s11], [sflag:s28] =	dma.local [hbm:s31], $0x1000  }
0x171: {  	_ =	swait.ge [sflag:s23], $0x1000  }
0x172: {  	[sflag:s23] =	ssyncset.done $0x0  }
0x173: {  	s1 =	rddreg [dreg:$0x17];
	[sflag:s23] =	ssyncadd.s32 $0xFFFFF000  }
0x174: {  	[hbm:s1], [sflag:s29] =	dma.local [spmem:s25], $0x1000  }
0x175: {  	_ =	swait.ge [sflag:s7], $0x8000  }
0x176: {  	[sflag:s7] =	ssyncset.done $0x0  }
0x177: {  	s31 =	rddreg [dreg:$0x18];
	[sflag:s7] =	ssyncadd.s32 $0xFFFF8000  }
0x178: {  	[tilespmem:s8], [sflag:$0x4] =	stream.linear.gather [hbm4b:s31+s2], $0x8000, $0x38;
	v63 =	vld [tilespmem:$0x0]  }
0x179: {  	_ =	swait.ge [sflag:s18], $0x8000  }
0x17a: {  	[sflag:s18] =	ssyncset.done $0x0  }
0x17b: {  	s1 =	rddreg [dreg:$0x19];
	[sflag:s18] =	ssyncadd.s32 $0xFFFF8000  }
0x17c: {  	[hbm4b:s1+s2] =	stream.linear.scatter [tilespmem:s13], [sflag:$0x6], $0x8000, $0x38;
	v63 =	vld [tilespmem:$0x0]  }
0x17d: {  	_ =	swait.ge [sflag:s6], $0x1000  }
0x17e: {  	[sflag:s6] =	ssyncset.done $0x0  }
0x17f: {  	[sflag:s6] =	ssyncadd.s32 $0xFFFFF000  }
0x180: {  	[spmem:s25], [sflag:s20] =	dma.local [hbm:s24], $0x1000  }
0x181: {  	_ =	swait.ge [sflag:s16], $0x1000  }
0x182: {  	[sflag:s16] =	ssyncset.done $0x0  }
0x183: {  	[sflag:s16] =	ssyncadd.s32 $0xFFFFF000  }
0x184: {  	[hbm:s22], [sflag:s26] =	dma.local [spmem:s11], $0x1000  }
0x185: {  	_ =	swait.ge [sflag:s5], $0x8000  }
0x186: {  	[sflag:s5] =	ssyncset.done $0x0  }
0x187: {  	[sflag:s5] =	ssyncadd.s32 $0xFFFF8000  }
0x188: {  	[tilespmem:s13], [sflag:$0x2] =	stream.linear.gather [hbm4b:s21+s2], $0x8000, $0x38;
	v63 =	vld [tilespmem:$0x0]  }
0x189: {  	_ =	swait.ge [sflag:s15], $0x8000  }
0x18a: {  	[sflag:s15] =	ssyncset.done $0x0  }
0x18b: {  	[sflag:s15] =	ssyncadd.s32 $0xFFFF8000  }
0x18c: {  	[hbm4b:s19+s2] =	stream.linear.scatter [tilespmem:s8], [sflag:$0x8], $0x8000, $0x38;
	v63 =	vld [tilespmem:$0x0]  }
0x18d: {  	_ =	swait.ge [sflag:s10], $0x1000  }
0x18e: {  	[sflag:s10] =	ssyncset.done $0x0  }
0x18f: {  	[sflag:s10] =	ssyncadd.s32 $0xFFFFF000  }
0x190: {  	[spmem:s11], [sflag:s28] =	dma.local [hbm:s17], $0x1000  }
0x191: {  	_ =	swait.ge [sflag:s23], $0x1000  }
0x192: {  	[sflag:s23] =	ssyncset.done $0x0  }
0x193: {  	[sflag:s23] =	ssyncadd.s32 $0xFFFFF000  }
0x194: {  	[hbm:s14], [sflag:s29] =	dma.local [spmem:s25], $0x1000  }
0x195: {  	_ =	swait.ge [sflag:s7], $0x8000  }
0x196: {  	[sflag:s7] =	ssyncset.done $0x0  }
0x197: {  	[sflag:s7] =	ssyncadd.s32 $0xFFFF8000  }
0x198: {  	[tilespmem:s8], [sflag:$0x4] =	stream.linear.gather [hbm4b:s12+s2], $0x8000, $0x38;
	v63 =	vld [tilespmem:$0x0]  }
0x199: {  	_ =	swait.ge [sflag:s18], $0x8000  }
0x19a: {  	[sflag:s18] =	ssyncset.done $0x0  }
0x19b: {  	[sflag:s18] =	ssyncadd.s32 $0xFFFF8000  }
0x19c: {  	[hbm4b:s9+s2] =	stream.linear.scatter [tilespmem:s13], [sflag:$0x6], $0x8000, $0x38;
	v63 =	vld [tilespmem:$0x0]  }
0x19d: {  	_ =	swait.ge [sflag:s16], $0x1000  }
0x19e: {  	[sflag:s16] =	ssyncset.done $0x0  }
0x19f: {  	[sflag:s16] =	ssyncadd.s32 $0xFFFFF000  }
0x1a0: {  	[hbm:s4], [sflag:s26] =	dma.local [spmem:s11], $0x1000  }
0x1a1: {  	_ =	swait.ge [sflag:s15], $0x8000  }
0x1a2: {  	[sflag:s15] =	ssyncset.done $0x0  }
0x1a3: {  	[sflag:s15] =	ssyncadd.s32 $0xFFFF8000  }
0x1a4: {  	[hbm4b:s3+s2] =	stream.linear.scatter [tilespmem:s8], [sflag:$0x8], $0x8000, $0x38;
	v63 =	vld [tilespmem:$0x0]  }
0x1a5: {  	_ =	swait.ge [sflag:s6], $0x1000  }
0x1a6: {  	[sflag:s6] =	ssyncset.done $0x0  }
0x1a7: {  	[sflag:s6] =	ssyncadd.s32 $0xFFFFF000  }
0x1a8: {  	_ =	swait.ge [sflag:s5], $0x8000  }
0x1a9: {  	[sflag:s5] =	ssyncset.done $0x0  }
0x1aa: {  	[sflag:s5] =	ssyncadd.s32 $0xFFFF8000  }
0x1ab: {  	_ =	swait.ge [sflag:s10], $0x1000  }
0x1ac: {  	[sflag:s10] =	ssyncset.done $0x0  }
0x1ad: {  	[sflag:s10] =	ssyncadd.s32 $0xFFFFF000  }
0x1ae: {  	_ =	swait.ge [sflag:s7], $0x8000  }
0x1af: {  	[sflag:s7] =	ssyncset.done $0x0  }
0x1b0: {  	[sflag:s7] =	ssyncadd.s32 $0xFFFF8000  }
0x1b1: {  	_ =	sfence.sel $0x180000  }
0x1b2: {  	s31 =	stileid.u32;
	[bflag:$0x0] =	sbarrier.arrive $0xFFFF  }
0x1b3: {  	p0 =	sne.s32 s31, $0x0;
	_ =	strace $0x9000004A  }
0x1b4: {  	s0 =	sadd.s32 @!p0 $0x100000, s30;
	[bflag:$0x2] =	sbarrier.arrive $0xFFFF  }
0x1b5: {  	[sflag:s0] =	ssyncadd.tile.s32 @!p0 $0x1;
	_ =	shalt  }
.LBB2_2:
.Ltmp3:
0x1b6: {  	(pc) =	sbr.rel .LBB2_5-.Ltmp3, $2  }
0x1b7: {  	_ =	sdelay $0x2  }
0x1b8: {  	s30 =	rddreg [dreg:$0x3]  }
.Lfunc_end2:
_tile_overlayer_lowered:
.L_overlay_start_2:
0x1b9: {  	(tag) =	ssettag $0x2  }
0x1ba: {  	s0 =	rddreg [dreg:$0x0];
	s2 =	stileid.u32  }
0x1bb: {  	s1 =	rddreg [dreg:$0x1];
	p0 =	sne.s32 s2, $0x0  }
0x1bc: {  	s3 =	rddreg [dreg:$0x2];
	[bflag:$0x3] =	sbarrier.arrive $0xFFFF;
	s2 =	simm.s32 @!p0 $0x1C09  }
0x1bd: {  	[timem:s3], [sflag:s2] =	dma.local @!p0 [hbm:s0], s1  }
0x1be: {  	s0 =	simm.s32 @!p0 $0x9  }
0x1bf: {  	_ =	swait.ge @!p0 [sflag:s0], s1  }
0x1c0: {  	s1 =	ssub.s32 @!p0 $0x0, s1;
	[sflag:s0] =	ssyncset.done @!p0 $0x0  }
0x1c1: {  	[sflag:s0] =	ssyncadd.s32 @!p0 s1  }
0x1c2: {  	[bflag:$0x3] =	sbarrier.arrive $0xFFFF  }
0x1c3: {  	_ =	shalt  }

</sc_bundles>
